<compile_context>
chip_gen: v7x
topology: tpu7x:2x2x1
jax: 0.10.2.dev20260603
libtpu: 0.0.44.dev20260713+nightly
codegen_flags: <defaults>
</compile_context>

<pallas_src>
import functools

import jax
import jax.numpy as jnp
from jax import lax
from jax.experimental import pallas as pl
from jax.experimental.pallas import tpu as pltpu
from jax.experimental.pallas import tpu_sc as plsc

NUM_WORKERS = 32
NUM_CORES = 2
LANE = 128
SUB = 8


@jax.jit
def _detile(tT, tail):
    d, v = tT.shape
    full = v // 128
    rem = v - full * 128
    dgs = d // SUB
    words = 128 * d
    per_w = (full + NUM_WORKERS - 1) // NUM_WORKERS
    n2 = (per_w + (per_w & 1)) // 2

    mesh = plsc.VectorSubcoreMesh(core_axis_name="c", subcore_axis_name="s")

    @functools.partial(
        pl.kernel,
        out_type=jax.ShapeDtypeStruct((v * d,), jnp.float32),
        mesh=mesh,
        scratch_types=[
            pltpu.VMEM((d, 128), jnp.float32),
            pltpu.VMEM((d, 128), jnp.float32),
            pltpu.VMEM((words,), jnp.float32),
            pltpu.VMEM((words,), jnp.float32),
            pltpu.SemaphoreType.DMA,
            pltpu.SemaphoreType.DMA,
            pltpu.SemaphoreType.DMA,
            pltpu.SemaphoreType.DMA,
        ],
        compiler_params=pltpu.CompilerParams(
            use_tc_tiling_on_sc=True, needs_layout_passes=False
        ),
    )
    def k(tT_hbm, tail_hbm, out_hbm, in0, in1, ob0, ob1, si0, si1, so0, so1):
        wid = lax.axis_index("s") * NUM_CORES + lax.axis_index("c")
        inb = (in0, in1)
        outb = (ob0, ob1)
        si = (si0, si1)
        so = (so0, so1)

        iota = lax.iota(jnp.int32, 16)

        def cidx(i):
            return jnp.minimum(wid * per_w + i, full - 1)

        def fire_in(i, p):
            c = cidx(i)
            pltpu.async_copy(
                tT_hbm.at[:, pl.ds(128 * c, 128)], inb[p], si[p]
            )

        def wait_in(p):
            pltpu.make_async_copy(
                tT_hbm.at[:, pl.ds(0, 128)], inb[p], si[p]
            ).wait()

        def fire_out(i, p):
            pltpu.async_copy(outb[p], out_hbm.at[pl.ds(words * cidx(i), words)], so[p])

        def wait_out(i, p):
            pltpu.make_async_copy(
                outb[p], out_hbm.at[pl.ds(words * cidx(i), words)], so[p]
            ).wait()

        def transpose(p, lgroups):
            ip, op = inb[p], outb[p]

            def tbody(sv, carry):
                for su in range(4):
                    s = 4 * sv + su
                    lv0 = (iota + s) & 15
                    lvd = lv0 * d + iota
                    for dg0 in range(dgs // 2):
                        base = iota + 16 * dg0 if dg0 else iota
                        dst0 = lvd + 16 * dg0 if dg0 else lvd
                        for l0 in range(0, 16 * lgroups, 16):
                            lv = lv0 + l0 if l0 else lv0
                            dst = dst0 + l0 * d if l0 else dst0
                            val = plsc.load_gather(ip, [base, lv])
                            plsc.store_scatter(op, [dst], val)
                return carry

            lax.fori_loop(0, 4, tbody, 0)

        fire_in(0, 0)
        fire_in(1, 1)

        def body(i2, carry):
            for p in range(2):
                i = 2 * i2 + p
                wait_in(p)

                @pl.when(i2 > 0)
                def _():
                    wait_out(i - 2, p)

                transpose(p, 8)
                fire_out(i, p)

                @pl.when(i + 2 < 2 * n2)
                def _():
                    fire_in(i + 2, p)
            return carry

        lax.fori_loop(0, n2, body, 0)
        wait_out(2 * n2 - 2, 0)
        wait_out(2 * n2 - 1, 1)

        if rem:
            @pl.when(wid == NUM_WORKERS - 1)
            def _():
                pltpu.sync_copy(tail_hbm, outb[0].at[pl.ds(0, rem * d)])
                pltpu.sync_copy(
                    outb[0].at[pl.ds(0, rem * d)],
                    out_hbm.at[pl.ds(words * full, rem * d)],
                )

    return k(tT, tail)


@functools.partial(jax.jit, static_argnames=("hist",))
def _embed(table, ids_raw, hist):
    d = table.shape[1]
    hgs, bbs = ids_raw.shape[0], ids_raw.shape[1]
    dgs = d // SUB

    mesh = plsc.VectorSubcoreMesh(core_axis_name="c", subcore_axis_name="s")

    @functools.partial(
        pl.kernel,
        out_type=jax.ShapeDtypeStruct((hist, dgs, bbs, SUB * LANE), jnp.float32),
        mesh=mesh,
        scratch_types=[
            pltpu.VMEM((hgs, SUB, LANE), jnp.int32),
            pltpu.VMEM((LANE, d), jnp.float32),
            pltpu.VMEM((LANE, d), jnp.float32),
            pltpu.VMEM((d * LANE,), jnp.float32),
            pltpu.VMEM((d * LANE,), jnp.float32),
            pltpu.SemaphoreType.DMA,
            pltpu.SemaphoreType.DMA,
            pltpu.SemaphoreType.DMA,
            pltpu.SemaphoreType.DMA,
        ],
        compiler_params=pltpu.CompilerParams(use_tc_tiling_on_sc=False, needs_layout_passes=False),
    )
    def k(table_hbm, ids_hbm, out_hbm, idx_v, rows0, rows1, t0, t1, sg0, sg1, ss0, ss1):
        wid = lax.axis_index("s") * NUM_CORES + lax.axis_index("c")
        rows = (rows0, rows1)
        tiles = (t0, t1)
        sg = (sg0, sg1)
        ss = (ss0, ss1)

        for hg in range(hgs):
            pltpu.sync_copy(ids_hbm.at[hg, wid], idx_v.at[hg])

        iota = lax.iota(jnp.int32, 16)

        def fire_gather(h, p):
            pltpu.async_copy(
                table_hbm.at[idx_v.at[h >> 3, h & 7]], rows[p], sg[p]
            )

        def wait_gather(p):
            pltpu.make_async_copy(table_hbm.at[idx_v.at[0, 0]], rows[p], sg[p]).wait()

        def fire_stores(h, p):
            for dg in range(dgs):
                pltpu.async_copy(
                    tiles[p].at[pl.ds(SUB * LANE * dg, SUB * LANE)],
                    out_hbm.at[h, dg, wid],
                    ss[p],
                )

        def wait_stores(h, p):
            for dg in range(dgs):
                pltpu.make_async_copy(
                    tiles[p].at[pl.ds(SUB * LANE * dg, SUB * LANE)],
                    out_hbm.at[h, dg, wid],
                    ss[p],
                ).wait()

        fire_gather(0, 0)
        fire_gather(1, 1)

        def body(h2, carry):
            for p in range(2):
                h = 2 * h2 + p
                wait_gather(p)

                @pl.when(h2 > 0)
                def _():
                    wait_stores(h - 2, p)

                rp, tp = rows[p], tiles[p]

                def tbody(sv, c):
                    for su in range(4):
                        s = 4 * sv + su
                        dvec = (iota + s) & 15
                        dsti = dvec * LANE + iota
                        for d0 in range(0, d, 16):
                            dv = dvec + d0 if d0 else dvec
                            for lg in range(LANE // 16):
                                bv = iota + 16 * lg if lg else iota
                                dst = dsti + (d0 * LANE + 16 * lg) if d0 or lg else dsti
                                v = plsc.load_gather(rp, [bv, dv])
                                plsc.store_scatter(tp, [dst], v)
                    return c

                lax.fori_loop(0, 4, tbody, 0)
                fire_stores(h, p)

                @pl.when(h + 2 < hist)
                def _():
                    fire_gather(h + 2, p)
            return carry

        lax.fori_loop(0, hist // 2, body, 0)
        wait_stores(hist - 2, 0)
        wait_stores(hist - 1, 1)

    return k(table, ids_raw)


def kernel(input_ids, embedding_table):
    bsz, hist = input_ids.shape
    d = embedding_table.shape[1]
    bbs, hgs = bsz // LANE, hist // SUB
    ids_raw = (
        input_ids.astype(jnp.int32)
        .reshape(bbs, LANE, hgs, SUB)
        .transpose(2, 0, 3, 1)
    )
    vocab = embedding_table.shape[0]
    rem = vocab % LANE
    tail = embedding_table[vocab - rem:].reshape(-1)
    table_rm = _detile(embedding_table.T, tail).reshape(embedding_table.shape)
    out4d = _embed(table_rm, ids_raw, hist)
    out5d = out4d.reshape(hist, d // SUB, bbs, SUB, LANE)
    return out5d.transpose(2, 4, 0, 1, 3).reshape(bsz, hist, d)

# --- scband reference (transcript-rebuilt; emitter-appended) ---
"""Pipeline reference for scband-input-encoder-87153476370456 (READ-ONLY COPY).

The authoritative reference and input builder live on the scoring server;
editing this copy changes nothing except your own understanding.
"""

import jax, jax.numpy as jnp
import numpy as np

VOCAB = 1000000
EMBED_DIM = 32
BATCH = 4096
HIST = 200

def setup_inputs(seed: int = 0) -> dict:
    key = jax.random.key(seed)
    k_idx, k_emb = jax.random.split(key)
    input_ids = jax.random.randint(k_idx, (BATCH, HIST), 0, VOCAB, dtype=jnp.int64 if jax.config.jax_enable_x64 else jnp.int32)
    embedding_table = jax.random.normal(k_emb, (VOCAB, EMBED_DIM), dtype=jnp.float32) * 0.02
    return {"input_ids": input_ids, "embedding_table": embedding_table}

def reference(input_ids, embedding_table):
    # Faithful translation of tf.keras.layers.Embedding lookup: table[input_ids]
    embed = jnp.take(embedding_table, input_ids, axis=0)
    return embed

if __name__ == "__main__":
    import jax
    _d = setup_inputs()
    print(jax.jit(kernel)(*tuple(_d.values())))

</pallas_src>

<mosaic_0001>
#map = affine_map<(d0, d1) -> (0, 0)>
#map1 = affine_map<(d0, d1) -> (0)>
module attributes {stable_mosaic.version = 14 : i64} {
  func.func @k(%arg0: i32, %arg1: i32, %arg2: memref<32x1000000xf32, #tpu.memory_space<hbm>>, %arg3: memref<2048xf32, #tpu.memory_space<hbm>>, %arg4: memref<32000000xf32, #tpu.memory_space<hbm>>, %arg5: memref<32x128xf32, #tpu.memory_space<vmem>>, %arg6: memref<32x128xf32, #tpu.memory_space<vmem>>, %arg7: memref<4096xf32, #tpu.memory_space<vmem>>, %arg8: memref<4096xf32, #tpu.memory_space<vmem>>, %arg9: memref<!tpu.dma_semaphore, #tpu.memory_space<semaphore_mem>>, %arg10: memref<!tpu.dma_semaphore, #tpu.memory_space<semaphore_mem>>, %arg11: memref<!tpu.dma_semaphore, #tpu.memory_space<semaphore_mem>>, %arg12: memref<!tpu.dma_semaphore, #tpu.memory_space<semaphore_mem>>) attributes {dimension_semantics = [#tpu.dimension_semantics<core_parallel>, #tpu.dimension_semantics<subcore_parallel>], iteration_bounds = array<i64: 2, 16>, scalar_prefetch = 0 : i64, scratch_operands = 8 : i64, tpu.core_type = #tpu.core_type<sc_vector_subcore>, window_params = [{transform_indices = #map}, {transform_indices = #map1}, {transform_indices = #map1}]} {
    %mul3A = arith.constant 2 : i32
    %mul3A_0 = arith.muli %arg1, %mul3A : i32
    %add3A = arith.addi %mul3A_0, %arg0 : i32
    %iota3A = tpu.iota {dimensions = array<i32: 0>} : vector<16xi32>
    %mul3A_1 = arith.constant 245 : i32
    %mul3A_2 = arith.muli %add3A, %mul3A_1 : i32
    %add3A_3 = arith.constant 0 : i32
    %add3A_4 = arith.addi %mul3A_2, %add3A_3 : i32
    %min3A = arith.constant 7811 : i32
    %min3A_5 = arith.minsi %add3A_4, %min3A : i32
    %mul3A_6 = arith.constant 128 : i32
    %mul3A_7 = arith.muli %mul3A_6, %min3A_5 : i32
    %dma_start3A = arith.constant 0 : i32
    %dma_start3A_8 = tpu.memref_slice %arg2[%dma_start3A, %mul3A_7] : memref<32x1000000xf32, #tpu.memory_space<hbm>> -> memref<32x128xf32, #tpu.memory_space<hbm>>
    %dma_start3A_9 = arith.constant 0 : i32
    %dma_start3A_10 = tpu.memref_slice %arg2[%dma_start3A_9, %mul3A_7] : memref<32x1000000xf32, #tpu.memory_space<hbm>> -> memref<32x128xf32, #tpu.memory_space<hbm>>
    tpu.enqueue_dma source(%dma_start3A_10 : memref<32x128xf32, #tpu.memory_space<hbm>>) target(%arg5 : memref<32x128xf32, #tpu.memory_space<vmem>>) target_semaphore(%arg9 : memref<!tpu.dma_semaphore, #tpu.memory_space<semaphore_mem>>)
    %mul3A_11 = arith.constant 245 : i32
    %mul3A_12 = arith.muli %add3A, %mul3A_11 : i32
    %add3A_13 = arith.constant 1 : i32
    %add3A_14 = arith.addi %mul3A_12, %add3A_13 : i32
    %min3A_15 = arith.constant 7811 : i32
    %min3A_16 = arith.minsi %add3A_14, %min3A_15 : i32
    %mul3A_17 = arith.constant 128 : i32
    %mul3A_18 = arith.muli %mul3A_17, %min3A_16 : i32
    %dma_start3A_19 = arith.constant 0 : i32
    %dma_start3A_20 = tpu.memref_slice %arg2[%dma_start3A_19, %mul3A_18] : memref<32x1000000xf32, #tpu.memory_space<hbm>> -> memref<32x128xf32, #tpu.memory_space<hbm>>
    %dma_start3A_21 = arith.constant 0 : i32
    %dma_start3A_22 = tpu.memref_slice %arg2[%dma_start3A_21, %mul3A_18] : memref<32x1000000xf32, #tpu.memory_space<hbm>> -> memref<32x128xf32, #tpu.memory_space<hbm>>
    tpu.enqueue_dma source(%dma_start3A_22 : memref<32x128xf32, #tpu.memory_space<hbm>>) target(%arg6 : memref<32x128xf32, #tpu.memory_space<vmem>>) target_semaphore(%arg10 : memref<!tpu.dma_semaphore, #tpu.memory_space<semaphore_mem>>)
    %scan3A = arith.constant 0 : i32
    %scan3A_23 = arith.constant 0 : i32
    %scan3A_24 = arith.constant 123 : i32
    %scan3A_25 = arith.addi %scan3A_23, %scan3A_24 : i32
    %scan3A_26 = arith.constant 1 : i32
    scf.for %scan3A_49 = %scan3A_23 to %scan3A_25 step %scan3A_26  : i32 {
      %mul3A_50 = arith.constant 2 : i32
      %mul3A_51 = arith.muli %mul3A_50, %scan3A_49 : i32
      %add3A_52 = arith.constant 0 : i32
      %add3A_53 = arith.addi %mul3A_51, %add3A_52 : i32
      %dma_wait3A_54 = arith.constant 0 : i32
      %dma_wait3A_55 = arith.constant 0 : i32
      %dma_wait3A_56 = tpu.memref_slice %arg2[%dma_wait3A_54, %dma_wait3A_55] : memref<32x1000000xf32, #tpu.memory_space<hbm>> -> memref<32x128xf32, #tpu.memory_space<hbm>>
      %dma_wait3A_57 = arith.constant 0 : i32
      %dma_wait3A_58 = arith.constant 0 : i32
      %dma_wait3A_59 = tpu.memref_slice %arg2[%dma_wait3A_57, %dma_wait3A_58] : memref<32x1000000xf32, #tpu.memory_space<hbm>> -> memref<32x128xf32, #tpu.memory_space<hbm>>
      tpu.wait_dma2 semaphore(%arg9 : memref<!tpu.dma_semaphore, #tpu.memory_space<semaphore_mem>>) src(%dma_wait3A_59 : memref<32x128xf32, #tpu.memory_space<hbm>>) dst(%arg5 : memref<32x128xf32, #tpu.memory_space<vmem>>)
      %gt3A = arith.constant 0 : i32
      %gt3A_60 = arith.cmpi sgt, %scan3A_49, %gt3A : i32
      %convert_element_type3A_61 = arith.extui %gt3A_60 : i1 to i32
      %cond3A_62 = arith.constant 0 : i32
      %cond3A_63 = arith.cmpi ne, %convert_element_type3A_61, %cond3A_62 : i32
      scf.if %cond3A_63 {
        %sub3A = arith.constant 2 : i32
        %sub3A_122 = arith.subi %add3A_53, %sub3A : i32
        %mul3A_123 = arith.constant 245 : i32
        %mul3A_124 = arith.muli %add3A, %mul3A_123 : i32
        %add3A_125 = arith.addi %mul3A_124, %sub3A_122 : i32
        %min3A_126 = arith.constant 7811 : i32
        %min3A_127 = arith.minsi %add3A_125, %min3A_126 : i32
        %mul3A_128 = arith.constant 4096 : i32
        %mul3A_129 = arith.muli %mul3A_128, %min3A_127 : i32
        %dma_wait3A_130 = tpu.memref_slice %arg4[%mul3A_129] : memref<32000000xf32, #tpu.memory_space<hbm>> -> memref<4096xf32, #tpu.memory_space<hbm>>
        %dma_wait3A_131 = tpu.memref_slice %arg4[%mul3A_129] : memref<32000000xf32, #tpu.memory_space<hbm>> -> memref<4096xf32, #tpu.memory_space<hbm>>
        tpu.wait_dma2 semaphore(%arg11 : memref<!tpu.dma_semaphore, #tpu.memory_space<semaphore_mem>>) src(%arg7 : memref<4096xf32, #tpu.memory_space<vmem>>) dst(%dma_wait3A_131 : memref<4096xf32, #tpu.memory_space<hbm>>)
      } else {
      }
      %scan3A_64 = arith.constant 0 : i32
      %scan3A_65 = arith.constant 0 : i32
      %scan3A_66 = arith.constant 4 : i32
      %scan3A_67 = arith.addi %scan3A_65, %scan3A_66 : i32
      %scan3A_68 = arith.constant 1 : i32
      scf.for %scan3A_122 = %scan3A_65 to %scan3A_67 step %scan3A_68  : i32 {
        %mul3A_123 = arith.constant 4 : i32
        %mul3A_124 = arith.muli %mul3A_123, %scan3A_122 : i32
        %add3A_125 = arith.constant 0 : i32
        %add3A_126 = arith.addi %mul3A_124, %add3A_125 : i32
        %add3A_127 = vector.broadcast %add3A_126 : i32 to vector<16xi32>
        %add3A_128 = arith.addi %iota3A, %add3A_127 : vector<16xi32>
        %and3A = arith.constant 15 : i32
        %and3A_129 = vector.broadcast %and3A : i32 to vector<16xi32>
        %and3A_130 = arith.andi %add3A_128, %and3A_129 : vector<16xi32>
        %mul3A_131 = arith.constant 32 : i32
        %mul3A_132 = vector.broadcast %mul3A_131 : i32 to vector<16xi32>
        %mul3A_133 = arith.muli %and3A_130, %mul3A_132 : vector<16xi32>
        %add3A_134 = arith.addi %mul3A_133, %iota3A : vector<16xi32>
        %gather3A = tpu.vector_load_idx %arg5[%iota3A, %and3A_130] : memref<32x128xf32, #tpu.memory_space<vmem>>[vector<16xi32>, vector<16xi32>], vector<16xf32>,
        tpu.vector_store_idx %arg7[%add3A_134], %gather3A : memref<4096xf32, #tpu.memory_space<vmem>>[vector<16xi32>], vector<16xf32>,
        %add3A_135 = arith.constant 16 : i32
        %add3A_136 = vector.broadcast %add3A_135 : i32 to vector<16xi32>
        %add3A_137 = arith.addi %and3A_130, %add3A_136 : vector<16xi32>
        %add3A_138 = arith.constant 512 : i32
        %add3A_139 = vector.broadcast %add3A_138 : i32 to vector<16xi32>
        %add3A_140 = arith.addi %add3A_134, %add3A_139 : vector<16xi32>
        %gather3A_141 = tpu.vector_load_idx %arg5[%iota3A, %add3A_137] : memref<32x128xf32, #tpu.memory_space<vmem>>[vector<16xi32>, vector<16xi32>], vector<16xf32>,
        tpu.vector_store_idx %arg7[%add3A_140], %gather3A_141 : memref<4096xf32, #tpu.memory_space<vmem>>[vector<16xi32>], vector<16xf32>,
        %add3A_142 = arith.constant 32 : i32
        %add3A_143 = vector.broadcast %add3A_142 : i32 to vector<16xi32>
        %add3A_144 = arith.addi %and3A_130, %add3A_143 : vector<16xi32>
        %add3A_145 = arith.constant 1024 : i32
        %add3A_146 = vector.broadcast %add3A_145 : i32 to vector<16xi32>
        %add3A_147 = arith.addi %add3A_134, %add3A_146 : vector<16xi32>
        %gather3A_148 = tpu.vector_load_idx %arg5[%iota3A, %add3A_144] : memref<32x128xf32, #tpu.memory_space<vmem>>[vector<16xi32>, vector<16xi32>], vector<16xf32>,
        tpu.vector_store_idx %arg7[%add3A_147], %gather3A_148 : memref<4096xf32, #tpu.memory_space<vmem>>[vector<16xi32>], vector<16xf32>,
        %add3A_149 = arith.constant 48 : i32
        %add3A_150 = vector.broadcast %add3A_149 : i32 to vector<16xi32>
        %add3A_151 = arith.addi %and3A_130, %add3A_150 : vector<16xi32>
        %add3A_152 = arith.constant 1536 : i32
        %add3A_153 = vector.broadcast %add3A_152 : i32 to vector<16xi32>
        %add3A_154 = arith.addi %add3A_134, %add3A_153 : vector<16xi32>
        %gather3A_155 = tpu.vector_load_idx %arg5[%iota3A, %add3A_151] : memref<32x128xf32, #tpu.memory_space<vmem>>[vector<16xi32>, vector<16xi32>], vector<16xf32>,
        tpu.vector_store_idx %arg7[%add3A_154], %gather3A_155 : memref<4096xf32, #tpu.memory_space<vmem>>[vector<16xi32>], vector<16xf32>,
        %add3A_156 = arith.constant 64 : i32
        %add3A_157 = vector.broadcast %add3A_156 : i32 to vector<16xi32>
        %add3A_158 = arith.addi %and3A_130, %add3A_157 : vector<16xi32>
        %add3A_159 = arith.constant 2048 : i32
        %add3A_160 = vector.broadcast %add3A_159 : i32 to vector<16xi32>
        %add3A_161 = arith.addi %add3A_134, %add3A_160 : vector<16xi32>
        %gather3A_162 = tpu.vector_load_idx %arg5[%iota3A, %add3A_158] : memref<32x128xf32, #tpu.memory_space<vmem>>[vector<16xi32>, vector<16xi32>], vector<16xf32>,
        tpu.vector_store_idx %arg7[%add3A_161], %gather3A_162 : memref<4096xf32, #tpu.memory_space<vmem>>[vector<16xi32>], vector<16xf32>,
        %add3A_163 = arith.constant 80 : i32
        %add3A_164 = vector.broadcast %add3A_163 : i32 to vector<16xi32>
        %add3A_165 = arith.addi %and3A_130, %add3A_164 : vector<16xi32>
        %add3A_166 = arith.constant 2560 : i32
        %add3A_167 = vector.broadcast %add3A_166 : i32 to vector<16xi32>
        %add3A_168 = arith.addi %add3A_134, %add3A_167 : vector<16xi32>
        %gather3A_169 = tpu.vector_load_idx %arg5[%iota3A, %add3A_165] : memref<32x128xf32, #tpu.memory_space<vmem>>[vector<16xi32>, vector<16xi32>], vector<16xf32>,
        tpu.vector_store_idx %arg7[%add3A_168], %gather3A_169 : memref<4096xf32, #tpu.memory_space<vmem>>[vector<16xi32>], vector<16xf32>,
        %add3A_170 = arith.constant 96 : i32
        %add3A_171 = vector.broadcast %add3A_170 : i32 to vector<16xi32>
        %add3A_172 = arith.addi %and3A_130, %add3A_171 : vector<16xi32>
        %add3A_173 = arith.constant 3072 : i32
        %add3A_174 = vector.broadcast %add3A_173 : i32 to vector<16xi32>
        %add3A_175 = arith.addi %add3A_134, %add3A_174 : vector<16xi32>
        %gather3A_176 = tpu.vector_load_idx %arg5[%iota3A, %add3A_172] : memref<32x128xf32, #tpu.memory_space<vmem>>[vector<16xi32>, vector<16xi32>], vector<16xf32>,
        tpu.vector_store_idx %arg7[%add3A_175], %gather3A_176 : memref<4096xf32, #tpu.memory_space<vmem>>[vector<16xi32>], vector<16xf32>,
        %add3A_177 = arith.constant 112 : i32
        %add3A_178 = vector.broadcast %add3A_177 : i32 to vector<16xi32>
        %add3A_179 = arith.addi %and3A_130, %add3A_178 : vector<16xi32>
        %add3A_180 = arith.constant 3584 : i32
        %add3A_181 = vector.broadcast %add3A_180 : i32 to vector<16xi32>
        %add3A_182 = arith.addi %add3A_134, %add3A_181 : vector<16xi32>
        %gather3A_183 = tpu.vector_load_idx %arg5[%iota3A, %add3A_179] : memref<32x128xf32, #tpu.memory_space<vmem>>[vector<16xi32>, vector<16xi32>], vector<16xf32>,
        tpu.vector_store_idx %arg7[%add3A_182], %gather3A_183 : memref<4096xf32, #tpu.memory_space<vmem>>[vector<16xi32>], vector<16xf32>,
        %add3A_184 = arith.constant 16 : i32
        %add3A_185 = vector.broadcast %add3A_184 : i32 to vector<16xi32>
        %add3A_186 = arith.addi %iota3A, %add3A_185 : vector<16xi32>
        %add3A_187 = arith.constant 16 : i32
        %add3A_188 = vector.broadcast %add3A_187 : i32 to vector<16xi32>
        %add3A_189 = arith.addi %add3A_134, %add3A_188 : vector<16xi32>
        %gather3A_190 = tpu.vector_load_idx %arg5[%add3A_186, %and3A_130] : memref<32x128xf32, #tpu.memory_space<vmem>>[vector<16xi32>, vector<16xi32>], vector<16xf32>,
        tpu.vector_store_idx %arg7[%add3A_189], %gather3A_190 : memref<4096xf32, #tpu.memory_space<vmem>>[vector<16xi32>], vector<16xf32>,
        %add3A_191 = arith.constant 16 : i32
        %add3A_192 = vector.broadcast %add3A_191 : i32 to vector<16xi32>
        %add3A_193 = arith.addi %and3A_130, %add3A_192 : vector<16xi32>
        %add3A_194 = arith.constant 512 : i32
        %add3A_195 = vector.broadcast %add3A_194 : i32 to vector<16xi32>
        %add3A_196 = arith.addi %add3A_189, %add3A_195 : vector<16xi32>
        %gather3A_197 = tpu.vector_load_idx %arg5[%add3A_186, %add3A_193] : memref<32x128xf32, #tpu.memory_space<vmem>>[vector<16xi32>, vector<16xi32>], vector<16xf32>,
        tpu.vector_store_idx %arg7[%add3A_196], %gather3A_197 : memref<4096xf32, #tpu.memory_space<vmem>>[vector<16xi32>], vector<16xf32>,
        %add3A_198 = arith.constant 32 : i32
        %add3A_199 = vector.broadcast %add3A_198 : i32 to vector<16xi32>
        %add3A_200 = arith.addi %and3A_130, %add3A_199 : vector<16xi32>
        %add3A_201 = arith.constant 1024 : i32
        %add3A_202 = vector.broadcast %add3A_201 : i32 to vector<16xi32>
        %add3A_203 = arith.addi %add3A_189, %add3A_202 : vector<16xi32>
        %gather3A_204 = tpu.vector_load_idx %arg5[%add3A_186, %add3A_200] : memref<32x128xf32, #tpu.memory_space<vmem>>[vector<16xi32>, vector<16xi32>], vector<16xf32>,
        tpu.vector_store_idx %arg7[%add3A_203], %gather3A_204 : memref<4096xf32, #tpu.memory_space<vmem>>[vector<16xi32>], vector<16xf32>,
        %add3A_205 = arith.constant 48 : i32
        %add3A_206 = vector.broadcast %add3A_205 : i32 to vector<16xi32>
        %add3A_207 = arith.addi %and3A_130, %add3A_206 : vector<16xi32>
        %add3A_208 = arith.constant 1536 : i32
        %add3A_209 = vector.broadcast %add3A_208 : i32 to vector<16xi32>
        %add3A_210 = arith.addi %add3A_189, %add3A_209 : vector<16xi32>
        %gather3A_211 = tpu.vector_load_idx %arg5[%add3A_186, %add3A_207] : memref<32x128xf32, #tpu.memory_space<vmem>>[vector<16xi32>, vector<16xi32>], vector<16xf32>,
        tpu.vector_store_idx %arg7[%add3A_210], %gather3A_211 : memref<4096xf32, #tpu.memory_space<vmem>>[vector<16xi32>], vector<16xf32>,
        %add3A_212 = arith.constant 64 : i32
        %add3A_213 = vector.broadcast %add3A_212 : i32 to vector<16xi32>
        %add3A_214 = arith.addi %and3A_130, %add3A_213 : vector<16xi32>
        %add3A_215 = arith.constant 2048 : i32
        %add3A_216 = vector.broadcast %add3A_215 : i32 to vector<16xi32>
        %add3A_217 = arith.addi %add3A_189, %add3A_216 : vector<16xi32>
        %gather3A_218 = tpu.vector_load_idx %arg5[%add3A_186, %add3A_214] : memref<32x128xf32, #tpu.memory_space<vmem>>[vector<16xi32>, vector<16xi32>], vector<16xf32>,
        tpu.vector_store_idx %arg7[%add3A_217], %gather3A_218 : memref<4096xf32, #tpu.memory_space<vmem>>[vector<16xi32>], vector<16xf32>,
        %add3A_219 = arith.constant 80 : i32
        %add3A_220 = vector.broadcast %add3A_219 : i32 to vector<16xi32>
        %add3A_221 = arith.addi %and3A_130, %add3A_220 : vector<16xi32>
        %add3A_222 = arith.constant 2560 : i32
        %add3A_223 = vector.broadcast %add3A_222 : i32 to vector<16xi32>
        %add3A_224 = arith.addi %add3A_189, %add3A_223 : vector<16xi32>
        %gather3A_225 = tpu.vector_load_idx %arg5[%add3A_186, %add3A_221] : memref<32x128xf32, #tpu.memory_space<vmem>>[vector<16xi32>, vector<16xi32>], vector<16xf32>,
        tpu.vector_store_idx %arg7[%add3A_224], %gather3A_225 : memref<4096xf32, #tpu.memory_space<vmem>>[vector<16xi32>], vector<16xf32>,
        %add3A_226 = arith.constant 96 : i32
        %add3A_227 = vector.broadcast %add3A_226 : i32 to vector<16xi32>
        %add3A_228 = arith.addi %and3A_130, %add3A_227 : vector<16xi32>
        %add3A_229 = arith.constant 3072 : i32
        %add3A_230 = vector.broadcast %add3A_229 : i32 to vector<16xi32>
        %add3A_231 = arith.addi %add3A_189, %add3A_230 : vector<16xi32>
        %gather3A_232 = tpu.vector_load_idx %arg5[%add3A_186, %add3A_228] : memref<32x128xf32, #tpu.memory_space<vmem>>[vector<16xi32>, vector<16xi32>], vector<16xf32>,
        tpu.vector_store_idx %arg7[%add3A_231], %gather3A_232 : memref<4096xf32, #tpu.memory_space<vmem>>[vector<16xi32>], vector<16xf32>,
        %add3A_233 = arith.constant 112 : i32
        %add3A_234 = vector.broadcast %add3A_233 : i32 to vector<16xi32>
        %add3A_235 = arith.addi %and3A_130, %add3A_234 : vector<16xi32>
        %add3A_236 = arith.constant 3584 : i32
        %add3A_237 = vector.broadcast %add3A_236 : i32 to vector<16xi32>
        %add3A_238 = arith.addi %add3A_189, %add3A_237 : vector<16xi32>
        %gather3A_239 = tpu.vector_load_idx %arg5[%add3A_186, %add3A_235] : memref<32x128xf32, #tpu.memory_space<vmem>>[vector<16xi32>, vector<16xi32>], vector<16xf32>,
        tpu.vector_store_idx %arg7[%add3A_238], %gather3A_239 : memref<4096xf32, #tpu.memory_space<vmem>>[vector<16xi32>], vector<16xf32>,
        %mul3A_240 = arith.constant 4 : i32
        %mul3A_241 = arith.muli %mul3A_240, %scan3A_122 : i32
        %add3A_242 = arith.constant 1 : i32
        %add3A_243 = arith.addi %mul3A_241, %add3A_242 : i32
        %add3A_244 = vector.broadcast %add3A_243 : i32 to vector<16xi32>
        %add3A_245 = arith.addi %iota3A, %add3A_244 : vector<16xi32>
        %and3A_246 = arith.constant 15 : i32
        %and3A_247 = vector.broadcast %and3A_246 : i32 to vector<16xi32>
        %and3A_248 = arith.andi %add3A_245, %and3A_247 : vector<16xi32>
        %mul3A_249 = arith.constant 32 : i32
        %mul3A_250 = vector.broadcast %mul3A_249 : i32 to vector<16xi32>
        %mul3A_251 = arith.muli %and3A_248, %mul3A_250 : vector<16xi32>
        %add3A_252 = arith.addi %mul3A_251, %iota3A : vector<16xi32>
        %gather3A_253 = tpu.vector_load_idx %arg5[%iota3A, %and3A_248] : memref<32x128xf32, #tpu.memory_space<vmem>>[vector<16xi32>, vector<16xi32>], vector<16xf32>,
        tpu.vector_store_idx %arg7[%add3A_252], %gather3A_253 : memref<4096xf32, #tpu.memory_space<vmem>>[vector<16xi32>], vector<16xf32>,
        %add3A_254 = arith.constant 16 : i32
        %add3A_255 = vector.broadcast %add3A_254 : i32 to vector<16xi32>
        %add3A_256 = arith.addi %and3A_248, %add3A_255 : vector<16xi32>
        %add3A_257 = arith.constant 512 : i32
        %add3A_258 = vector.broadcast %add3A_257 : i32 to vector<16xi32>
        %add3A_259 = arith.addi %add3A_252, %add3A_258 : vector<16xi32>
        %gather3A_260 = tpu.vector_load_idx %arg5[%iota3A, %add3A_256] : memref<32x128xf32, #tpu.memory_space<vmem>>[vector<16xi32>, vector<16xi32>], vector<16xf32>,
        tpu.vector_store_idx %arg7[%add3A_259], %gather3A_260 : memref<4096xf32, #tpu.memory_space<vmem>>[vector<16xi32>], vector<16xf32>,
        %add3A_261 = arith.constant 32 : i32
        %add3A_262 = vector.broadcast %add3A_261 : i32 to vector<16xi32>
        %add3A_263 = arith.addi %and3A_248, %add3A_262 : vector<16xi32>
        %add3A_264 = arith.constant 1024 : i32
        %add3A_265 = vector.broadcast %add3A_264 : i32 to vector<16xi32>
        %add3A_266 = arith.addi %add3A_252, %add3A_265 : vector<16xi32>
        %gather3A_267 = tpu.vector_load_idx %arg5[%iota3A, %add3A_263] : memref<32x128xf32, #tpu.memory_space<vmem>>[vector<16xi32>, vector<16xi32>], vector<16xf32>,
        tpu.vector_store_idx %arg7[%add3A_266], %gather3A_267 : memref<4096xf32, #tpu.memory_space<vmem>>[vector<16xi32>], vector<16xf32>,
        %add3A_268 = arith.constant 48 : i32
        %add3A_269 = vector.broadcast %add3A_268 : i32 to vector<16xi32>
        %add3A_270 = arith.addi %and3A_248, %add3A_269 : vector<16xi32>
        %add3A_271 = arith.constant 1536 : i32
        %add3A_272 = vector.broadcast %add3A_271 : i32 to vector<16xi32>
        %add3A_273 = arith.addi %add3A_252, %add3A_272 : vector<16xi32>
        %gather3A_274 = tpu.vector_load_idx %arg5[%iota3A, %add3A_270] : memref<32x128xf32, #tpu.memory_space<vmem>>[vector<16xi32>, vector<16xi32>], vector<16xf32>,
        tpu.vector_store_idx %arg7[%add3A_273], %gather3A_274 : memref<4096xf32, #tpu.memory_space<vmem>>[vector<16xi32>], vector<16xf32>,
        %add3A_275 = arith.constant 64 : i32
        %add3A_276 = vector.broadcast %add3A_275 : i32 to vector<16xi32>
        %add3A_277 = arith.addi %and3A_248, %add3A_276 : vector<16xi32>
        %add3A_278 = arith.constant 2048 : i32
        %add3A_279 = vector.broadcast %add3A_278 : i32 to vector<16xi32>
        %add3A_280 = arith.addi %add3A_252, %add3A_279 : vector<16xi32>
        %gather3A_281 = tpu.vector_load_idx %arg5[%iota3A, %add3A_277] : memref<32x128xf32, #tpu.memory_space<vmem>>[vector<16xi32>, vector<16xi32>], vector<16xf32>,
        tpu.vector_store_idx %arg7[%add3A_280], %gather3A_281 : memref<4096xf32, #tpu.memory_space<vmem>>[vector<16xi32>], vector<16xf32>,
        %add3A_282 = arith.constant 80 : i32
        %add3A_283 = vector.broadcast %add3A_282 : i32 to vector<16xi32>
        %add3A_284 = arith.addi %and3A_248, %add3A_283 : vector<16xi32>
        %add3A_285 = arith.constant 2560 : i32
        %add3A_286 = vector.broadcast %add3A_285 : i32 to vector<16xi32>
        %add3A_287 = arith.addi %add3A_252, %add3A_286 : vector<16xi32>
        %gather3A_288 = tpu.vector_load_idx %arg5[%iota3A, %add3A_284] : memref<32x128xf32, #tpu.memory_space<vmem>>[vector<16xi32>, vector<16xi32>], vector<16xf32>,
        tpu.vector_store_idx %arg7[%add3A_287], %gather3A_288 : memref<4096xf32, #tpu.memory_space<vmem>>[vector<16xi32>], vector<16xf32>,
        %add3A_289 = arith.constant 96 : i32
        %add3A_290 = vector.broadcast %add3A_289 : i32 to vector<16xi32>
        %add3A_291 = arith.addi %and3A_248, %add3A_290 : vector<16xi32>
        %add3A_292 = arith.constant 3072 : i32
        %add3A_293 = vector.broadcast %add3A_292 : i32 to vector<16xi32>
        %add3A_294 = arith.addi %add3A_252, %add3A_293 : vector<16xi32>
        %gather3A_295 = tpu.vector_load_idx %arg5[%iota3A, %add3A_291] : memref<32x128xf32, #tpu.memory_space<vmem>>[vector<16xi32>, vector<16xi32>], vector<16xf32>,
        tpu.vector_store_idx %arg7[%add3A_294], %gather3A_295 : memref<4096xf32, #tpu.memory_space<vmem>>[vector<16xi32>], vector<16xf32>,
        %add3A_296 = arith.constant 112 : i32
        %add3A_297 = vector.broadcast %add3A_296 : i32 to vector<16xi32>
        %add3A_298 = arith.addi %and3A_248, %add3A_297 : vector<16xi32>
        %add3A_299 = arith.constant 3584 : i32
        %add3A_300 = vector.broadcast %add3A_299 : i32 to vector<16xi32>
        %add3A_301 = arith.addi %add3A_252, %add3A_300 : vector<16xi32>
        %gather3A_302 = tpu.vector_load_idx %arg5[%iota3A, %add3A_298] : memref<32x128xf32, #tpu.memory_space<vmem>>[vector<16xi32>, vector<16xi32>], vector<16xf32>,
        tpu.vector_store_idx %arg7[%add3A_301], %gather3A_302 : memref<4096xf32, #tpu.memory_space<vmem>>[vector<16xi32>], vector<16xf32>,
        %add3A_303 = arith.constant 16 : i32
        %add3A_304 = vector.broadcast %add3A_303 : i32 to vector<16xi32>
        %add3A_305 = arith.addi %iota3A, %add3A_304 : vector<16xi32>
        %add3A_306 = arith.constant 16 : i32
        %add3A_307 = vector.broadcast %add3A_306 : i32 to vector<16xi32>
        %add3A_308 = arith.addi %add3A_252, %add3A_307 : vector<16xi32>
        %gather3A_309 = tpu.vector_load_idx %arg5[%add3A_305, %and3A_248] : memref<32x128xf32, #tpu.memory_space<vmem>>[vector<16xi32>, vector<16xi32>], vector<16xf32>,
        tpu.vector_store_idx %arg7[%add3A_308], %gather3A_309 : memref<4096xf32, #tpu.memory_space<vmem>>[vector<16xi32>], vector<16xf32>,
        %add3A_310 = arith.constant 16 : i32
        %add3A_311 = vector.broadcast %add3A_310 : i32 to vector<16xi32>
        %add3A_312 = arith.addi %and3A_248, %add3A_311 : vector<16xi32>
        %add3A_313 = arith.constant 512 : i32
        %add3A_314 = vector.broadcast %add3A_313 : i32 to vector<16xi32>
        %add3A_315 = arith.addi %add3A_308, %add3A_314 : vector<16xi32>
        %gather3A_316 = tpu.vector_load_idx %arg5[%add3A_305, %add3A_312] : memref<32x128xf32, #tpu.memory_space<vmem>>[vector<16xi32>, vector<16xi32>], vector<16xf32>,
        tpu.vector_store_idx %arg7[%add3A_315], %gather3A_316 : memref<4096xf32, #tpu.memory_space<vmem>>[vector<16xi32>], vector<16xf32>,
        %add3A_317 = arith.constant 32 : i32
        %add3A_318 = vector.broadcast %add3A_317 : i32 to vector<16xi32>
        %add3A_319 = arith.addi %and3A_248, %add3A_318 : vector<16xi32>
        %add3A_320 = arith.constant 1024 : i32
        %add3A_321 = vector.broadcast %add3A_320 : i32 to vector<16xi32>
        %add3A_322 = arith.addi %add3A_308, %add3A_321 : vector<16xi32>
        %gather3A_323 = tpu.vector_load_idx %arg5[%add3A_305, %add3A_319] : memref<32x128xf32, #tpu.memory_space<vmem>>[vector<16xi32>, vector<16xi32>], vector<16xf32>,
        tpu.vector_store_idx %arg7[%add3A_322], %gather3A_323 : memref<4096xf32, #tpu.memory_space<vmem>>[vector<16xi32>], vector<16xf32>,
        %add3A_324 = arith.constant 48 : i32
        %add3A_325 = vector.broadcast %add3A_324 : i32 to vector<16xi32>
        %add3A_326 = arith.addi %and3A_248, %add3A_325 : vector<16xi32>
        %add3A_327 = arith.constant 1536 : i32
        %add3A_328 = vector.broadcast %add3A_327 : i32 to vector<16xi32>
        %add3A_329 = arith.addi %add3A_308, %add3A_328 : vector<16xi32>
        %gather3A_330 = tpu.vector_load_idx %arg5[%add3A_305, %add3A_326] : memref<32x128xf32, #tpu.memory_space<vmem>>[vector<16xi32>, vector<16xi32>], vector<16xf32>,
        tpu.vector_store_idx %arg7[%add3A_329], %gather3A_330 : memref<4096xf32, #tpu.memory_space<vmem>>[vector<16xi32>], vector<16xf32>,
        %add3A_331 = arith.constant 64 : i32
        %add3A_332 = vector.broadcast %add3A_331 : i32 to vector<16xi32>
        %add3A_333 = arith.addi %and3A_248, %add3A_332 : vector<16xi32>
        %add3A_334 = arith.constant 2048 : i32
        %add3A_335 = vector.broadcast %add3A_334 : i32 to vector<16xi32>
        %add3A_336 = arith.addi %add3A_308, %add3A_335 : vector<16xi32>
        %gather3A_337 = tpu.vector_load_idx %arg5[%add3A_305, %add3A_333] : memref<32x128xf32, #tpu.memory_space<vmem>>[vector<16xi32>, vector<16xi32>], vector<16xf32>,
        tpu.vector_store_idx %arg7[%add3A_336], %gather3A_337 : memref<4096xf32, #tpu.memory_space<vmem>>[vector<16xi32>], vector<16xf32>,
        %add3A_338 = arith.constant 80 : i32
        %add3A_339 = vector.broadcast %add3A_338 : i32 to vector<16xi32>
        %add3A_340 = arith.addi %and3A_248, %add3A_339 : vector<16xi32>
        %add3A_341 = arith.constant 2560 : i32
        %add3A_342 = vector.broadcast %add3A_341 : i32 to vector<16xi32>
        %add3A_343 = arith.addi %add3A_308, %add3A_342 : vector<16xi32>
        %gather3A_344 = tpu.vector_load_idx %arg5[%add3A_305, %add3A_340] : memref<32x128xf32, #tpu.memory_space<vmem>>[vector<16xi32>, vector<16xi32>], vector<16xf32>,
        tpu.vector_store_idx %arg7[%add3A_343], %gather3A_344 : memref<4096xf32, #tpu.memory_space<vmem>>[vector<16xi32>], vector<16xf32>,
        %add3A_345 = arith.constant 96 : i32
        %add3A_346 = vector.broadcast %add3A_345 : i32 to vector<16xi32>
        %add3A_347 = arith.addi %and3A_248, %add3A_346 : vector<16xi32>
        %add3A_348 = arith.constant 3072 : i32
        %add3A_349 = vector.broadcast %add3A_348 : i32 to vector<16xi32>
        %add3A_350 = arith.addi %add3A_308, %add3A_349 : vector<16xi32>
        %gather3A_351 = tpu.vector_load_idx %arg5[%add3A_305, %add3A_347] : memref<32x128xf32, #tpu.memory_space<vmem>>[vector<16xi32>, vector<16xi32>], vector<16xf32>,
        tpu.vector_store_idx %arg7[%add3A_350], %gather3A_351 : memref<4096xf32, #tpu.memory_space<vmem>>[vector<16xi32>], vector<16xf32>,
        %add3A_352 = arith.constant 112 : i32
        %add3A_353 = vector.broadcast %add3A_352 : i32 to vector<16xi32>
        %add3A_354 = arith.addi %and3A_248, %add3A_353 : vector<16xi32>
        %add3A_355 = arith.constant 3584 : i32
        %add3A_356 = vector.broadcast %add3A_355 : i32 to vector<16xi32>
        %add3A_357 = arith.addi %add3A_308, %add3A_356 : vector<16xi32>
        %gather3A_358 = tpu.vector_load_idx %arg5[%add3A_305, %add3A_354] : memref<32x128xf32, #tpu.memory_space<vmem>>[vector<16xi32>, vector<16xi32>], vector<16xf32>,
        tpu.vector_store_idx %arg7[%add3A_357], %gather3A_358 : memref<4096xf32, #tpu.memory_space<vmem>>[vector<16xi32>], vector<16xf32>,
        %mul3A_359 = arith.constant 4 : i32
        %mul3A_360 = arith.muli %mul3A_359, %scan3A_122 : i32
        %add3A_361 = arith.constant 2 : i32
        %add3A_362 = arith.addi %mul3A_360, %add3A_361 : i32
        %add3A_363 = vector.broadcast %add3A_362 : i32 to vector<16xi32>
        %add3A_364 = arith.addi %iota3A, %add3A_363 : vector<16xi32>
        %and3A_365 = arith.constant 15 : i32
        %and3A_366 = vector.broadcast %and3A_365 : i32 to vector<16xi32>
        %and3A_367 = arith.andi %add3A_364, %and3A_366 : vector<16xi32>
        %mul3A_368 = arith.constant 32 : i32
        %mul3A_369 = vector.broadcast %mul3A_368 : i32 to vector<16xi32>
        %mul3A_370 = arith.muli %and3A_367, %mul3A_369 : vector<16xi32>
        %add3A_371 = arith.addi %mul3A_370, %iota3A : vector<16xi32>
        %gather3A_372 = tpu.vector_load_idx %arg5[%iota3A, %and3A_367] : memref<32x128xf32, #tpu.memory_space<vmem>>[vector<16xi32>, vector<16xi32>], vector<16xf32>,
        tpu.vector_store_idx %arg7[%add3A_371], %gather3A_372 : memref<4096xf32, #tpu.memory_space<vmem>>[vector<16xi32>], vector<16xf32>,
        %add3A_373 = arith.constant 16 : i32
        %add3A_374 = vector.broadcast %add3A_373 : i32 to vector<16xi32>
        %add3A_375 = arith.addi %and3A_367, %add3A_374 : vector<16xi32>
        %add3A_376 = arith.constant 512 : i32
        %add3A_377 = vector.broadcast %add3A_376 : i32 to vector<16xi32>
        %add3A_378 = arith.addi %add3A_371, %add3A_377 : vector<16xi32>
        %gather3A_379 = tpu.vector_load_idx %arg5[%iota3A, %add3A_375] : memref<32x128xf32, #tpu.memory_space<vmem>>[vector<16xi32>, vector<16xi32>], vector<16xf32>,
        tpu.vector_store_idx %arg7[%add3A_378], %gather3A_379 : memref<4096xf32, #tpu.memory_space<vmem>>[vector<16xi32>], vector<16xf32>,
        %add3A_380 = arith.constant 32 : i32
        %add3A_381 = vector.broadcast %add3A_380 : i32 to vector<16xi32>
        %add3A_382 = arith.addi %and3A_367, %add3A_381 : vector<16xi32>
        %add3A_383 = arith.constant 1024 : i32
        %add3A_384 = vector.broadcast %add3A_383 : i32 to vector<16xi32>
        %add3A_385 = arith.addi %add3A_371, %add3A_384 : vector<16xi32>
        %gather3A_386 = tpu.vector_load_idx %arg5[%iota3A, %add3A_382] : memref<32x128xf32, #tpu.memory_space<vmem>>[vector<16xi32>, vector<16xi32>], vector<16xf32>,
        tpu.vector_store_idx %arg7[%add3A_385], %gather3A_386 : memref<4096xf32, #tpu.memory_space<vmem>>[vector<16xi32>], vector<16xf32>,
        %add3A_387 = arith.constant 48 : i32
        %add3A_388 = vector.broadcast %add3A_387 : i32 to vector<16xi32>
        %add3A_389 = arith.addi %and3A_367, %add3A_388 : vector<16xi32>
        %add3A_390 = arith.constant 1536 : i32
        %add3A_391 = vector.broadcast %add3A_390 : i32 to vector<16xi32>
        %add3A_392 = arith.addi %add3A_371, %add3A_391 : vector<16xi32>
        %gather3A_393 = tpu.vector_load_idx %arg5[%iota3A, %add3A_389] : memref<32x128xf32, #tpu.memory_space<vmem>>[vector<16xi32>, vector<16xi32>], vector<16xf32>,
        tpu.vector_store_idx %arg7[%add3A_392], %gather3A_393 : memref<4096xf32, #tpu.memory_space<vmem>>[vector<16xi32>], vector<16xf32>,
        %add3A_394 = arith.constant 64 : i32
        %add3A_395 = vector.broadcast %add3A_394 : i32 to vector<16xi32>
        %add3A_396 = arith.addi %and3A_367, %add3A_395 : vector<16xi32>
        %add3A_397 = arith.constant 2048 : i32
        %add3A_398 = vector.broadcast %add3A_397 : i32 to vector<16xi32>
        %add3A_399 = arith.addi %add3A_371, %add3A_398 : vector<16xi32>
        %gather3A_400 = tpu.vector_load_idx %arg5[%iota3A, %add3A_396] : memref<32x128xf32, #tpu.memory_space<vmem>>[vector<16xi32>, vector<16xi32>], vector<16xf32>,
        tpu.vector_store_idx %arg7[%add3A_399], %gather3A_400 : memref<4096xf32, #tpu.memory_space<vmem>>[vector<16xi32>], vector<16xf32>,
        %add3A_401 = arith.constant 80 : i32
        %add3A_402 = vector.broadcast %add3A_401 : i32 to vector<16xi32>
        %add3A_403 = arith.addi %and3A_367, %add3A_402 : vector<16xi32>
        %add3A_404 = arith.constant 2560 : i32
        %add3A_405 = vector.broadcast %add3A_404 : i32 to vector<16xi32>
        %add3A_406 = arith.addi %add3A_371, %add3A_405 : vector<16xi32>
        %gather3A_407 = tpu.vector_load_idx %arg5[%iota3A, %add3A_403] : memref<32x128xf32, #tpu.memory_space<vmem>>[vector<16xi32>, vector<16xi32>], vector<16xf32>,
        tpu.vector_store_idx %arg7[%add3A_406], %gather3A_407 : memref<4096xf32, #tpu.memory_space<vmem>>[vector<16xi32>], vector<16xf32>,
        %add3A_408 = arith.constant 96 : i32
        %add3A_409 = vector.broadcast %add3A_408 : i32 to vector<16xi32>
        %add3A_410 = arith.addi %and3A_367, %add3A_409 : vector<16xi32>
        %add3A_411 = arith.constant 3072 : i32
        %add3A_412 = vector.broadcast %add3A_411 : i32 to vector<16xi32>
        %add3A_413 = arith.addi %add3A_371, %add3A_412 : vector<16xi32>
        %gather3A_414 = tpu.vector_load_idx %arg5[%iota3A, %add3A_410] : memref<32x128xf32, #tpu.memory_space<vmem>>[vector<16xi32>, vector<16xi32>], vector<16xf32>,
        tpu.vector_store_idx %arg7[%add3A_413], %gather3A_414 : memref<4096xf32, #tpu.memory_space<vmem>>[vector<16xi32>], vector<16xf32>,
        %add3A_415 = arith.constant 112 : i32
        %add3A_416 = vector.broadcast %add3A_415 : i32 to vector<16xi32>
        %add3A_417 = arith.addi %and3A_367, %add3A_416 : vector<16xi32>
        %add3A_418 = arith.constant 3584 : i32
        %add3A_419 = vector.broadcast %add3A_418 : i32 to vector<16xi32>
        %add3A_420 = arith.addi %add3A_371, %add3A_419 : vector<16xi32>
        %gather3A_421 = tpu.vector_load_idx %arg5[%iota3A, %add3A_417] : memref<32x128xf32, #tpu.memory_space<vmem>>[vector<16xi32>, vector<16xi32>], vector<16xf32>,
        tpu.vector_store_idx %arg7[%add3A_420], %gather3A_421 : memref<4096xf32, #tpu.memory_space<vmem>>[vector<16xi32>], vector<16xf32>,
        %add3A_422 = arith.constant 16 : i32
        %add3A_423 = vector.broadcast %add3A_422 : i32 to vector<16xi32>
        %add3A_424 = arith.addi %iota3A, %add3A_423 : vector<16xi32>
        %add3A_425 = arith.constant 16 : i32
        %add3A_426 = vector.broadcast %add3A_425 : i32 to vector<16xi32>
        %add3A_427 = arith.addi %add3A_371, %add3A_426 : vector<16xi32>
        %gather3A_428 = tpu.vector_load_idx %arg5[%add3A_424, %and3A_367] : memref<32x128xf32, #tpu.memory_space<vmem>>[vector<16xi32>, vector<16xi32>], vector<16xf32>,
        tpu.vector_store_idx %arg7[%add3A_427], %gather3A_428 : memref<4096xf32, #tpu.memory_space<vmem>>[vector<16xi32>], vector<16xf32>,
        %add3A_429 = arith.constant 16 : i32
        %add3A_430 = vector.broadcast %add3A_429 : i32 to vector<16xi32>
        %add3A_431 = arith.addi %and3A_367, %add3A_430 : vector<16xi32>
        %add3A_432 = arith.constant 512 : i32
        %add3A_433 = vector.broadcast %add3A_432 : i32 to vector<16xi32>
        %add3A_434 = arith.addi %add3A_427, %add3A_433 : vector<16xi32>
        %gather3A_435 = tpu.vector_load_idx %arg5[%add3A_424, %add3A_431] : memref<32x128xf32, #tpu.memory_space<vmem>>[vector<16xi32>, vector<16xi32>], vector<16xf32>,
        tpu.vector_store_idx %arg7[%add3A_434], %gather3A_435 : memref<4096xf32, #tpu.memory_space<vmem>>[vector<16xi32>], vector<16xf32>,
        %add3A_436 = arith.constant 32 : i32
        %add3A_437 = vector.broadcast %add3A_436 : i32 to vector<16xi32>
        %add3A_438 = arith.addi %and3A_367, %add3A_437 : vector<16xi32>
        %add3A_439 = arith.constant 1024 : i32
        %add3A_440 = vector.broadcast %add3A_439 : i32 to vector<16xi32>
        %add3A_441 = arith.addi %add3A_427, %add3A_440 : vector<16xi32>
        %gather3A_442 = tpu.vector_load_idx %arg5[%add3A_424, %add3A_438] : memref<32x128xf32, #tpu.memory_space<vmem>>[vector<16xi32>, vector<16xi32>], vector<16xf32>,
        tpu.vector_store_idx %arg7[%add3A_441], %gather3A_442 : memref<4096xf32, #tpu.memory_space<vmem>>[vector<16xi32>], vector<16xf32>,
        %add3A_443 = arith.constant 48 : i32
        %add3A_444 = vector.broadcast %add3A_443 : i32 to vector<16xi32>
        %add3A_445 = arith.addi %and3A_367, %add3A_444 : vector<16xi32>
        %add3A_446 = arith.constant 1536 : i32
        %add3A_447 = vector.broadcast %add3A_446 : i32 to vector<16xi32>
        %add3A_448 = arith.addi %add3A_427, %add3A_447 : vector<16xi32>
        %gather3A_449 = tpu.vector_load_idx %arg5[%add3A_424, %add3A_445] : memref<32x128xf32, #tpu.memory_space<vmem>>[vector<16xi32>, vector<16xi32>], vector<16xf32>,
        tpu.vector_store_idx %arg7[%add3A_448], %gather3A_449 : memref<4096xf32, #tpu.memory_space<vmem>>[vector<16xi32>], vector<16xf32>,
        %add3A_450 = arith.constant 64 : i32
        %add3A_451 = vector.broadcast %add3A_450 : i32 to vector<16xi32>
        %add3A_452 = arith.addi %and3A_367, %add3A_451 : vector<16xi32>
        %add3A_453 = arith.constant 2048 : i32
        %add3A_454 = vector.broadcast %add3A_453 : i32 to vector<16xi32>
        %add3A_455 = arith.addi %add3A_427, %add3A_454 : vector<16xi32>
        %gather3A_456 = tpu.vector_load_idx %arg5[%add3A_424, %add3A_452] : memref<32x128xf32, #tpu.memory_space<vmem>>[vector<16xi32>, vector<16xi32>], vector<16xf32>,
        tpu.vector_store_idx %arg7[%add3A_455], %gather3A_456 : memref<4096xf32, #tpu.memory_space<vmem>>[vector<16xi32>], vector<16xf32>,
        %add3A_457 = arith.constant 80 : i32
        %add3A_458 = vector.broadcast %add3A_457 : i32 to vector<16xi32>
        %add3A_459 = arith.addi %and3A_367, %add3A_458 : vector<16xi32>
        %add3A_460 = arith.constant 2560 : i32
        %add3A_461 = vector.broadcast %add3A_460 : i32 to vector<16xi32>
        %add3A_462 = arith.addi %add3A_427, %add3A_461 : vector<16xi32>
        %gather3A_463 = tpu.vector_load_idx %arg5[%add3A_424, %add3A_459] : memref<32x128xf32, #tpu.memory_space<vmem>>[vector<16xi32>, vector<16xi32>], vector<16xf32>,
        tpu.vector_store_idx %arg7[%add3A_462], %gather3A_463 : memref<4096xf32, #tpu.memory_space<vmem>>[vector<16xi32>], vector<16xf32>,
        %add3A_464 = arith.constant 96 : i32
        %add3A_465 = vector.broadcast %add3A_464 : i32 to vector<16xi32>
        %add3A_466 = arith.addi %and3A_367, %add3A_465 : vector<16xi32>
        %add3A_467 = arith.constant 3072 : i32
        %add3A_468 = vector.broadcast %add3A_467 : i32 to vector<16xi32>
        %add3A_469 = arith.addi %add3A_427, %add3A_468 : vector<16xi32>
        %gather3A_470 = tpu.vector_load_idx %arg5[%add3A_424, %add3A_466] : memref<32x128xf32, #tpu.memory_space<vmem>>[vector<16xi32>, vector<16xi32>], vector<16xf32>,
        tpu.vector_store_idx %arg7[%add3A_469], %gather3A_470 : memref<4096xf32, #tpu.memory_space<vmem>>[vector<16xi32>], vector<16xf32>,
        %add3A_471 = arith.constant 112 : i32
        %add3A_472 = vector.broadcast %add3A_471 : i32 to vector<16xi32>
        %add3A_473 = arith.addi %and3A_367, %add3A_472 : vector<16xi32>
        %add3A_474 = arith.constant 3584 : i32
        %add3A_475 = vector.broadcast %add3A_474 : i32 to vector<16xi32>
        %add3A_476 = arith.addi %add3A_427, %add3A_475 : vector<16xi32>
        %gather3A_477 = tpu.vector_load_idx %arg5[%add3A_424, %add3A_473] : memref<32x128xf32, #tpu.memory_space<vmem>>[vector<16xi32>, vector<16xi32>], vector<16xf32>,
        tpu.vector_store_idx %arg7[%add3A_476], %gather3A_477 : memref<4096xf32, #tpu.memory_space<vmem>>[vector<16xi32>], vector<16xf32>,
        %mul3A_478 = arith.constant 4 : i32
        %mul3A_479 = arith.muli %mul3A_478, %scan3A_122 : i32
        %add3A_480 = arith.constant 3 : i32
        %add3A_481 = arith.addi %mul3A_479, %add3A_480 : i32
        %add3A_482 = vector.broadcast %add3A_481 : i32 to vector<16xi32>
        %add3A_483 = arith.addi %iota3A, %add3A_482 : vector<16xi32>
        %and3A_484 = arith.constant 15 : i32
        %and3A_485 = vector.broadcast %and3A_484 : i32 to vector<16xi32>
        %and3A_486 = arith.andi %add3A_483, %and3A_485 : vector<16xi32>
        %mul3A_487 = arith.constant 32 : i32
        %mul3A_488 = vector.broadcast %mul3A_487 : i32 to vector<16xi32>
        %mul3A_489 = arith.muli %and3A_486, %mul3A_488 : vector<16xi32>
        %add3A_490 = arith.addi %mul3A_489, %iota3A : vector<16xi32>
        %gather3A_491 = tpu.vector_load_idx %arg5[%iota3A, %and3A_486] : memref<32x128xf32, #tpu.memory_space<vmem>>[vector<16xi32>, vector<16xi32>], vector<16xf32>,
        tpu.vector_store_idx %arg7[%add3A_490], %gather3A_491 : memref<4096xf32, #tpu.memory_space<vmem>>[vector<16xi32>], vector<16xf32>,
        %add3A_492 = arith.constant 16 : i32
        %add3A_493 = vector.broadcast %add3A_492 : i32 to vector<16xi32>
        %add3A_494 = arith.addi %and3A_486, %add3A_493 : vector<16xi32>
        %add3A_495 = arith.constant 512 : i32
        %add3A_496 = vector.broadcast %add3A_495 : i32 to vector<16xi32>
        %add3A_497 = arith.addi %add3A_490, %add3A_496 : vector<16xi32>
        %gather3A_498 = tpu.vector_load_idx %arg5[%iota3A, %add3A_494] : memref<32x128xf32, #tpu.memory_space<vmem>>[vector<16xi32>, vector<16xi32>], vector<16xf32>,
        tpu.vector_store_idx %arg7[%add3A_497], %gather3A_498 : memref<4096xf32, #tpu.memory_space<vmem>>[vector<16xi32>], vector<16xf32>,
        %add3A_499 = arith.constant 32 : i32
        %add3A_500 = vector.broadcast %add3A_499 : i32 to vector<16xi32>
        %add3A_501 = arith.addi %and3A_486, %add3A_500 : vector<16xi32>
        %add3A_502 = arith.constant 1024 : i32
        %add3A_503 = vector.broadcast %add3A_502 : i32 to vector<16xi32>
        %add3A_504 = arith.addi %add3A_490, %add3A_503 : vector<16xi32>
        %gather3A_505 = tpu.vector_load_idx %arg5[%iota3A, %add3A_501] : memref<32x128xf32, #tpu.memory_space<vmem>>[vector<16xi32>, vector<16xi32>], vector<16xf32>,
        tpu.vector_store_idx %arg7[%add3A_504], %gather3A_505 : memref<4096xf32, #tpu.memory_space<vmem>>[vector<16xi32>], vector<16xf32>,
        %add3A_506 = arith.constant 48 : i32
        %add3A_507 = vector.broadcast %add3A_506 : i32 to vector<16xi32>
        %add3A_508 = arith.addi %and3A_486, %add3A_507 : vector<16xi32>
        %add3A_509 = arith.constant 1536 : i32
        %add3A_510 = vector.broadcast %add3A_509 : i32 to vector<16xi32>
        %add3A_511 = arith.addi %add3A_490, %add3A_510 : vector<16xi32>
        %gather3A_512 = tpu.vector_load_idx %arg5[%iota3A, %add3A_508] : memref<32x128xf32, #tpu.memory_space<vmem>>[vector<16xi32>, vector<16xi32>], vector<16xf32>,
        tpu.vector_store_idx %arg7[%add3A_511], %gather3A_512 : memref<4096xf32, #tpu.memory_space<vmem>>[vector<16xi32>], vector<16xf32>,
        %add3A_513 = arith.constant 64 : i32
        %add3A_514 = vector.broadcast %add3A_513 : i32 to vector<16xi32>
        %add3A_515 = arith.addi %and3A_486, %add3A_514 : vector<16xi32>
        %add3A_516 = arith.constant 2048 : i32
        %add3A_517 = vector.broadcast %add3A_516 : i32 to vector<16xi32>
        %add3A_518 = arith.addi %add3A_490, %add3A_517 : vector<16xi32>
        %gather3A_519 = tpu.vector_load_idx %arg5[%iota3A, %add3A_515] : memref<32x128xf32, #tpu.memory_space<vmem>>[vector<16xi32>, vector<16xi32>], vector<16xf32>,
        tpu.vector_store_idx %arg7[%add3A_518], %gather3A_519 : memref<4096xf32, #tpu.memory_space<vmem>>[vector<16xi32>], vector<16xf32>,
        %add3A_520 = arith.constant 80 : i32
        %add3A_521 = vector.broadcast %add3A_520 : i32 to vector<16xi32>
        %add3A_522 = arith.addi %and3A_486, %add3A_521 : vector<16xi32>
        %add3A_523 = arith.constant 2560 : i32
        %add3A_524 = vector.broadcast %add3A_523 : i32 to vector<16xi32>
        %add3A_525 = arith.addi %add3A_490, %add3A_524 : vector<16xi32>
        %gather3A_526 = tpu.vector_load_idx %arg5[%iota3A, %add3A_522] : memref<32x128xf32, #tpu.memory_space<vmem>>[vector<16xi32>, vector<16xi32>], vector<16xf32>,
        tpu.vector_store_idx %arg7[%add3A_525], %gather3A_526 : memref<4096xf32, #tpu.memory_space<vmem>>[vector<16xi32>], vector<16xf32>,
        %add3A_527 = arith.constant 96 : i32
        %add3A_528 = vector.broadcast %add3A_527 : i32 to vector<16xi32>
        %add3A_529 = arith.addi %and3A_486, %add3A_528 : vector<16xi32>
        %add3A_530 = arith.constant 3072 : i32
        %add3A_531 = vector.broadcast %add3A_530 : i32 to vector<16xi32>
        %add3A_532 = arith.addi %add3A_490, %add3A_531 : vector<16xi32>
        %gather3A_533 = tpu.vector_load_idx %arg5[%iota3A, %add3A_529] : memref<32x128xf32, #tpu.memory_space<vmem>>[vector<16xi32>, vector<16xi32>], vector<16xf32>,
        tpu.vector_store_idx %arg7[%add3A_532], %gather3A_533 : memref<4096xf32, #tpu.memory_space<vmem>>[vector<16xi32>], vector<16xf32>,
        %add3A_534 = arith.constant 112 : i32
        %add3A_535 = vector.broadcast %add3A_534 : i32 to vector<16xi32>
        %add3A_536 = arith.addi %and3A_486, %add3A_535 : vector<16xi32>
        %add3A_537 = arith.constant 3584 : i32
        %add3A_538 = vector.broadcast %add3A_537 : i32 to vector<16xi32>
        %add3A_539 = arith.addi %add3A_490, %add3A_538 : vector<16xi32>
        %gather3A_540 = tpu.vector_load_idx %arg5[%iota3A, %add3A_536] : memref<32x128xf32, #tpu.memory_space<vmem>>[vector<16xi32>, vector<16xi32>], vector<16xf32>,
        tpu.vector_store_idx %arg7[%add3A_539], %gather3A_540 : memref<4096xf32, #tpu.memory_space<vmem>>[vector<16xi32>], vector<16xf32>,
        %add3A_541 = arith.constant 16 : i32
        %add3A_542 = vector.broadcast %add3A_541 : i32 to vector<16xi32>
        %add3A_543 = arith.addi %iota3A, %add3A_542 : vector<16xi32>
        %add3A_544 = arith.constant 16 : i32
        %add3A_545 = vector.broadcast %add3A_544 : i32 to vector<16xi32>
        %add3A_546 = arith.addi %add3A_490, %add3A_545 : vector<16xi32>
        %gather3A_547 = tpu.vector_load_idx %arg5[%add3A_543, %and3A_486] : memref<32x128xf32, #tpu.memory_space<vmem>>[vector<16xi32>, vector<16xi32>], vector<16xf32>,
        tpu.vector_store_idx %arg7[%add3A_546], %gather3A_547 : memref<4096xf32, #tpu.memory_space<vmem>>[vector<16xi32>], vector<16xf32>,
        %add3A_548 = arith.constant 16 : i32
        %add3A_549 = vector.broadcast %add3A_548 : i32 to vector<16xi32>
        %add3A_550 = arith.addi %and3A_486, %add3A_549 : vector<16xi32>
        %add3A_551 = arith.constant 512 : i32
        %add3A_552 = vector.broadcast %add3A_551 : i32 to vector<16xi32>
        %add3A_553 = arith.addi %add3A_546, %add3A_552 : vector<16xi32>
        %gather3A_554 = tpu.vector_load_idx %arg5[%add3A_543, %add3A_550] : memref<32x128xf32, #tpu.memory_space<vmem>>[vector<16xi32>, vector<16xi32>], vector<16xf32>,
        tpu.vector_store_idx %arg7[%add3A_553], %gather3A_554 : memref<4096xf32, #tpu.memory_space<vmem>>[vector<16xi32>], vector<16xf32>,
        %add3A_555 = arith.constant 32 : i32
        %add3A_556 = vector.broadcast %add3A_555 : i32 to vector<16xi32>
        %add3A_557 = arith.addi %and3A_486, %add3A_556 : vector<16xi32>
        %add3A_558 = arith.constant 1024 : i32
        %add3A_559 = vector.broadcast %add3A_558 : i32 to vector<16xi32>
        %add3A_560 = arith.addi %add3A_546, %add3A_559 : vector<16xi32>
        %gather3A_561 = tpu.vector_load_idx %arg5[%add3A_543, %add3A_557] : memref<32x128xf32, #tpu.memory_space<vmem>>[vector<16xi32>, vector<16xi32>], vector<16xf32>,
        tpu.vector_store_idx %arg7[%add3A_560], %gather3A_561 : memref<4096xf32, #tpu.memory_space<vmem>>[vector<16xi32>], vector<16xf32>,
        %add3A_562 = arith.constant 48 : i32
        %add3A_563 = vector.broadcast %add3A_562 : i32 to vector<16xi32>
        %add3A_564 = arith.addi %and3A_486, %add3A_563 : vector<16xi32>
        %add3A_565 = arith.constant 1536 : i32
        %add3A_566 = vector.broadcast %add3A_565 : i32 to vector<16xi32>
        %add3A_567 = arith.addi %add3A_546, %add3A_566 : vector<16xi32>
        %gather3A_568 = tpu.vector_load_idx %arg5[%add3A_543, %add3A_564] : memref<32x128xf32, #tpu.memory_space<vmem>>[vector<16xi32>, vector<16xi32>], vector<16xf32>,
        tpu.vector_store_idx %arg7[%add3A_567], %gather3A_568 : memref<4096xf32, #tpu.memory_space<vmem>>[vector<16xi32>], vector<16xf32>,
        %add3A_569 = arith.constant 64 : i32
        %add3A_570 = vector.broadcast %add3A_569 : i32 to vector<16xi32>
        %add3A_571 = arith.addi %and3A_486, %add3A_570 : vector<16xi32>
        %add3A_572 = arith.constant 2048 : i32
        %add3A_573 = vector.broadcast %add3A_572 : i32 to vector<16xi32>
        %add3A_574 = arith.addi %add3A_546, %add3A_573 : vector<16xi32>
        %gather3A_575 = tpu.vector_load_idx %arg5[%add3A_543, %add3A_571] : memref<32x128xf32, #tpu.memory_space<vmem>>[vector<16xi32>, vector<16xi32>], vector<16xf32>,
        tpu.vector_store_idx %arg7[%add3A_574], %gather3A_575 : memref<4096xf32, #tpu.memory_space<vmem>>[vector<16xi32>], vector<16xf32>,
        %add3A_576 = arith.constant 80 : i32
        %add3A_577 = vector.broadcast %add3A_576 : i32 to vector<16xi32>
        %add3A_578 = arith.addi %and3A_486, %add3A_577 : vector<16xi32>
        %add3A_579 = arith.constant 2560 : i32
        %add3A_580 = vector.broadcast %add3A_579 : i32 to vector<16xi32>
        %add3A_581 = arith.addi %add3A_546, %add3A_580 : vector<16xi32>
        %gather3A_582 = tpu.vector_load_idx %arg5[%add3A_543, %add3A_578] : memref<32x128xf32, #tpu.memory_space<vmem>>[vector<16xi32>, vector<16xi32>], vector<16xf32>,
        tpu.vector_store_idx %arg7[%add3A_581], %gather3A_582 : memref<4096xf32, #tpu.memory_space<vmem>>[vector<16xi32>], vector<16xf32>,
        %add3A_583 = arith.constant 96 : i32
        %add3A_584 = vector.broadcast %add3A_583 : i32 to vector<16xi32>
        %add3A_585 = arith.addi %and3A_486, %add3A_584 : vector<16xi32>
        %add3A_586 = arith.constant 3072 : i32
        %add3A_587 = vector.broadcast %add3A_586 : i32 to vector<16xi32>
        %add3A_588 = arith.addi %add3A_546, %add3A_587 : vector<16xi32>
        %gather3A_589 = tpu.vector_load_idx %arg5[%add3A_543, %add3A_585] : memref<32x128xf32, #tpu.memory_space<vmem>>[vector<16xi32>, vector<16xi32>], vector<16xf32>,
        tpu.vector_store_idx %arg7[%add3A_588], %gather3A_589 : memref<4096xf32, #tpu.memory_space<vmem>>[vector<16xi32>], vector<16xf32>,
        %add3A_590 = arith.constant 112 : i32
        %add3A_591 = vector.broadcast %add3A_590 : i32 to vector<16xi32>
        %add3A_592 = arith.addi %and3A_486, %add3A_591 : vector<16xi32>
        %add3A_593 = arith.constant 3584 : i32
        %add3A_594 = vector.broadcast %add3A_593 : i32 to vector<16xi32>
        %add3A_595 = arith.addi %add3A_546, %add3A_594 : vector<16xi32>
        %gather3A_596 = tpu.vector_load_idx %arg5[%add3A_543, %add3A_592] : memref<32x128xf32, #tpu.memory_space<vmem>>[vector<16xi32>, vector<16xi32>], vector<16xf32>,
        tpu.vector_store_idx %arg7[%add3A_595], %gather3A_596 : memref<4096xf32, #tpu.memory_space<vmem>>[vector<16xi32>], vector<16xf32>,
      }
      %scan3A_69 = arith.constant 4 : i32
      %mul3A_70 = arith.constant 245 : i32
      %mul3A_71 = arith.muli %add3A, %mul3A_70 : i32
      %add3A_72 = arith.addi %mul3A_71, %add3A_53 : i32
      %min3A_73 = arith.constant 7811 : i32
      %min3A_74 = arith.minsi %add3A_72, %min3A_73 : i32
      %mul3A_75 = arith.constant 4096 : i32
      %mul3A_76 = arith.muli %mul3A_75, %min3A_74 : i32
      %dma_start3A_77 = tpu.memref_slice %arg4[%mul3A_76] : memref<32000000xf32, #tpu.memory_space<hbm>> -> memref<4096xf32, #tpu.memory_space<hbm>>
      %dma_start3A_78 = tpu.memref_slice %arg4[%mul3A_76] : memref<32000000xf32, #tpu.memory_space<hbm>> -> memref<4096xf32, #tpu.memory_space<hbm>>
      tpu.enqueue_dma source(%arg7 : memref<4096xf32, #tpu.memory_space<vmem>>) target(%dma_start3A_78 : memref<4096xf32, #tpu.memory_space<hbm>>) target_semaphore(%arg11 : memref<!tpu.dma_semaphore, #tpu.memory_space<semaphore_mem>>)
      %add3A_79 = arith.constant 2 : i32
      %add3A_80 = arith.addi %add3A_53, %add3A_79 : i32
      %lt3A = arith.constant 246 : i32
      %lt3A_81 = arith.cmpi slt, %add3A_80, %lt3A : i32
      %convert_element_type3A_82 = arith.extui %lt3A_81 : i1 to i32
      %cond3A_83 = arith.constant 0 : i32
      %cond3A_84 = arith.cmpi ne, %convert_element_type3A_82, %cond3A_83 : i32
      scf.if %cond3A_84 {
        %add3A_122 = arith.constant 2 : i32
        %add3A_123 = arith.addi %add3A_53, %add3A_122 : i32
        %mul3A_124 = arith.constant 245 : i32
        %mul3A_125 = arith.muli %add3A, %mul3A_124 : i32
        %add3A_126 = arith.addi %mul3A_125, %add3A_123 : i32
        %min3A_127 = arith.constant 7811 : i32
        %min3A_128 = arith.minsi %add3A_126, %min3A_127 : i32
        %mul3A_129 = arith.constant 128 : i32
        %mul3A_130 = arith.muli %mul3A_129, %min3A_128 : i32
        %dma_start3A_131 = arith.constant 0 : i32
        %dma_start3A_132 = tpu.memref_slice %arg2[%dma_start3A_131, %mul3A_130] : memref<32x1000000xf32, #tpu.memory_space<hbm>> -> memref<32x128xf32, #tpu.memory_space<hbm>>
        %dma_start3A_133 = arith.constant 0 : i32
        %dma_start3A_134 = tpu.memref_slice %arg2[%dma_start3A_133, %mul3A_130] : memref<32x1000000xf32, #tpu.memory_space<hbm>> -> memref<32x128xf32, #tpu.memory_space<hbm>>
        tpu.enqueue_dma source(%dma_start3A_134 : memref<32x128xf32, #tpu.memory_space<hbm>>) target(%arg5 : memref<32x128xf32, #tpu.memory_space<vmem>>) target_semaphore(%arg9 : memref<!tpu.dma_semaphore, #tpu.memory_space<semaphore_mem>>)
      } else {
      }
      %mul3A_85 = arith.constant 2 : i32
      %mul3A_86 = arith.muli %mul3A_85, %scan3A_49 : i32
      %add3A_87 = arith.constant 1 : i32
      %add3A_88 = arith.addi %mul3A_86, %add3A_87 : i32
      %dma_wait3A_89 = arith.constant 0 : i32
      %dma_wait3A_90 = arith.constant 0 : i32
      %dma_wait3A_91 = tpu.memref_slice %arg2[%dma_wait3A_89, %dma_wait3A_90] : memref<32x1000000xf32, #tpu.memory_space<hbm>> -> memref<32x128xf32, #tpu.memory_space<hbm>>
      %dma_wait3A_92 = arith.constant 0 : i32
      %dma_wait3A_93 = arith.constant 0 : i32
      %dma_wait3A_94 = tpu.memref_slice %arg2[%dma_wait3A_92, %dma_wait3A_93] : memref<32x1000000xf32, #tpu.memory_space<hbm>> -> memref<32x128xf32, #tpu.memory_space<hbm>>
      tpu.wait_dma2 semaphore(%arg10 : memref<!tpu.dma_semaphore, #tpu.memory_space<semaphore_mem>>) src(%dma_wait3A_94 : memref<32x128xf32, #tpu.memory_space<hbm>>) dst(%arg6 : memref<32x128xf32, #tpu.memory_space<vmem>>)
      %gt3A_95 = arith.constant 0 : i32
      %gt3A_96 = arith.cmpi sgt, %scan3A_49, %gt3A_95 : i32
      %convert_element_type3A_97 = arith.extui %gt3A_96 : i1 to i32
      %cond3A_98 = arith.constant 0 : i32
      %cond3A_99 = arith.cmpi ne, %convert_element_type3A_97, %cond3A_98 : i32
      scf.if %cond3A_99 {
        %sub3A = arith.constant 2 : i32
        %sub3A_122 = arith.subi %add3A_88, %sub3A : i32
        %mul3A_123 = arith.constant 245 : i32
        %mul3A_124 = arith.muli %add3A, %mul3A_123 : i32
        %add3A_125 = arith.addi %mul3A_124, %sub3A_122 : i32
        %min3A_126 = arith.constant 7811 : i32
        %min3A_127 = arith.minsi %add3A_125, %min3A_126 : i32
        %mul3A_128 = arith.constant 4096 : i32
        %mul3A_129 = arith.muli %mul3A_128, %min3A_127 : i32
        %dma_wait3A_130 = tpu.memref_slice %arg4[%mul3A_129] : memref<32000000xf32, #tpu.memory_space<hbm>> -> memref<4096xf32, #tpu.memory_space<hbm>>
        %dma_wait3A_131 = tpu.memref_slice %arg4[%mul3A_129] : memref<32000000xf32, #tpu.memory_space<hbm>> -> memref<4096xf32, #tpu.memory_space<hbm>>
        tpu.wait_dma2 semaphore(%arg12 : memref<!tpu.dma_semaphore, #tpu.memory_space<semaphore_mem>>) src(%arg8 : memref<4096xf32, #tpu.memory_space<vmem>>) dst(%dma_wait3A_131 : memref<4096xf32, #tpu.memory_space<hbm>>)
      } else {
      }
      %scan3A_100 = arith.constant 0 : i32
      %scan3A_101 = arith.constant 0 : i32
      %scan3A_102 = arith.constant 4 : i32
      %scan3A_103 = arith.addi %scan3A_101, %scan3A_102 : i32
      %scan3A_104 = arith.constant 1 : i32
      scf.for %scan3A_122 = %scan3A_101 to %scan3A_103 step %scan3A_104  : i32 {
        %mul3A_123 = arith.constant 4 : i32
        %mul3A_124 = arith.muli %mul3A_123, %scan3A_122 : i32
        %add3A_125 = arith.constant 0 : i32
        %add3A_126 = arith.addi %mul3A_124, %add3A_125 : i32
        %add3A_127 = vector.broadcast %add3A_126 : i32 to vector<16xi32>
        %add3A_128 = arith.addi %iota3A, %add3A_127 : vector<16xi32>
        %and3A = arith.constant 15 : i32
        %and3A_129 = vector.broadcast %and3A : i32 to vector<16xi32>
        %and3A_130 = arith.andi %add3A_128, %and3A_129 : vector<16xi32>
        %mul3A_131 = arith.constant 32 : i32
        %mul3A_132 = vector.broadcast %mul3A_131 : i32 to vector<16xi32>
        %mul3A_133 = arith.muli %and3A_130, %mul3A_132 : vector<16xi32>
        %add3A_134 = arith.addi %mul3A_133, %iota3A : vector<16xi32>
        %gather3A = tpu.vector_load_idx %arg6[%iota3A, %and3A_130] : memref<32x128xf32, #tpu.memory_space<vmem>>[vector<16xi32>, vector<16xi32>], vector<16xf32>,
        tpu.vector_store_idx %arg8[%add3A_134], %gather3A : memref<4096xf32, #tpu.memory_space<vmem>>[vector<16xi32>], vector<16xf32>,
        %add3A_135 = arith.constant 16 : i32
        %add3A_136 = vector.broadcast %add3A_135 : i32 to vector<16xi32>
        %add3A_137 = arith.addi %and3A_130, %add3A_136 : vector<16xi32>
        %add3A_138 = arith.constant 512 : i32
        %add3A_139 = vector.broadcast %add3A_138 : i32 to vector<16xi32>
        %add3A_140 = arith.addi %add3A_134, %add3A_139 : vector<16xi32>
        %gather3A_141 = tpu.vector_load_idx %arg6[%iota3A, %add3A_137] : memref<32x128xf32, #tpu.memory_space<vmem>>[vector<16xi32>, vector<16xi32>], vector<16xf32>,
        tpu.vector_store_idx %arg8[%add3A_140], %gather3A_141 : memref<4096xf32, #tpu.memory_space<vmem>>[vector<16xi32>], vector<16xf32>,
        %add3A_142 = arith.constant 32 : i32
        %add3A_143 = vector.broadcast %add3A_142 : i32 to vector<16xi32>
        %add3A_144 = arith.addi %and3A_130, %add3A_143 : vector<16xi32>
        %add3A_145 = arith.constant 1024 : i32
        %add3A_146 = vector.broadcast %add3A_145 : i32 to vector<16xi32>
        %add3A_147 = arith.addi %add3A_134, %add3A_146 : vector<16xi32>
        %gather3A_148 = tpu.vector_load_idx %arg6[%iota3A, %add3A_144] : memref<32x128xf32, #tpu.memory_space<vmem>>[vector<16xi32>, vector<16xi32>], vector<16xf32>,
        tpu.vector_store_idx %arg8[%add3A_147], %gather3A_148 : memref<4096xf32, #tpu.memory_space<vmem>>[vector<16xi32>], vector<16xf32>,
        %add3A_149 = arith.constant 48 : i32
        %add3A_150 = vector.broadcast %add3A_149 : i32 to vector<16xi32>
        %add3A_151 = arith.addi %and3A_130, %add3A_150 : vector<16xi32>
        %add3A_152 = arith.constant 1536 : i32
        %add3A_153 = vector.broadcast %add3A_152 : i32 to vector<16xi32>
        %add3A_154 = arith.addi %add3A_134, %add3A_153 : vector<16xi32>
        %gather3A_155 = tpu.vector_load_idx %arg6[%iota3A, %add3A_151] : memref<32x128xf32, #tpu.memory_space<vmem>>[vector<16xi32>, vector<16xi32>], vector<16xf32>,
        tpu.vector_store_idx %arg8[%add3A_154], %gather3A_155 : memref<4096xf32, #tpu.memory_space<vmem>>[vector<16xi32>], vector<16xf32>,
        %add3A_156 = arith.constant 64 : i32
        %add3A_157 = vector.broadcast %add3A_156 : i32 to vector<16xi32>
        %add3A_158 = arith.addi %and3A_130, %add3A_157 : vector<16xi32>
        %add3A_159 = arith.constant 2048 : i32
        %add3A_160 = vector.broadcast %add3A_159 : i32 to vector<16xi32>
        %add3A_161 = arith.addi %add3A_134, %add3A_160 : vector<16xi32>
        %gather3A_162 = tpu.vector_load_idx %arg6[%iota3A, %add3A_158] : memref<32x128xf32, #tpu.memory_space<vmem>>[vector<16xi32>, vector<16xi32>], vector<16xf32>,
        tpu.vector_store_idx %arg8[%add3A_161], %gather3A_162 : memref<4096xf32, #tpu.memory_space<vmem>>[vector<16xi32>], vector<16xf32>,
        %add3A_163 = arith.constant 80 : i32
        %add3A_164 = vector.broadcast %add3A_163 : i32 to vector<16xi32>
        %add3A_165 = arith.addi %and3A_130, %add3A_164 : vector<16xi32>
        %add3A_166 = arith.constant 2560 : i32
        %add3A_167 = vector.broadcast %add3A_166 : i32 to vector<16xi32>
        %add3A_168 = arith.addi %add3A_134, %add3A_167 : vector<16xi32>
        %gather3A_169 = tpu.vector_load_idx %arg6[%iota3A, %add3A_165] : memref<32x128xf32, #tpu.memory_space<vmem>>[vector<16xi32>, vector<16xi32>], vector<16xf32>,
        tpu.vector_store_idx %arg8[%add3A_168], %gather3A_169 : memref<4096xf32, #tpu.memory_space<vmem>>[vector<16xi32>], vector<16xf32>,
        %add3A_170 = arith.constant 96 : i32
        %add3A_171 = vector.broadcast %add3A_170 : i32 to vector<16xi32>
        %add3A_172 = arith.addi %and3A_130, %add3A_171 : vector<16xi32>
        %add3A_173 = arith.constant 3072 : i32
        %add3A_174 = vector.broadcast %add3A_173 : i32 to vector<16xi32>
        %add3A_175 = arith.addi %add3A_134, %add3A_174 : vector<16xi32>
        %gather3A_176 = tpu.vector_load_idx %arg6[%iota3A, %add3A_172] : memref<32x128xf32, #tpu.memory_space<vmem>>[vector<16xi32>, vector<16xi32>], vector<16xf32>,
        tpu.vector_store_idx %arg8[%add3A_175], %gather3A_176 : memref<4096xf32, #tpu.memory_space<vmem>>[vector<16xi32>], vector<16xf32>,
        %add3A_177 = arith.constant 112 : i32
        %add3A_178 = vector.broadcast %add3A_177 : i32 to vector<16xi32>
        %add3A_179 = arith.addi %and3A_130, %add3A_178 : vector<16xi32>
        %add3A_180 = arith.constant 3584 : i32
        %add3A_181 = vector.broadcast %add3A_180 : i32 to vector<16xi32>
        %add3A_182 = arith.addi %add3A_134, %add3A_181 : vector<16xi32>
        %gather3A_183 = tpu.vector_load_idx %arg6[%iota3A, %add3A_179] : memref<32x128xf32, #tpu.memory_space<vmem>>[vector<16xi32>, vector<16xi32>], vector<16xf32>,
        tpu.vector_store_idx %arg8[%add3A_182], %gather3A_183 : memref<4096xf32, #tpu.memory_space<vmem>>[vector<16xi32>], vector<16xf32>,
        %add3A_184 = arith.constant 16 : i32
        %add3A_185 = vector.broadcast %add3A_184 : i32 to vector<16xi32>
        %add3A_186 = arith.addi %iota3A, %add3A_185 : vector<16xi32>
        %add3A_187 = arith.constant 16 : i32
        %add3A_188 = vector.broadcast %add3A_187 : i32 to vector<16xi32>
        %add3A_189 = arith.addi %add3A_134, %add3A_188 : vector<16xi32>
        %gather3A_190 = tpu.vector_load_idx %arg6[%add3A_186, %and3A_130] : memref<32x128xf32, #tpu.memory_space<vmem>>[vector<16xi32>, vector<16xi32>], vector<16xf32>,
        tpu.vector_store_idx %arg8[%add3A_189], %gather3A_190 : memref<4096xf32, #tpu.memory_space<vmem>>[vector<16xi32>], vector<16xf32>,
        %add3A_191 = arith.constant 16 : i32
        %add3A_192 = vector.broadcast %add3A_191 : i32 to vector<16xi32>
        %add3A_193 = arith.addi %and3A_130, %add3A_192 : vector<16xi32>
        %add3A_194 = arith.constant 512 : i32
        %add3A_195 = vector.broadcast %add3A_194 : i32 to vector<16xi32>
        %add3A_196 = arith.addi %add3A_189, %add3A_195 : vector<16xi32>
        %gather3A_197 = tpu.vector_load_idx %arg6[%add3A_186, %add3A_193] : memref<32x128xf32, #tpu.memory_space<vmem>>[vector<16xi32>, vector<16xi32>], vector<16xf32>,
        tpu.vector_store_idx %arg8[%add3A_196], %gather3A_197 : memref<4096xf32, #tpu.memory_space<vmem>>[vector<16xi32>], vector<16xf32>,
        %add3A_198 = arith.constant 32 : i32
        %add3A_199 = vector.broadcast %add3A_198 : i32 to vector<16xi32>
        %add3A_200 = arith.addi %and3A_130, %add3A_199 : vector<16xi32>
        %add3A_201 = arith.constant 1024 : i32
        %add3A_202 = vector.broadcast %add3A_201 : i32 to vector<16xi32>
        %add3A_203 = arith.addi %add3A_189, %add3A_202 : vector<16xi32>
        %gather3A_204 = tpu.vector_load_idx %arg6[%add3A_186, %add3A_200] : memref<32x128xf32, #tpu.memory_space<vmem>>[vector<16xi32>, vector<16xi32>], vector<16xf32>,
        tpu.vector_store_idx %arg8[%add3A_203], %gather3A_204 : memref<4096xf32, #tpu.memory_space<vmem>>[vector<16xi32>], vector<16xf32>,
        %add3A_205 = arith.constant 48 : i32
        %add3A_206 = vector.broadcast %add3A_205 : i32 to vector<16xi32>
        %add3A_207 = arith.addi %and3A_130, %add3A_206 : vector<16xi32>
        %add3A_208 = arith.constant 1536 : i32
        %add3A_209 = vector.broadcast %add3A_208 : i32 to vector<16xi32>
        %add3A_210 = arith.addi %add3A_189, %add3A_209 : vector<16xi32>
        %gather3A_211 = tpu.vector_load_idx %arg6[%add3A_186, %add3A_207] : memref<32x128xf32, #tpu.memory_space<vmem>>[vector<16xi32>, vector<16xi32>], vector<16xf32>,
        tpu.vector_store_idx %arg8[%add3A_210], %gather3A_211 : memref<4096xf32, #tpu.memory_space<vmem>>[vector<16xi32>], vector<16xf32>,
        %add3A_212 = arith.constant 64 : i32
        %add3A_213 = vector.broadcast %add3A_212 : i32 to vector<16xi32>
        %add3A_214 = arith.addi %and3A_130, %add3A_213 : vector<16xi32>
        %add3A_215 = arith.constant 2048 : i32
        %add3A_216 = vector.broadcast %add3A_215 : i32 to vector<16xi32>
        %add3A_217 = arith.addi %add3A_189, %add3A_216 : vector<16xi32>
        %gather3A_218 = tpu.vector_load_idx %arg6[%add3A_186, %add3A_214] : memref<32x128xf32, #tpu.memory_space<vmem>>[vector<16xi32>, vector<16xi32>], vector<16xf32>,
        tpu.vector_store_idx %arg8[%add3A_217], %gather3A_218 : memref<4096xf32, #tpu.memory_space<vmem>>[vector<16xi32>], vector<16xf32>,
        %add3A_219 = arith.constant 80 : i32
        %add3A_220 = vector.broadcast %add3A_219 : i32 to vector<16xi32>
        %add3A_221 = arith.addi %and3A_130, %add3A_220 : vector<16xi32>
        %add3A_222 = arith.constant 2560 : i32
        %add3A_223 = vector.broadcast %add3A_222 : i32 to vector<16xi32>
        %add3A_224 = arith.addi %add3A_189, %add3A_223 : vector<16xi32>
        %gather3A_225 = tpu.vector_load_idx %arg6[%add3A_186, %add3A_221] : memref<32x128xf32, #tpu.memory_space<vmem>>[vector<16xi32>, vector<16xi32>], vector<16xf32>,
        tpu.vector_store_idx %arg8[%add3A_224], %gather3A_225 : memref<4096xf32, #tpu.memory_space<vmem>>[vector<16xi32>], vector<16xf32>,
        %add3A_226 = arith.constant 96 : i32
        %add3A_227 = vector.broadcast %add3A_226 : i32 to vector<16xi32>
        %add3A_228 = arith.addi %and3A_130, %add3A_227 : vector<16xi32>
        %add3A_229 = arith.constant 3072 : i32
        %add3A_230 = vector.broadcast %add3A_229 : i32 to vector<16xi32>
        %add3A_231 = arith.addi %add3A_189, %add3A_230 : vector<16xi32>
        %gather3A_232 = tpu.vector_load_idx %arg6[%add3A_186, %add3A_228] : memref<32x128xf32, #tpu.memory_space<vmem>>[vector<16xi32>, vector<16xi32>], vector<16xf32>,
        tpu.vector_store_idx %arg8[%add3A_231], %gather3A_232 : memref<4096xf32, #tpu.memory_space<vmem>>[vector<16xi32>], vector<16xf32>,
        %add3A_233 = arith.constant 112 : i32
        %add3A_234 = vector.broadcast %add3A_233 : i32 to vector<16xi32>
        %add3A_235 = arith.addi %and3A_130, %add3A_234 : vector<16xi32>
        %add3A_236 = arith.constant 3584 : i32
        %add3A_237 = vector.broadcast %add3A_236 : i32 to vector<16xi32>
        %add3A_238 = arith.addi %add3A_189, %add3A_237 : vector<16xi32>
        %gather3A_239 = tpu.vector_load_idx %arg6[%add3A_186, %add3A_235] : memref<32x128xf32, #tpu.memory_space<vmem>>[vector<16xi32>, vector<16xi32>], vector<16xf32>,
        tpu.vector_store_idx %arg8[%add3A_238], %gather3A_239 : memref<4096xf32, #tpu.memory_space<vmem>>[vector<16xi32>], vector<16xf32>,
        %mul3A_240 = arith.constant 4 : i32
        %mul3A_241 = arith.muli %mul3A_240, %scan3A_122 : i32
        %add3A_242 = arith.constant 1 : i32
        %add3A_243 = arith.addi %mul3A_241, %add3A_242 : i32
        %add3A_244 = vector.broadcast %add3A_243 : i32 to vector<16xi32>
        %add3A_245 = arith.addi %iota3A, %add3A_244 : vector<16xi32>
        %and3A_246 = arith.constant 15 : i32
        %and3A_247 = vector.broadcast %and3A_246 : i32 to vector<16xi32>
        %and3A_248 = arith.andi %add3A_245, %and3A_247 : vector<16xi32>
        %mul3A_249 = arith.constant 32 : i32
        %mul3A_250 = vector.broadcast %mul3A_249 : i32 to vector<16xi32>
        %mul3A_251 = arith.muli %and3A_248, %mul3A_250 : vector<16xi32>
        %add3A_252 = arith.addi %mul3A_251, %iota3A : vector<16xi32>
        %gather3A_253 = tpu.vector_load_idx %arg6[%iota3A, %and3A_248] : memref<32x128xf32, #tpu.memory_space<vmem>>[vector<16xi32>, vector<16xi32>], vector<16xf32>,
        tpu.vector_store_idx %arg8[%add3A_252], %gather3A_253 : memref<4096xf32, #tpu.memory_space<vmem>>[vector<16xi32>], vector<16xf32>,
        %add3A_254 = arith.constant 16 : i32
        %add3A_255 = vector.broadcast %add3A_254 : i32 to vector<16xi32>
        %add3A_256 = arith.addi %and3A_248, %add3A_255 : vector<16xi32>
        %add3A_257 = arith.constant 512 : i32
        %add3A_258 = vector.broadcast %add3A_257 : i32 to vector<16xi32>
        %add3A_259 = arith.addi %add3A_252, %add3A_258 : vector<16xi32>
        %gather3A_260 = tpu.vector_load_idx %arg6[%iota3A, %add3A_256] : memref<32x128xf32, #tpu.memory_space<vmem>>[vector<16xi32>, vector<16xi32>], vector<16xf32>,
        tpu.vector_store_idx %arg8[%add3A_259], %gather3A_260 : memref<4096xf32, #tpu.memory_space<vmem>>[vector<16xi32>], vector<16xf32>,
        %add3A_261 = arith.constant 32 : i32
        %add3A_262 = vector.broadcast %add3A_261 : i32 to vector<16xi32>
        %add3A_263 = arith.addi %and3A_248, %add3A_262 : vector<16xi32>
        %add3A_264 = arith.constant 1024 : i32
        %add3A_265 = vector.broadcast %add3A_264 : i32 to vector<16xi32>
        %add3A_266 = arith.addi %add3A_252, %add3A_265 : vector<16xi32>
        %gather3A_267 = tpu.vector_load_idx %arg6[%iota3A, %add3A_263] : memref<32x128xf32, #tpu.memory_space<vmem>>[vector<16xi32>, vector<16xi32>], vector<16xf32>,
        tpu.vector_store_idx %arg8[%add3A_266], %gather3A_267 : memref<4096xf32, #tpu.memory_space<vmem>>[vector<16xi32>], vector<16xf32>,
        %add3A_268 = arith.constant 48 : i32
        %add3A_269 = vector.broadcast %add3A_268 : i32 to vector<16xi32>
        %add3A_270 = arith.addi %and3A_248, %add3A_269 : vector<16xi32>
        %add3A_271 = arith.constant 1536 : i32
        %add3A_272 = vector.broadcast %add3A_271 : i32 to vector<16xi32>
        %add3A_273 = arith.addi %add3A_252, %add3A_272 : vector<16xi32>
        %gather3A_274 = tpu.vector_load_idx %arg6[%iota3A, %add3A_270] : memref<32x128xf32, #tpu.memory_space<vmem>>[vector<16xi32>, vector<16xi32>], vector<16xf32>,
        tpu.vector_store_idx %arg8[%add3A_273], %gather3A_274 : memref<4096xf32, #tpu.memory_space<vmem>>[vector<16xi32>], vector<16xf32>,
        %add3A_275 = arith.constant 64 : i32
        %add3A_276 = vector.broadcast %add3A_275 : i32 to vector<16xi32>
        %add3A_277 = arith.addi %and3A_248, %add3A_276 : vector<16xi32>
        %add3A_278 = arith.constant 2048 : i32
        %add3A_279 = vector.broadcast %add3A_278 : i32 to vector<16xi32>
        %add3A_280 = arith.addi %add3A_252, %add3A_279 : vector<16xi32>
        %gather3A_281 = tpu.vector_load_idx %arg6[%iota3A, %add3A_277] : memref<32x128xf32, #tpu.memory_space<vmem>>[vector<16xi32>, vector<16xi32>], vector<16xf32>,
        tpu.vector_store_idx %arg8[%add3A_280], %gather3A_281 : memref<4096xf32, #tpu.memory_space<vmem>>[vector<16xi32>], vector<16xf32>,
        %add3A_282 = arith.constant 80 : i32
        %add3A_283 = vector.broadcast %add3A_282 : i32 to vector<16xi32>
        %add3A_284 = arith.addi %and3A_248, %add3A_283 : vector<16xi32>
        %add3A_285 = arith.constant 2560 : i32
        %add3A_286 = vector.broadcast %add3A_285 : i32 to vector<16xi32>
        %add3A_287 = arith.addi %add3A_252, %add3A_286 : vector<16xi32>
        %gather3A_288 = tpu.vector_load_idx %arg6[%iota3A, %add3A_284] : memref<32x128xf32, #tpu.memory_space<vmem>>[vector<16xi32>, vector<16xi32>], vector<16xf32>,
        tpu.vector_store_idx %arg8[%add3A_287], %gather3A_288 : memref<4096xf32, #tpu.memory_space<vmem>>[vector<16xi32>], vector<16xf32>,
        %add3A_289 = arith.constant 96 : i32
        %add3A_290 = vector.broadcast %add3A_289 : i32 to vector<16xi32>
        %add3A_291 = arith.addi %and3A_248, %add3A_290 : vector<16xi32>
        %add3A_292 = arith.constant 3072 : i32
        %add3A_293 = vector.broadcast %add3A_292 : i32 to vector<16xi32>
        %add3A_294 = arith.addi %add3A_252, %add3A_293 : vector<16xi32>
        %gather3A_295 = tpu.vector_load_idx %arg6[%iota3A, %add3A_291] : memref<32x128xf32, #tpu.memory_space<vmem>>[vector<16xi32>, vector<16xi32>], vector<16xf32>,
        tpu.vector_store_idx %arg8[%add3A_294], %gather3A_295 : memref<4096xf32, #tpu.memory_space<vmem>>[vector<16xi32>], vector<16xf32>,
        %add3A_296 = arith.constant 112 : i32
        %add3A_297 = vector.broadcast %add3A_296 : i32 to vector<16xi32>
        %add3A_298 = arith.addi %and3A_248, %add3A_297 : vector<16xi32>
        %add3A_299 = arith.constant 3584 : i32
        %add3A_300 = vector.broadcast %add3A_299 : i32 to vector<16xi32>
        %add3A_301 = arith.addi %add3A_252, %add3A_300 : vector<16xi32>
        %gather3A_302 = tpu.vector_load_idx %arg6[%iota3A, %add3A_298] : memref<32x128xf32, #tpu.memory_space<vmem>>[vector<16xi32>, vector<16xi32>], vector<16xf32>,
        tpu.vector_store_idx %arg8[%add3A_301], %gather3A_302 : memref<4096xf32, #tpu.memory_space<vmem>>[vector<16xi32>], vector<16xf32>,
        %add3A_303 = arith.constant 16 : i32
        %add3A_304 = vector.broadcast %add3A_303 : i32 to vector<16xi32>
        %add3A_305 = arith.addi %iota3A, %add3A_304 : vector<16xi32>
        %add3A_306 = arith.constant 16 : i32
        %add3A_307 = vector.broadcast %add3A_306 : i32 to vector<16xi32>
        %add3A_308 = arith.addi %add3A_252, %add3A_307 : vector<16xi32>
        %gather3A_309 = tpu.vector_load_idx %arg6[%add3A_305, %and3A_248] : memref<32x128xf32, #tpu.memory_space<vmem>>[vector<16xi32>, vector<16xi32>], vector<16xf32>,
        tpu.vector_store_idx %arg8[%add3A_308], %gather3A_309 : memref<4096xf32, #tpu.memory_space<vmem>>[vector<16xi32>], vector<16xf32>,
        %add3A_310 = arith.constant 16 : i32
        %add3A_311 = vector.broadcast %add3A_310 : i32 to vector<16xi32>
        %add3A_312 = arith.addi %and3A_248, %add3A_311 : vector<16xi32>
        %add3A_313 = arith.constant 512 : i32
        %add3A_314 = vector.broadcast %add3A_313 : i32 to vector<16xi32>
        %add3A_315 = arith.addi %add3A_308, %add3A_314 : vector<16xi32>
        %gather3A_316 = tpu.vector_load_idx %arg6[%add3A_305, %add3A_312] : memref<32x128xf32, #tpu.memory_space<vmem>>[vector<16xi32>, vector<16xi32>], vector<16xf32>,
        tpu.vector_store_idx %arg8[%add3A_315], %gather3A_316 : memref<4096xf32, #tpu.memory_space<vmem>>[vector<16xi32>], vector<16xf32>,
        %add3A_317 = arith.constant 32 : i32
        %add3A_318 = vector.broadcast %add3A_317 : i32 to vector<16xi32>
        %add3A_319 = arith.addi %and3A_248, %add3A_318 : vector<16xi32>
        %add3A_320 = arith.constant 1024 : i32
        %add3A_321 = vector.broadcast %add3A_320 : i32 to vector<16xi32>
        %add3A_322 = arith.addi %add3A_308, %add3A_321 : vector<16xi32>
        %gather3A_323 = tpu.vector_load_idx %arg6[%add3A_305, %add3A_319] : memref<32x128xf32, #tpu.memory_space<vmem>>[vector<16xi32>, vector<16xi32>], vector<16xf32>,
        tpu.vector_store_idx %arg8[%add3A_322], %gather3A_323 : memref<4096xf32, #tpu.memory_space<vmem>>[vector<16xi32>], vector<16xf32>,
        %add3A_324 = arith.constant 48 : i32
        %add3A_325 = vector.broadcast %add3A_324 : i32 to vector<16xi32>
        %add3A_326 = arith.addi %and3A_248, %add3A_325 : vector<16xi32>
        %add3A_327 = arith.constant 1536 : i32
        %add3A_328 = vector.broadcast %add3A_327 : i32 to vector<16xi32>
        %add3A_329 = arith.addi %add3A_308, %add3A_328 : vector<16xi32>
        %gather3A_330 = tpu.vector_load_idx %arg6[%add3A_305, %add3A_326] : memref<32x128xf32, #tpu.memory_space<vmem>>[vector<16xi32>, vector<16xi32>], vector<16xf32>,
        tpu.vector_store_idx %arg8[%add3A_329], %gather3A_330 : memref<4096xf32, #tpu.memory_space<vmem>>[vector<16xi32>], vector<16xf32>,
        %add3A_331 = arith.constant 64 : i32
        %add3A_332 = vector.broadcast %add3A_331 : i32 to vector<16xi32>
        %add3A_333 = arith.addi %and3A_248, %add3A_332 : vector<16xi32>
        %add3A_334 = arith.constant 2048 : i32
        %add3A_335 = vector.broadcast %add3A_334 : i32 to vector<16xi32>
        %add3A_336 = arith.addi %add3A_308, %add3A_335 : vector<16xi32>
        %gather3A_337 = tpu.vector_load_idx %arg6[%add3A_305, %add3A_333] : memref<32x128xf32, #tpu.memory_space<vmem>>[vector<16xi32>, vector<16xi32>], vector<16xf32>,
        tpu.vector_store_idx %arg8[%add3A_336], %gather3A_337 : memref<4096xf32, #tpu.memory_space<vmem>>[vector<16xi32>], vector<16xf32>,
        %add3A_338 = arith.constant 80 : i32
        %add3A_339 = vector.broadcast %add3A_338 : i32 to vector<16xi32>
        %add3A_340 = arith.addi %and3A_248, %add3A_339 : vector<16xi32>
        %add3A_341 = arith.constant 2560 : i32
        %add3A_342 = vector.broadcast %add3A_341 : i32 to vector<16xi32>
        %add3A_343 = arith.addi %add3A_308, %add3A_342 : vector<16xi32>
        %gather3A_344 = tpu.vector_load_idx %arg6[%add3A_305, %add3A_340] : memref<32x128xf32, #tpu.memory_space<vmem>>[vector<16xi32>, vector<16xi32>], vector<16xf32>,
        tpu.vector_store_idx %arg8[%add3A_343], %gather3A_344 : memref<4096xf32, #tpu.memory_space<vmem>>[vector<16xi32>], vector<16xf32>,
        %add3A_345 = arith.constant 96 : i32
        %add3A_346 = vector.broadcast %add3A_345 : i32 to vector<16xi32>
        %add3A_347 = arith.addi %and3A_248, %add3A_346 : vector<16xi32>
        %add3A_348 = arith.constant 3072 : i32
        %add3A_349 = vector.broadcast %add3A_348 : i32 to vector<16xi32>
        %add3A_350 = arith.addi %add3A_308, %add3A_349 : vector<16xi32>
        %gather3A_351 = tpu.vector_load_idx %arg6[%add3A_305, %add3A_347] : memref<32x128xf32, #tpu.memory_space<vmem>>[vector<16xi32>, vector<16xi32>], vector<16xf32>,
        tpu.vector_store_idx %arg8[%add3A_350], %gather3A_351 : memref<4096xf32, #tpu.memory_space<vmem>>[vector<16xi32>], vector<16xf32>,
        %add3A_352 = arith.constant 112 : i32
        %add3A_353 = vector.broadcast %add3A_352 : i32 to vector<16xi32>
        %add3A_354 = arith.addi %and3A_248, %add3A_353 : vector<16xi32>
        %add3A_355 = arith.constant 3584 : i32
        %add3A_356 = vector.broadcast %add3A_355 : i32 to vector<16xi32>
        %add3A_357 = arith.addi %add3A_308, %add3A_356 : vector<16xi32>
        %gather3A_358 = tpu.vector_load_idx %arg6[%add3A_305, %add3A_354] : memref<32x128xf32, #tpu.memory_space<vmem>>[vector<16xi32>, vector<16xi32>], vector<16xf32>,
        tpu.vector_store_idx %arg8[%add3A_357], %gather3A_358 : memref<4096xf32, #tpu.memory_space<vmem>>[vector<16xi32>], vector<16xf32>,
        %mul3A_359 = arith.constant 4 : i32
        %mul3A_360 = arith.muli %mul3A_359, %scan3A_122 : i32
        %add3A_361 = arith.constant 2 : i32
        %add3A_362 = arith.addi %mul3A_360, %add3A_361 : i32
        %add3A_363 = vector.broadcast %add3A_362 : i32 to vector<16xi32>
        %add3A_364 = arith.addi %iota3A, %add3A_363 : vector<16xi32>
        %and3A_365 = arith.constant 15 : i32
        %and3A_366 = vector.broadcast %and3A_365 : i32 to vector<16xi32>
        %and3A_367 = arith.andi %add3A_364, %and3A_366 : vector<16xi32>
        %mul3A_368 = arith.constant 32 : i32
        %mul3A_369 = vector.broadcast %mul3A_368 : i32 to vector<16xi32>
        %mul3A_370 = arith.muli %and3A_367, %mul3A_369 : vector<16xi32>
        %add3A_371 = arith.addi %mul3A_370, %iota3A : vector<16xi32>
        %gather3A_372 = tpu.vector_load_idx %arg6[%iota3A, %and3A_367] : memref<32x128xf32, #tpu.memory_space<vmem>>[vector<16xi32>, vector<16xi32>], vector<16xf32>,
        tpu.vector_store_idx %arg8[%add3A_371], %gather3A_372 : memref<4096xf32, #tpu.memory_space<vmem>>[vector<16xi32>], vector<16xf32>,
        %add3A_373 = arith.constant 16 : i32
        %add3A_374 = vector.broadcast %add3A_373 : i32 to vector<16xi32>
        %add3A_375 = arith.addi %and3A_367, %add3A_374 : vector<16xi32>
        %add3A_376 = arith.constant 512 : i32
        %add3A_377 = vector.broadcast %add3A_376 : i32 to vector<16xi32>
        %add3A_378 = arith.addi %add3A_371, %add3A_377 : vector<16xi32>
        %gather3A_379 = tpu.vector_load_idx %arg6[%iota3A, %add3A_375] : memref<32x128xf32, #tpu.memory_space<vmem>>[vector<16xi32>, vector<16xi32>], vector<16xf32>,
        tpu.vector_store_idx %arg8[%add3A_378], %gather3A_379 : memref<4096xf32, #tpu.memory_space<vmem>>[vector<16xi32>], vector<16xf32>,
        %add3A_380 = arith.constant 32 : i32
        %add3A_381 = vector.broadcast %add3A_380 : i32 to vector<16xi32>
        %add3A_382 = arith.addi %and3A_367, %add3A_381 : vector<16xi32>
        %add3A_383 = arith.constant 1024 : i32
        %add3A_384 = vector.broadcast %add3A_383 : i32 to vector<16xi32>
        %add3A_385 = arith.addi %add3A_371, %add3A_384 : vector<16xi32>
        %gather3A_386 = tpu.vector_load_idx %arg6[%iota3A, %add3A_382] : memref<32x128xf32, #tpu.memory_space<vmem>>[vector<16xi32>, vector<16xi32>], vector<16xf32>,
        tpu.vector_store_idx %arg8[%add3A_385], %gather3A_386 : memref<4096xf32, #tpu.memory_space<vmem>>[vector<16xi32>], vector<16xf32>,
        %add3A_387 = arith.constant 48 : i32
        %add3A_388 = vector.broadcast %add3A_387 : i32 to vector<16xi32>
        %add3A_389 = arith.addi %and3A_367, %add3A_388 : vector<16xi32>
        %add3A_390 = arith.constant 1536 : i32
        %add3A_391 = vector.broadcast %add3A_390 : i32 to vector<16xi32>
        %add3A_392 = arith.addi %add3A_371, %add3A_391 : vector<16xi32>
        %gather3A_393 = tpu.vector_load_idx %arg6[%iota3A, %add3A_389] : memref<32x128xf32, #tpu.memory_space<vmem>>[vector<16xi32>, vector<16xi32>], vector<16xf32>,
        tpu.vector_store_idx %arg8[%add3A_392], %gather3A_393 : memref<4096xf32, #tpu.memory_space<vmem>>[vector<16xi32>], vector<16xf32>,
        %add3A_394 = arith.constant 64 : i32
        %add3A_395 = vector.broadcast %add3A_394 : i32 to vector<16xi32>
        %add3A_396 = arith.addi %and3A_367, %add3A_395 : vector<16xi32>
        %add3A_397 = arith.constant 2048 : i32
        %add3A_398 = vector.broadcast %add3A_397 : i32 to vector<16xi32>
        %add3A_399 = arith.addi %add3A_371, %add3A_398 : vector<16xi32>
        %gather3A_400 = tpu.vector_load_idx %arg6[%iota3A, %add3A_396] : memref<32x128xf32, #tpu.memory_space<vmem>>[vector<16xi32>, vector<16xi32>], vector<16xf32>,
        tpu.vector_store_idx %arg8[%add3A_399], %gather3A_400 : memref<4096xf32, #tpu.memory_space<vmem>>[vector<16xi32>], vector<16xf32>,
        %add3A_401 = arith.constant 80 : i32
        %add3A_402 = vector.broadcast %add3A_401 : i32 to vector<16xi32>
        %add3A_403 = arith.addi %and3A_367, %add3A_402 : vector<16xi32>
        %add3A_404 = arith.constant 2560 : i32
        %add3A_405 = vector.broadcast %add3A_404 : i32 to vector<16xi32>
        %add3A_406 = arith.addi %add3A_371, %add3A_405 : vector<16xi32>
        %gather3A_407 = tpu.vector_load_idx %arg6[%iota3A, %add3A_403] : memref<32x128xf32, #tpu.memory_space<vmem>>[vector<16xi32>, vector<16xi32>], vector<16xf32>,
        tpu.vector_store_idx %arg8[%add3A_406], %gather3A_407 : memref<4096xf32, #tpu.memory_space<vmem>>[vector<16xi32>], vector<16xf32>,
        %add3A_408 = arith.constant 96 : i32
        %add3A_409 = vector.broadcast %add3A_408 : i32 to vector<16xi32>
        %add3A_410 = arith.addi %and3A_367, %add3A_409 : vector<16xi32>
        %add3A_411 = arith.constant 3072 : i32
        %add3A_412 = vector.broadcast %add3A_411 : i32 to vector<16xi32>
        %add3A_413 = arith.addi %add3A_371, %add3A_412 : vector<16xi32>
        %gather3A_414 = tpu.vector_load_idx %arg6[%iota3A, %add3A_410] : memref<32x128xf32, #tpu.memory_space<vmem>>[vector<16xi32>, vector<16xi32>], vector<16xf32>,
        tpu.vector_store_idx %arg8[%add3A_413], %gather3A_414 : memref<4096xf32, #tpu.memory_space<vmem>>[vector<16xi32>], vector<16xf32>,
        %add3A_415 = arith.constant 112 : i32
        %add3A_416 = vector.broadcast %add3A_415 : i32 to vector<16xi32>
        %add3A_417 = arith.addi %and3A_367, %add3A_416 : vector<16xi32>
        %add3A_418 = arith.constant 3584 : i32
        %add3A_419 = vector.broadcast %add3A_418 : i32 to vector<16xi32>
        %add3A_420 = arith.addi %add3A_371, %add3A_419 : vector<16xi32>
        %gather3A_421 = tpu.vector_load_idx %arg6[%iota3A, %add3A_417] : memref<32x128xf32, #tpu.memory_space<vmem>>[vector<16xi32>, vector<16xi32>], vector<16xf32>,
        tpu.vector_store_idx %arg8[%add3A_420], %gather3A_421 : memref<4096xf32, #tpu.memory_space<vmem>>[vector<16xi32>], vector<16xf32>,
        %add3A_422 = arith.constant 16 : i32
        %add3A_423 = vector.broadcast %add3A_422 : i32 to vector<16xi32>
        %add3A_424 = arith.addi %iota3A, %add3A_423 : vector<16xi32>
        %add3A_425 = arith.constant 16 : i32
        %add3A_426 = vector.broadcast %add3A_425 : i32 to vector<16xi32>
        %add3A_427 = arith.addi %add3A_371, %add3A_426 : vector<16xi32>
        %gather3A_428 = tpu.vector_load_idx %arg6[%add3A_424, %and3A_367] : memref<32x128xf32, #tpu.memory_space<vmem>>[vector<16xi32>, vector<16xi32>], vector<16xf32>,
        tpu.vector_store_idx %arg8[%add3A_427], %gather3A_428 : memref<4096xf32, #tpu.memory_space<vmem>>[vector<16xi32>], vector<16xf32>,
        %add3A_429 = arith.constant 16 : i32
        %add3A_430 = vector.broadcast %add3A_429 : i32 to vector<16xi32>
        %add3A_431 = arith.addi %and3A_367, %add3A_430 : vector<16xi32>
        %add3A_432 = arith.constant 512 : i32
        %add3A_433 = vector.broadcast %add3A_432 : i32 to vector<16xi32>
        %add3A_434 = arith.addi %add3A_427, %add3A_433 : vector<16xi32>
        %gather3A_435 = tpu.vector_load_idx %arg6[%add3A_424, %add3A_431] : memref<32x128xf32, #tpu.memory_space<vmem>>[vector<16xi32>, vector<16xi32>], vector<16xf32>,
        tpu.vector_store_idx %arg8[%add3A_434], %gather3A_435 : memref<4096xf32, #tpu.memory_space<vmem>>[vector<16xi32>], vector<16xf32>,
        %add3A_436 = arith.constant 32 : i32
        %add3A_437 = vector.broadcast %add3A_436 : i32 to vector<16xi32>
        %add3A_438 = arith.addi %and3A_367, %add3A_437 : vector<16xi32>
        %add3A_439 = arith.constant 1024 : i32
        %add3A_440 = vector.broadcast %add3A_439 : i32 to vector<16xi32>
        %add3A_441 = arith.addi %add3A_427, %add3A_440 : vector<16xi32>
        %gather3A_442 = tpu.vector_load_idx %arg6[%add3A_424, %add3A_438] : memref<32x128xf32, #tpu.memory_space<vmem>>[vector<16xi32>, vector<16xi32>], vector<16xf32>,
        tpu.vector_store_idx %arg8[%add3A_441], %gather3A_442 : memref<4096xf32, #tpu.memory_space<vmem>>[vector<16xi32>], vector<16xf32>,
        %add3A_443 = arith.constant 48 : i32
        %add3A_444 = vector.broadcast %add3A_443 : i32 to vector<16xi32>
        %add3A_445 = arith.addi %and3A_367, %add3A_444 : vector<16xi32>
        %add3A_446 = arith.constant 1536 : i32
        %add3A_447 = vector.broadcast %add3A_446 : i32 to vector<16xi32>
        %add3A_448 = arith.addi %add3A_427, %add3A_447 : vector<16xi32>
        %gather3A_449 = tpu.vector_load_idx %arg6[%add3A_424, %add3A_445] : memref<32x128xf32, #tpu.memory_space<vmem>>[vector<16xi32>, vector<16xi32>], vector<16xf32>,
        tpu.vector_store_idx %arg8[%add3A_448], %gather3A_449 : memref<4096xf32, #tpu.memory_space<vmem>>[vector<16xi32>], vector<16xf32>,
        %add3A_450 = arith.constant 64 : i32
        %add3A_451 = vector.broadcast %add3A_450 : i32 to vector<16xi32>
        %add3A_452 = arith.addi %and3A_367, %add3A_451 : vector<16xi32>
        %add3A_453 = arith.constant 2048 : i32
        %add3A_454 = vector.broadcast %add3A_453 : i32 to vector<16xi32>
        %add3A_455 = arith.addi %add3A_427, %add3A_454 : vector<16xi32>
        %gather3A_456 = tpu.vector_load_idx %arg6[%add3A_424, %add3A_452] : memref<32x128xf32, #tpu.memory_space<vmem>>[vector<16xi32>, vector<16xi32>], vector<16xf32>,
        tpu.vector_store_idx %arg8[%add3A_455], %gather3A_456 : memref<4096xf32, #tpu.memory_space<vmem>>[vector<16xi32>], vector<16xf32>,
        %add3A_457 = arith.constant 80 : i32
        %add3A_458 = vector.broadcast %add3A_457 : i32 to vector<16xi32>
        %add3A_459 = arith.addi %and3A_367, %add3A_458 : vector<16xi32>
        %add3A_460 = arith.constant 2560 : i32
        %add3A_461 = vector.broadcast %add3A_460 : i32 to vector<16xi32>
        %add3A_462 = arith.addi %add3A_427, %add3A_461 : vector<16xi32>
        %gather3A_463 = tpu.vector_load_idx %arg6[%add3A_424, %add3A_459] : memref<32x128xf32, #tpu.memory_space<vmem>>[vector<16xi32>, vector<16xi32>], vector<16xf32>,
        tpu.vector_store_idx %arg8[%add3A_462], %gather3A_463 : memref<4096xf32, #tpu.memory_space<vmem>>[vector<16xi32>], vector<16xf32>,
        %add3A_464 = arith.constant 96 : i32
        %add3A_465 = vector.broadcast %add3A_464 : i32 to vector<16xi32>
        %add3A_466 = arith.addi %and3A_367, %add3A_465 : vector<16xi32>
        %add3A_467 = arith.constant 3072 : i32
        %add3A_468 = vector.broadcast %add3A_467 : i32 to vector<16xi32>
        %add3A_469 = arith.addi %add3A_427, %add3A_468 : vector<16xi32>
        %gather3A_470 = tpu.vector_load_idx %arg6[%add3A_424, %add3A_466] : memref<32x128xf32, #tpu.memory_space<vmem>>[vector<16xi32>, vector<16xi32>], vector<16xf32>,
        tpu.vector_store_idx %arg8[%add3A_469], %gather3A_470 : memref<4096xf32, #tpu.memory_space<vmem>>[vector<16xi32>], vector<16xf32>,
        %add3A_471 = arith.constant 112 : i32
        %add3A_472 = vector.broadcast %add3A_471 : i32 to vector<16xi32>
        %add3A_473 = arith.addi %and3A_367, %add3A_472 : vector<16xi32>
        %add3A_474 = arith.constant 3584 : i32
        %add3A_475 = vector.broadcast %add3A_474 : i32 to vector<16xi32>
        %add3A_476 = arith.addi %add3A_427, %add3A_475 : vector<16xi32>
        %gather3A_477 = tpu.vector_load_idx %arg6[%add3A_424, %add3A_473] : memref<32x128xf32, #tpu.memory_space<vmem>>[vector<16xi32>, vector<16xi32>], vector<16xf32>,
        tpu.vector_store_idx %arg8[%add3A_476], %gather3A_477 : memref<4096xf32, #tpu.memory_space<vmem>>[vector<16xi32>], vector<16xf32>,
        %mul3A_478 = arith.constant 4 : i32
        %mul3A_479 = arith.muli %mul3A_478, %scan3A_122 : i32
        %add3A_480 = arith.constant 3 : i32
        %add3A_481 = arith.addi %mul3A_479, %add3A_480 : i32
        %add3A_482 = vector.broadcast %add3A_481 : i32 to vector<16xi32>
        %add3A_483 = arith.addi %iota3A, %add3A_482 : vector<16xi32>
        %and3A_484 = arith.constant 15 : i32
        %and3A_485 = vector.broadcast %and3A_484 : i32 to vector<16xi32>
        %and3A_486 = arith.andi %add3A_483, %and3A_485 : vector<16xi32>
        %mul3A_487 = arith.constant 32 : i32
        %mul3A_488 = vector.broadcast %mul3A_487 : i32 to vector<16xi32>
        %mul3A_489 = arith.muli %and3A_486, %mul3A_488 : vector<16xi32>
        %add3A_490 = arith.addi %mul3A_489, %iota3A : vector<16xi32>
        %gather3A_491 = tpu.vector_load_idx %arg6[%iota3A, %and3A_486] : memref<32x128xf32, #tpu.memory_space<vmem>>[vector<16xi32>, vector<16xi32>], vector<16xf32>,
        tpu.vector_store_idx %arg8[%add3A_490], %gather3A_491 : memref<4096xf32, #tpu.memory_space<vmem>>[vector<16xi32>], vector<16xf32>,
        %add3A_492 = arith.constant 16 : i32
        %add3A_493 = vector.broadcast %add3A_492 : i32 to vector<16xi32>
        %add3A_494 = arith.addi %and3A_486, %add3A_493 : vector<16xi32>
        %add3A_495 = arith.constant 512 : i32
        %add3A_496 = vector.broadcast %add3A_495 : i32 to vector<16xi32>
        %add3A_497 = arith.addi %add3A_490, %add3A_496 : vector<16xi32>
        %gather3A_498 = tpu.vector_load_idx %arg6[%iota3A, %add3A_494] : memref<32x128xf32, #tpu.memory_space<vmem>>[vector<16xi32>, vector<16xi32>], vector<16xf32>,
        tpu.vector_store_idx %arg8[%add3A_497], %gather3A_498 : memref<4096xf32, #tpu.memory_space<vmem>>[vector<16xi32>], vector<16xf32>,
        %add3A_499 = arith.constant 32 : i32
        %add3A_500 = vector.broadcast %add3A_499 : i32 to vector<16xi32>
        %add3A_501 = arith.addi %and3A_486, %add3A_500 : vector<16xi32>
        %add3A_502 = arith.constant 1024 : i32
        %add3A_503 = vector.broadcast %add3A_502 : i32 to vector<16xi32>
        %add3A_504 = arith.addi %add3A_490, %add3A_503 : vector<16xi32>
        %gather3A_505 = tpu.vector_load_idx %arg6[%iota3A, %add3A_501] : memref<32x128xf32, #tpu.memory_space<vmem>>[vector<16xi32>, vector<16xi32>], vector<16xf32>,
        tpu.vector_store_idx %arg8[%add3A_504], %gather3A_505 : memref<4096xf32, #tpu.memory_space<vmem>>[vector<16xi32>], vector<16xf32>,
        %add3A_506 = arith.constant 48 : i32
        %add3A_507 = vector.broadcast %add3A_506 : i32 to vector<16xi32>
        %add3A_508 = arith.addi %and3A_486, %add3A_507 : vector<16xi32>
        %add3A_509 = arith.constant 1536 : i32
        %add3A_510 = vector.broadcast %add3A_509 : i32 to vector<16xi32>
        %add3A_511 = arith.addi %add3A_490, %add3A_510 : vector<16xi32>
        %gather3A_512 = tpu.vector_load_idx %arg6[%iota3A, %add3A_508] : memref<32x128xf32, #tpu.memory_space<vmem>>[vector<16xi32>, vector<16xi32>], vector<16xf32>,
        tpu.vector_store_idx %arg8[%add3A_511], %gather3A_512 : memref<4096xf32, #tpu.memory_space<vmem>>[vector<16xi32>], vector<16xf32>,
        %add3A_513 = arith.constant 64 : i32
        %add3A_514 = vector.broadcast %add3A_513 : i32 to vector<16xi32>
        %add3A_515 = arith.addi %and3A_486, %add3A_514 : vector<16xi32>
        %add3A_516 = arith.constant 2048 : i32
        %add3A_517 = vector.broadcast %add3A_516 : i32 to vector<16xi32>
        %add3A_518 = arith.addi %add3A_490, %add3A_517 : vector<16xi32>
        %gather3A_519 = tpu.vector_load_idx %arg6[%iota3A, %add3A_515] : memref<32x128xf32, #tpu.memory_space<vmem>>[vector<16xi32>, vector<16xi32>], vector<16xf32>,
        tpu.vector_store_idx %arg8[%add3A_518], %gather3A_519 : memref<4096xf32, #tpu.memory_space<vmem>>[vector<16xi32>], vector<16xf32>,
        %add3A_520 = arith.constant 80 : i32
        %add3A_521 = vector.broadcast %add3A_520 : i32 to vector<16xi32>
        %add3A_522 = arith.addi %and3A_486, %add3A_521 : vector<16xi32>
        %add3A_523 = arith.constant 2560 : i32
        %add3A_524 = vector.broadcast %add3A_523 : i32 to vector<16xi32>
        %add3A_525 = arith.addi %add3A_490, %add3A_524 : vector<16xi32>
        %gather3A_526 = tpu.vector_load_idx %arg6[%iota3A, %add3A_522] : memref<32x128xf32, #tpu.memory_space<vmem>>[vector<16xi32>, vector<16xi32>], vector<16xf32>,
        tpu.vector_store_idx %arg8[%add3A_525], %gather3A_526 : memref<4096xf32, #tpu.memory_space<vmem>>[vector<16xi32>], vector<16xf32>,
        %add3A_527 = arith.constant 96 : i32
        %add3A_528 = vector.broadcast %add3A_527 : i32 to vector<16xi32>
        %add3A_529 = arith.addi %and3A_486, %add3A_528 : vector<16xi32>
        %add3A_530 = arith.constant 3072 : i32
        %add3A_531 = vector.broadcast %add3A_530 : i32 to vector<16xi32>
        %add3A_532 = arith.addi %add3A_490, %add3A_531 : vector<16xi32>
        %gather3A_533 = tpu.vector_load_idx %arg6[%iota3A, %add3A_529] : memref<32x128xf32, #tpu.memory_space<vmem>>[vector<16xi32>, vector<16xi32>], vector<16xf32>,
        tpu.vector_store_idx %arg8[%add3A_532], %gather3A_533 : memref<4096xf32, #tpu.memory_space<vmem>>[vector<16xi32>], vector<16xf32>,
        %add3A_534 = arith.constant 112 : i32
        %add3A_535 = vector.broadcast %add3A_534 : i32 to vector<16xi32>
        %add3A_536 = arith.addi %and3A_486, %add3A_535 : vector<16xi32>
        %add3A_537 = arith.constant 3584 : i32
        %add3A_538 = vector.broadcast %add3A_537 : i32 to vector<16xi32>
        %add3A_539 = arith.addi %add3A_490, %add3A_538 : vector<16xi32>
        %gather3A_540 = tpu.vector_load_idx %arg6[%iota3A, %add3A_536] : memref<32x128xf32, #tpu.memory_space<vmem>>[vector<16xi32>, vector<16xi32>], vector<16xf32>,
        tpu.vector_store_idx %arg8[%add3A_539], %gather3A_540 : memref<4096xf32, #tpu.memory_space<vmem>>[vector<16xi32>], vector<16xf32>,
        %add3A_541 = arith.constant 16 : i32
        %add3A_542 = vector.broadcast %add3A_541 : i32 to vector<16xi32>
        %add3A_543 = arith.addi %iota3A, %add3A_542 : vector<16xi32>
        %add3A_544 = arith.constant 16 : i32
        %add3A_545 = vector.broadcast %add3A_544 : i32 to vector<16xi32>
        %add3A_546 = arith.addi %add3A_490, %add3A_545 : vector<16xi32>
        %gather3A_547 = tpu.vector_load_idx %arg6[%add3A_543, %and3A_486] : memref<32x128xf32, #tpu.memory_space<vmem>>[vector<16xi32>, vector<16xi32>], vector<16xf32>,
        tpu.vector_store_idx %arg8[%add3A_546], %gather3A_547 : memref<4096xf32, #tpu.memory_space<vmem>>[vector<16xi32>], vector<16xf32>,
        %add3A_548 = arith.constant 16 : i32
        %add3A_549 = vector.broadcast %add3A_548 : i32 to vector<16xi32>
        %add3A_550 = arith.addi %and3A_486, %add3A_549 : vector<16xi32>
        %add3A_551 = arith.constant 512 : i32
        %add3A_552 = vector.broadcast %add3A_551 : i32 to vector<16xi32>
        %add3A_553 = arith.addi %add3A_546, %add3A_552 : vector<16xi32>
        %gather3A_554 = tpu.vector_load_idx %arg6[%add3A_543, %add3A_550] : memref<32x128xf32, #tpu.memory_space<vmem>>[vector<16xi32>, vector<16xi32>], vector<16xf32>,
        tpu.vector_store_idx %arg8[%add3A_553], %gather3A_554 : memref<4096xf32, #tpu.memory_space<vmem>>[vector<16xi32>], vector<16xf32>,
        %add3A_555 = arith.constant 32 : i32
        %add3A_556 = vector.broadcast %add3A_555 : i32 to vector<16xi32>
        %add3A_557 = arith.addi %and3A_486, %add3A_556 : vector<16xi32>
        %add3A_558 = arith.constant 1024 : i32
        %add3A_559 = vector.broadcast %add3A_558 : i32 to vector<16xi32>
        %add3A_560 = arith.addi %add3A_546, %add3A_559 : vector<16xi32>
        %gather3A_561 = tpu.vector_load_idx %arg6[%add3A_543, %add3A_557] : memref<32x128xf32, #tpu.memory_space<vmem>>[vector<16xi32>, vector<16xi32>], vector<16xf32>,
        tpu.vector_store_idx %arg8[%add3A_560], %gather3A_561 : memref<4096xf32, #tpu.memory_space<vmem>>[vector<16xi32>], vector<16xf32>,
        %add3A_562 = arith.constant 48 : i32
        %add3A_563 = vector.broadcast %add3A_562 : i32 to vector<16xi32>
        %add3A_564 = arith.addi %and3A_486, %add3A_563 : vector<16xi32>
        %add3A_565 = arith.constant 1536 : i32
        %add3A_566 = vector.broadcast %add3A_565 : i32 to vector<16xi32>
        %add3A_567 = arith.addi %add3A_546, %add3A_566 : vector<16xi32>
        %gather3A_568 = tpu.vector_load_idx %arg6[%add3A_543, %add3A_564] : memref<32x128xf32, #tpu.memory_space<vmem>>[vector<16xi32>, vector<16xi32>], vector<16xf32>,
        tpu.vector_store_idx %arg8[%add3A_567], %gather3A_568 : memref<4096xf32, #tpu.memory_space<vmem>>[vector<16xi32>], vector<16xf32>,
        %add3A_569 = arith.constant 64 : i32
        %add3A_570 = vector.broadcast %add3A_569 : i32 to vector<16xi32>
        %add3A_571 = arith.addi %and3A_486, %add3A_570 : vector<16xi32>
        %add3A_572 = arith.constant 2048 : i32
        %add3A_573 = vector.broadcast %add3A_572 : i32 to vector<16xi32>
        %add3A_574 = arith.addi %add3A_546, %add3A_573 : vector<16xi32>
        %gather3A_575 = tpu.vector_load_idx %arg6[%add3A_543, %add3A_571] : memref<32x128xf32, #tpu.memory_space<vmem>>[vector<16xi32>, vector<16xi32>], vector<16xf32>,
        tpu.vector_store_idx %arg8[%add3A_574], %gather3A_575 : memref<4096xf32, #tpu.memory_space<vmem>>[vector<16xi32>], vector<16xf32>,
        %add3A_576 = arith.constant 80 : i32
        %add3A_577 = vector.broadcast %add3A_576 : i32 to vector<16xi32>
        %add3A_578 = arith.addi %and3A_486, %add3A_577 : vector<16xi32>
        %add3A_579 = arith.constant 2560 : i32
        %add3A_580 = vector.broadcast %add3A_579 : i32 to vector<16xi32>
        %add3A_581 = arith.addi %add3A_546, %add3A_580 : vector<16xi32>
        %gather3A_582 = tpu.vector_load_idx %arg6[%add3A_543, %add3A_578] : memref<32x128xf32, #tpu.memory_space<vmem>>[vector<16xi32>, vector<16xi32>], vector<16xf32>,
        tpu.vector_store_idx %arg8[%add3A_581], %gather3A_582 : memref<4096xf32, #tpu.memory_space<vmem>>[vector<16xi32>], vector<16xf32>,
        %add3A_583 = arith.constant 96 : i32
        %add3A_584 = vector.broadcast %add3A_583 : i32 to vector<16xi32>
        %add3A_585 = arith.addi %and3A_486, %add3A_584 : vector<16xi32>
        %add3A_586 = arith.constant 3072 : i32
        %add3A_587 = vector.broadcast %add3A_586 : i32 to vector<16xi32>
        %add3A_588 = arith.addi %add3A_546, %add3A_587 : vector<16xi32>
        %gather3A_589 = tpu.vector_load_idx %arg6[%add3A_543, %add3A_585] : memref<32x128xf32, #tpu.memory_space<vmem>>[vector<16xi32>, vector<16xi32>], vector<16xf32>,
        tpu.vector_store_idx %arg8[%add3A_588], %gather3A_589 : memref<4096xf32, #tpu.memory_space<vmem>>[vector<16xi32>], vector<16xf32>,
        %add3A_590 = arith.constant 112 : i32
        %add3A_591 = vector.broadcast %add3A_590 : i32 to vector<16xi32>
        %add3A_592 = arith.addi %and3A_486, %add3A_591 : vector<16xi32>
        %add3A_593 = arith.constant 3584 : i32
        %add3A_594 = vector.broadcast %add3A_593 : i32 to vector<16xi32>
        %add3A_595 = arith.addi %add3A_546, %add3A_594 : vector<16xi32>
        %gather3A_596 = tpu.vector_load_idx %arg6[%add3A_543, %add3A_592] : memref<32x128xf32, #tpu.memory_space<vmem>>[vector<16xi32>, vector<16xi32>], vector<16xf32>,
        tpu.vector_store_idx %arg8[%add3A_595], %gather3A_596 : memref<4096xf32, #tpu.memory_space<vmem>>[vector<16xi32>], vector<16xf32>,
      }
      %scan3A_105 = arith.constant 4 : i32
      %mul3A_106 = arith.constant 245 : i32
      %mul3A_107 = arith.muli %add3A, %mul3A_106 : i32
      %add3A_108 = arith.addi %mul3A_107, %add3A_88 : i32
      %min3A_109 = arith.constant 7811 : i32
      %min3A_110 = arith.minsi %add3A_108, %min3A_109 : i32
      %mul3A_111 = arith.constant 4096 : i32
      %mul3A_112 = arith.muli %mul3A_111, %min3A_110 : i32
      %dma_start3A_113 = tpu.memref_slice %arg4[%mul3A_112] : memref<32000000xf32, #tpu.memory_space<hbm>> -> memref<4096xf32, #tpu.memory_space<hbm>>
      %dma_start3A_114 = tpu.memref_slice %arg4[%mul3A_112] : memref<32000000xf32, #tpu.memory_space<hbm>> -> memref<4096xf32, #tpu.memory_space<hbm>>
      tpu.enqueue_dma source(%arg8 : memref<4096xf32, #tpu.memory_space<vmem>>) target(%dma_start3A_114 : memref<4096xf32, #tpu.memory_space<hbm>>) target_semaphore(%arg12 : memref<!tpu.dma_semaphore, #tpu.memory_space<semaphore_mem>>)
      %add3A_115 = arith.constant 2 : i32
      %add3A_116 = arith.addi %add3A_88, %add3A_115 : i32
      %lt3A_117 = arith.constant 246 : i32
      %lt3A_118 = arith.cmpi slt, %add3A_116, %lt3A_117 : i32
      %convert_element_type3A_119 = arith.extui %lt3A_118 : i1 to i32
      %cond3A_120 = arith.constant 0 : i32
      %cond3A_121 = arith.cmpi ne, %convert_element_type3A_119, %cond3A_120 : i32
      scf.if %cond3A_121 {
        %add3A_122 = arith.constant 2 : i32
        %add3A_123 = arith.addi %add3A_88, %add3A_122 : i32
        %mul3A_124 = arith.constant 245 : i32
        %mul3A_125 = arith.muli %add3A, %mul3A_124 : i32
        %add3A_126 = arith.addi %mul3A_125, %add3A_123 : i32
        %min3A_127 = arith.constant 7811 : i32
        %min3A_128 = arith.minsi %add3A_126, %min3A_127 : i32
        %mul3A_129 = arith.constant 128 : i32
        %mul3A_130 = arith.muli %mul3A_129, %min3A_128 : i32
        %dma_start3A_131 = arith.constant 0 : i32
        %dma_start3A_132 = tpu.memref_slice %arg2[%dma_start3A_131, %mul3A_130] : memref<32x1000000xf32, #tpu.memory_space<hbm>> -> memref<32x128xf32, #tpu.memory_space<hbm>>
        %dma_start3A_133 = arith.constant 0 : i32
        %dma_start3A_134 = tpu.memref_slice %arg2[%dma_start3A_133, %mul3A_130] : memref<32x1000000xf32, #tpu.memory_space<hbm>> -> memref<32x128xf32, #tpu.memory_space<hbm>>
        tpu.enqueue_dma source(%dma_start3A_134 : memref<32x128xf32, #tpu.memory_space<hbm>>) target(%arg6 : memref<32x128xf32, #tpu.memory_space<vmem>>) target_semaphore(%arg10 : memref<!tpu.dma_semaphore, #tpu.memory_space<semaphore_mem>>)
      } else {
      }
    }
    %scan3A_27 = arith.constant 123 : i32
    %mul3A_28 = arith.constant 245 : i32
    %mul3A_29 = arith.muli %add3A, %mul3A_28 : i32
    %add3A_30 = arith.constant 244 : i32
    %add3A_31 = arith.addi %mul3A_29, %add3A_30 : i32
    %min3A_32 = arith.constant 7811 : i32
    %min3A_33 = arith.minsi %add3A_31, %min3A_32 : i32
    %mul3A_34 = arith.constant 4096 : i32
    %mul3A_35 = arith.muli %mul3A_34, %min3A_33 : i32
    %dma_wait3A = tpu.memref_slice %arg4[%mul3A_35] : memref<32000000xf32, #tpu.memory_space<hbm>> -> memref<4096xf32, #tpu.memory_space<hbm>>
    %dma_wait3A_36 = tpu.memref_slice %arg4[%mul3A_35] : memref<32000000xf32, #tpu.memory_space<hbm>> -> memref<4096xf32, #tpu.memory_space<hbm>>
    tpu.wait_dma2 semaphore(%arg11 : memref<!tpu.dma_semaphore, #tpu.memory_space<semaphore_mem>>) src(%arg7 : memref<4096xf32, #tpu.memory_space<vmem>>) dst(%dma_wait3A_36 : memref<4096xf32, #tpu.memory_space<hbm>>)
    %mul3A_37 = arith.constant 245 : i32
    %mul3A_38 = arith.muli %add3A, %mul3A_37 : i32
    %add3A_39 = arith.constant 245 : i32
    %add3A_40 = arith.addi %mul3A_38, %add3A_39 : i32
    %min3A_41 = arith.constant 7811 : i32
    %min3A_42 = arith.minsi %add3A_40, %min3A_41 : i32
    %mul3A_43 = arith.constant 4096 : i32
    %mul3A_44 = arith.muli %mul3A_43, %min3A_42 : i32
    %dma_wait3A_45 = tpu.memref_slice %arg4[%mul3A_44] : memref<32000000xf32, #tpu.memory_space<hbm>> -> memref<4096xf32, #tpu.memory_space<hbm>>
    %dma_wait3A_46 = tpu.memref_slice %arg4[%mul3A_44] : memref<32000000xf32, #tpu.memory_space<hbm>> -> memref<4096xf32, #tpu.memory_space<hbm>>
    tpu.wait_dma2 semaphore(%arg12 : memref<!tpu.dma_semaphore, #tpu.memory_space<semaphore_mem>>) src(%arg8 : memref<4096xf32, #tpu.memory_space<vmem>>) dst(%dma_wait3A_46 : memref<4096xf32, #tpu.memory_space<hbm>>)
    %eq3A = arith.constant 31 : i32
    %eq3A_47 = arith.cmpi eq, %add3A, %eq3A : i32
    %convert_element_type3A = arith.extui %eq3A_47 : i1 to i32
    %cond3A = arith.constant 0 : i32
    %cond3A_48 = arith.cmpi ne, %convert_element_type3A, %cond3A : i32
    scf.if %cond3A_48 {
      "tpu.region"() ({
        %run_scoped3A = tpu.sem_alloc : memref<!tpu.dma_semaphore, #tpu.memory_space<semaphore_mem>>
        %dma_start3A_49 = arith.constant 0 : i32
        %dma_start3A_50 = tpu.memref_slice %arg7[%dma_start3A_49] : memref<4096xf32, #tpu.memory_space<vmem>> -> memref<2048xf32, #tpu.memory_space<vmem>>
        %dma_start3A_51 = arith.constant 0 : i32
        %dma_start3A_52 = tpu.memref_slice %arg7[%dma_start3A_51] : memref<4096xf32, #tpu.memory_space<vmem>> -> memref<2048xf32, #tpu.memory_space<vmem>>
        tpu.enqueue_dma source(%arg3 : memref<2048xf32, #tpu.memory_space<hbm>>) target(%dma_start3A_52 : memref<2048xf32, #tpu.memory_space<vmem>>) target_semaphore(%run_scoped3A : memref<!tpu.dma_semaphore, #tpu.memory_space<semaphore_mem>>)
        %dma_wait3A_53 = arith.constant 0 : i32
        %dma_wait3A_54 = tpu.memref_slice %arg7[%dma_wait3A_53] : memref<4096xf32, #tpu.memory_space<vmem>> -> memref<2048xf32, #tpu.memory_space<vmem>>
        %dma_wait3A_55 = arith.constant 0 : i32
        %dma_wait3A_56 = tpu.memref_slice %arg7[%dma_wait3A_55] : memref<4096xf32, #tpu.memory_space<vmem>> -> memref<2048xf32, #tpu.memory_space<vmem>>
        tpu.wait_dma2 semaphore(%run_scoped3A : memref<!tpu.dma_semaphore, #tpu.memory_space<semaphore_mem>>) src(%arg3 : memref<2048xf32, #tpu.memory_space<hbm>>) dst(%dma_wait3A_56 : memref<2048xf32, #tpu.memory_space<vmem>>)
        tpu.yield
      }) : () -> ()
      "tpu.region"() ({
        %run_scoped3A = tpu.sem_alloc : memref<!tpu.dma_semaphore, #tpu.memory_space<semaphore_mem>>
        %dma_start3A_49 = arith.constant 0 : i32
        %dma_start3A_50 = tpu.memref_slice %arg7[%dma_start3A_49] : memref<4096xf32, #tpu.memory_space<vmem>> -> memref<2048xf32, #tpu.memory_space<vmem>>
        %dma_start3A_51 = arith.constant 31997952 : i32
        %dma_start3A_52 = tpu.memref_slice %arg4[%dma_start3A_51] : memref<32000000xf32, #tpu.memory_space<hbm>> -> memref<2048xf32, #tpu.memory_space<hbm>>
        %dma_start3A_53 = arith.constant 31997952 : i32
        %dma_start3A_54 = tpu.memref_slice %arg4[%dma_start3A_53] : memref<32000000xf32, #tpu.memory_space<hbm>> -> memref<2048xf32, #tpu.memory_space<hbm>>
        %dma_start3A_55 = arith.constant 0 : i32
        %dma_start3A_56 = tpu.memref_slice %arg7[%dma_start3A_55] : memref<4096xf32, #tpu.memory_space<vmem>> -> memref<2048xf32, #tpu.memory_space<vmem>>
        tpu.enqueue_dma source(%dma_start3A_56 : memref<2048xf32, #tpu.memory_space<vmem>>) target(%dma_start3A_54 : memref<2048xf32, #tpu.memory_space<hbm>>) target_semaphore(%run_scoped3A : memref<!tpu.dma_semaphore, #tpu.memory_space<semaphore_mem>>)
        %dma_wait3A_57 = arith.constant 0 : i32
        %dma_wait3A_58 = tpu.memref_slice %arg7[%dma_wait3A_57] : memref<4096xf32, #tpu.memory_space<vmem>> -> memref<2048xf32, #tpu.memory_space<vmem>>
        %dma_wait3A_59 = arith.constant 31997952 : i32
        %dma_wait3A_60 = tpu.memref_slice %arg4[%dma_wait3A_59] : memref<32000000xf32, #tpu.memory_space<hbm>> -> memref<2048xf32, #tpu.memory_space<hbm>>
        %dma_wait3A_61 = arith.constant 31997952 : i32
        %dma_wait3A_62 = tpu.memref_slice %arg4[%dma_wait3A_61] : memref<32000000xf32, #tpu.memory_space<hbm>> -> memref<2048xf32, #tpu.memory_space<hbm>>
        %dma_wait3A_63 = arith.constant 0 : i32
        %dma_wait3A_64 = tpu.memref_slice %arg7[%dma_wait3A_63] : memref<4096xf32, #tpu.memory_space<vmem>> -> memref<2048xf32, #tpu.memory_space<vmem>>
        tpu.wait_dma2 semaphore(%run_scoped3A : memref<!tpu.dma_semaphore, #tpu.memory_space<semaphore_mem>>) src(%dma_wait3A_64 : memref<2048xf32, #tpu.memory_space<vmem>>) dst(%dma_wait3A_62 : memref<2048xf32, #tpu.memory_space<hbm>>)
        tpu.yield
      }) : () -> ()
    } else {
    }
    return
  }
}

</mosaic_0001>

<sc_bundles>
// kernel: _detile.3.cloned.1.call-start
scs
__scs_entry_jumppad:
0x0: {  	(pc) =	sbr.rel $0x88, $3  }
0x1: {  	(tag) =	ssettag $0x0;
	lr =	simm.s32 $0x1  }
0x2: {  	[smem:$0x3F9F] =	sst lr;
	_ =	strace $0xD0000000  }
0x3: {  	_ = 	snop  }
0x4: {  	_ = 	snop  }
0x5: {  	_ = 	snop  }
0x6: {  	_ = 	snop  }
0x7: {  	_ = 	snop  }
__scs_overlays_trampoline_lowered:
0x8: {  	[smem:$0x3FAE] =	sst s0  }
0x9: {  	[smem:$0x3FAF] =	sst s1  }
0xa: {  	[smem:$0x3FB0] =	sst s2  }
0xb: {  	[smem:$0x3FB1] =	sst s3  }
0xc: {  	[smem:$0x3FB2] =	sst s4  }
0xd: {  	[smem:$0x3FB3] =	sst s5  }
0xe: {  	[smem:$0x3FB4] =	sst s6  }
0xf: {  	[smem:$0x3FB5] =	sst s7  }
0x10: {  	[smem:$0x3FB6] =	sst s8  }
0x11: {  	[smem:$0x3FB7] =	sst s9;
	s0 =	simm.s32 @!p0 $0x0  }
0x12: {  	s1 =	sld [smem:$0x3F9D];
	s0 =	simm.s32 @p0 $0x1  }
0x13: {  	[smem:$0x3FB8] =	sst s0;
	s0 =	simm.s32 @!p1 $0x0  }
0x14: {  	s2 =	sld [smem:$0x3F9C];
	s0 =	simm.s32 @p1 $0x1  }
0x15: {  	[smem:$0x3FB9] =	sst s0;
	s0 =	simm.s32 @!p2 $0x0  }
0x16: {  	s3 =	sld [smem:$0x3FDB];
	s0 =	simm.s32 @p2 $0x1  }
0x17: {  	s4 =	simm.s32 $0x1BF5;
	[smem:$0x3FBB] =	sst s0  }
0x18: {  	s0 =	sld [smem:$0x3F9E];
	_ =	swait.ge [sflag:s4], $0x0  }
0x19: {  	s7 =	sld [smem:$0x3F9F]  }
0x1a: {  	s8 =	sadd.s32 $0xFFFFE003, lr  }
0x1b: {  	s9 =	sadd.s32 $0xFFFFFEF7, lr;
	s5 =	simm.s32 $0xFFFFFFFF;
	p2 =	slt.u32 s8, $0xFFFFF086  }
0x1c: {  	p1 =	slt.u32 s9, $0xF7A;
	s5 =	simm.s32 @!p2 $0x0  }
0x1d: {  	s5 =	simm.s32 @p1 $0x1;
	p0 =	seq.s32 s7, s2  }
0x1e: {  	s7 =	smul.u32 @!p0 $0xF7A, s2;
	p2 =	seq.s32 @!p0 s5, $0x0  }
0x1f: {  	s9 =	smul.u32 $0xF7A, s1;
	s8 =	simm.s32 @!p0 $0x1BF5;
	p2 =	por !p2, p0  }
0x20: {  	[sflag:s8] =	ssyncset.s32 @!p0 $0xFFFFF086;
	s6 =	sadd.s32 @!p0 s3, s7;
	s7 =	simm.s32 @!p0 $0x108  }
0x21: {  	s3 =	sadd.s32 s3, s9;
	s6 =	sadd.s32 @!p0 $0x88, s6;
	s7 =	simm.s32 @p2 $0x1082  }
0x22: {  	[simem:s7], [sflag:s8] =	dma.local @!p0 [hbm:s6], $0xF7A  }
0x23: {  	s9 =	sor.u32 $0xD0000000, s2;
	s6 =	simm.s32 $0x108;
	_ =	swait.ge @!p0 [sflag:s8], $0x0  }
0x24: {  	s3 =	sadd.s32 $0x88, s3;
	s6 =	simm.s32 @!p1 $0x1082;
	[sflag:s4] =	ssyncset.s32 $0xFFFFF086  }
0x25: {  	[simem:s6], [sflag:s4] =	dma.local [hbm:s3], $0xF7A  }
0x26: {  	[smem:$0x3F9F] =	sst s1;
	(tag) =	ssettag s2;
	_ =	strace s9  }
0x27: {  	s1 =	sld [smem:$0x3FAF]  }
0x28: {  	s2 =	sld [smem:$0x3FB0]  }
0x29: {  	s4 =	sld [smem:$0x3FB2]  }
0x2a: {  	p0 =	seq.s32 s5, $0x0;
	s5 =	sld [smem:$0x3FB3]  }
0x2b: {  	s6 =	sld [smem:$0x3FB4]  }
0x2c: {  	s7 =	sld [smem:$0x3FB5]  }
0x2d: {  	s3 =	simm.s32 $0x108;
	s8 =	sld [smem:$0x3FB6]  }
0x2e: {  	s3 =	simm.s32 @!p0 $0x1082;
	s9 =	sld [smem:$0x3FB7]  }
0x2f: {  	lr =	sadd.s32 s0, s3;
	s0 =	sld [smem:$0x3FAE]  }
0x30: {  	s3 =	sld [smem:$0x3FB1]  }
0x31: {  	[smem:$0x3FBA] =	sst s10  }
0x32: {  	s10 =	sld [smem:$0x3FB8];
	_ =	sdelay $0x3  }
0x33: {  	p0 =	seq.s32 s10, $0x1;
	s10 =	sld [smem:$0x3FBA];
	_ =	sdelay $0x3  }
0x34: {  	[smem:$0x3FBA] =	sst s10  }
0x35: {  	s10 =	sld [smem:$0x3FB9];
	_ =	sdelay $0x3  }
0x36: {  	p1 =	seq.s32 s10, $0x1;
	s10 =	sld [smem:$0x3FBA];
	_ =	sdelay $0x3  }
0x37: {  	[smem:$0x3FBA] =	sst s10  }
0x38: {  	s10 =	sld [smem:$0x3FBB]  }
0x39: {  	_ = 	snop;
	(pc) =	sbr.ind lr, $3  }
0x3a: {  	_ = 	snop  }
0x3b: {  	_ = 	snop  }
0x3c: {  	p2 =	seq.s32 s10, $0x1;
	s10 =	sld [smem:$0x3FBA]  }
0x3d: {  	_ =	shalt  }
0x3e: {  	_ =	shalt  }
0x3f: {  	_ =	shalt  }
0x40: {  	_ =	shalt  }
0x41: {  	_ =	shalt  }
0x42: {  	_ =	shalt  }
0x43: {  	_ =	shalt  }
0x44: {  	_ =	shalt  }
0x45: {  	_ =	shalt  }
0x46: {  	_ =	shalt  }
0x47: {  	_ =	shalt  }
0x48: {  	_ =	shalt  }
0x49: {  	_ =	shalt  }
0x4a: {  	_ =	shalt  }
0x4b: {  	_ =	shalt  }
0x4c: {  	_ =	shalt  }
0x4d: {  	_ =	shalt  }
0x4e: {  	_ =	shalt  }
0x4f: {  	_ =	shalt  }
0x50: {  	_ =	shalt  }
0x51: {  	_ =	shalt  }
0x52: {  	_ =	shalt  }
0x53: {  	_ =	shalt  }
0x54: {  	_ =	shalt  }
0x55: {  	_ =	shalt  }
0x56: {  	_ =	shalt  }
0x57: {  	_ =	shalt  }
0x58: {  	_ =	shalt  }
0x59: {  	_ =	shalt  }
0x5a: {  	_ =	shalt  }
0x5b: {  	_ =	shalt  }
0x5c: {  	_ =	shalt  }
0x5d: {  	_ =	shalt  }
0x5e: {  	_ =	shalt  }
0x5f: {  	_ =	shalt  }
0x60: {  	_ =	shalt  }
0x61: {  	_ =	shalt  }
0x62: {  	_ =	shalt  }
0x63: {  	_ =	shalt  }
0x64: {  	_ =	shalt  }
0x65: {  	_ =	shalt  }
0x66: {  	_ =	shalt  }
0x67: {  	_ =	shalt  }
0x68: {  	_ =	shalt  }
0x69: {  	_ =	shalt  }
0x6a: {  	_ =	shalt  }
0x6b: {  	_ =	shalt  }
0x6c: {  	_ =	shalt  }
0x6d: {  	_ =	shalt  }
0x6e: {  	_ =	shalt  }
0x6f: {  	_ =	shalt  }
0x70: {  	_ =	shalt  }
0x71: {  	_ =	shalt  }
0x72: {  	_ =	shalt  }
0x73: {  	_ =	shalt  }
0x74: {  	_ =	shalt  }
0x75: {  	_ =	shalt  }
0x76: {  	_ =	shalt  }
0x77: {  	_ =	shalt  }
0x78: {  	_ =	shalt  }
0x79: {  	_ =	shalt  }
0x7a: {  	_ =	shalt  }
0x7b: {  	_ =	shalt  }
0x7c: {  	_ =	shalt  }
0x7d: {  	_ =	shalt  }
0x7e: {  	_ =	shalt  }
0x7f: {  	_ =	shalt  }
0x80: {  	_ =	shalt  }
0x81: {  	_ =	shalt  }
0x82: {  	_ =	shalt  }
0x83: {  	_ =	shalt  }
0x84: {  	_ =	shalt  }
0x85: {  	_ =	shalt  }
0x86: {  	_ =	shalt  }
0x87: {  	_ =	shalt  }
.Lfunc_end0:
.L_simem_size_0:
called_computation_lowered:
.L_overlay_start_0:
0x88: {  	s2 =	sld [smem:$0x3FD9]  }
0x89: {  	s3 =	sld [smem:$0x3FFE];
	_ =	sdelay $0x1  }
0x8a: {  	s1 =	srdreg.scid  }
0x8b: {  	s0 =	sand.u32 $0x1, s1  }
0x8c: {  	s18 =	sshll.u32 s0, $0xA;
	s2 =	sadd.s32 s3, s2  }
0x8d: {  	s2 =	sadd.s32 s2, s18  }
0x8e: {  	[smem:$0x3FC6] =	sst s2  }
0x8f: {  	_ = 	snop  }
0x90: {  	s2 =	sld [smem:$0x3FC9]  }
0x91: {  	s19 =	sld [smem:$0x3FC8]  }
0x92: {  	s4 =	sld [smem:$0x3FD0];
	(tm) =	ssettm $0x1  }
0x93: {  	s5 =	sld [smem:$0x3FFB];
	_ =	sdelay $0x3  }
0x94: {  	_ =	strace s5  }
0x95: {  	s5 =	sld [smem:$0x3FFC];
	_ =	sdelay $0x3  }
0x96: {  	_ =	strace s5  }
0x97: {  	s5 =	sld [smem:$0x3FFD];
	_ =	sdelay $0x3  }
0x98: {  	_ =	strace s5  }
0x99: {  	_ =	strace $0x8FFFFFFF  }
0x9a: {  	s20 =	sld [smem:$0x3FDB];
	_ =	sdelay $0x1  }
0x9b: {  	s6 =	simm.s32 $_scs_section_size  }
0x9c: {  	s7 =	simm.s32 $_size__tile_overlayer_lowered;
	s8 =	simm.s32 $_tile_overlayer_lowered  }
0x9d: {  	s23 =	simm.s32 $0x1BFF;
	s22 =	sshll.u32 s8, $0x1;
	s5 =	sadd.s32 s6, s20  }
0x9e: {  	s9 =	simm.s32 $0x0;
	s21 =	sshll.u32 s7, $0x1;
	s7 =	sadd.s32 s22, s5  }
0x9f: {  	[timem:s9], [sflag:s23] =	dma.local [hbm:s7], s21  }
0xa0: {  	_ =	swait.ge [sflag:s23], s21  }
0xa1: {  	s6 =	ssub.s32 $0x0, s21;
	[sflag:s23] =	ssyncset.done $0x0  }
0xa2: {  	[sflag:s23] =	ssyncadd.s32 s6;
	_ =	sdelay $0x1  }
0xa3: {  	s24 =	simm.s32 $0x1B8B  }
0xa4: {  	_ =	swait.ge [sflag:s24], $0x1  }
0xa5: {  	[sflag:s24] =	ssyncset.done $0x0  }
0xa6: {  	s25 =	simm.s32 $0x1B8E;
	[sflag:s24] =	ssyncadd.s32 $0xFFFFFFFF  }
0xa7: {  	s26 =	simm.s32 $execute0_lowered;
	[smem:$0x3FD2] =	sst s25  }
0xa8: {  	s6 =	sshll.u32 s26, $0x1;
	_ =	strace $0x80000046;
	[dreg:$0x1] =	wrdreg $0xFFFFFFFF  }
0xa9: {  	s28 =	simm.s32 $_size_execute0_lowered;
	s5 =	sadd.s32 s5, s6;
	[dreg:$0x0] =	wrdreg $0x0  }
0xaa: {  	s6 =	sshll.u32 s28, $0x1;
	[dreg:$0x2] =	wrdreg s5  }
0xab: {  	[dreg:$0x3] =	wrdreg s6  }
0xac: {  	[dreg:$0x4] =	wrdreg $0xC0  }
0xad: {  	_ =	task [dreg:s9], $0x5FFFF  }
0xae: {  	[dreg:$0x1] =	wrdreg $0xFFFFFFFF  }
0xaf: {  	[dreg:$0x0] =	wrdreg $0x60  }
0xb0: {  	[dreg:$0x2] =	wrdreg s2  }
0xb1: {  	[dreg:$0x3] =	wrdreg s19  }
0xb2: {  	[dreg:$0x4] =	wrdreg s4  }
0xb3: {  	[dreg:$0x5] =	wrdreg $0x9  }
0xb4: {  	_ =	task.clear_ibuf [dreg:s9], $0x6FFFF;
	_ =	strace $0x90000046  }
0xb5: {  	s29 =	simm.s32 $0x9;
	_ =	strace $0x80000048  }
0xb6: {  	_ =	swait.ge [sflag:s29], $0x1  }
0xb7: {  	[sflag:s29] =	ssyncadd.s32 $0xFFFFFFFF  }
0xb8: {  	_ =	strace $0x90000048  }
0xb9: {  	_ =	sfence  }
0xba: {  	s30 =	sld [smem:$0x0];
	_ =	sdelay $0x2  }
0xbb: {  	s31 =	sshll.u32 s1, $0xD;
	s1 =	sshrl.u32 s1, $0x2  }
0xbc: {  	s3 =	sand.u32 $0x4000, s31;
	s1 =	sadd.s32 s1, s30  }
0xbd: {  	s0 =	sor.u32 s3, s0;
	s1 =	sshll.u32 s1, $0x11  }
0xbe: {  	s0 =	sor.u32 s1, s0  }
0xbf: {  	s0 =	sadd.s32 $0x8F2B, s0  }
0xc0: {  	[sflag:s0] =	ssyncadd.remote.s32 $0x1  }
0xc1: {  	_ =	sfence.sel $0xFFFF  }
0xc2: {  	[dreg:$0x0] =	wrdreg $0xFFFFFFFF;
	(pc) =	sbr.abs _section_cstart, $3  }
0xc3: {  	[dreg:$0x1] =	wrdreg $0xFFFFFFFF  }
0xc4: {  	_ =	task.clear_ibuf [dreg:s9], $0x2FFFF;
	_ =	strace $0x9FFFFFFF  }
0xc5: {  	(tm) =	ssettm $0x7FFFFFFF  }
tec
execute0_lowered:
.L_overlay_start_1:
0x0: {  	(tag) =	ssettag $0x1  }
0x1: {  	s1 =	rddreg [dreg:$0x0]  }
0x2: {  	v0 =	vlaneseq.u32;
	s3 =	srdreg.scid;
	s2 =	rddreg [dreg:$0x1]  }
0x3: {  	s0 =	stileid.u32;
	s4 =	rddreg [dreg:$0x2];
	s14 =	simm.s32 $0x400;
	v1 =	vmul.u32 $0x80, v0  }
0x4: {  	s5 =	simm.s32 $0x0;
	s15 =	simm.s32 $0x7A1400;
	s16 =	simm.s32 $0x1000;
	v2 =	vor.u32 $0x200, v0;
	v4 =	vor.u32 $0x400, v0;
	v6 =	vor.u32 $0x600, v0  }
0x5: {  	s17 =	simm.s32 $0x1;
	s18 =	simm.s32 $0x2000;
	s19 =	simm.s32 $0x2;
	v8 =	vor.u32 $0x800, v0;
	v10 =	vor.u32 $0xA00, v0;
	v12 =	vor.u32 $0xC00, v0  }
0x6: {  	s20 =	simm.s32 $0x4;
	s6 =	sand.u32 $0x1, s3;
	s31 =	sshll.u32 s0, $0x1;
	v14 =	vor.u32 $0xE00, v0;
	v16 =	vor.u32 $0x10, v0;
	v18 =	vor.u32 $0x210, v0  }
0x7: {  	s21 =	simm.s32 $0x3000;
	s3 =	rddreg [dreg:$0x3];
	v20 =	vor.u32 $0x410, v0;
	v22 =	vor.u32 $0x610, v0;
	v24 =	vor.u32 $0x810, v0;
	s22 =	sor.u32 s6, s31  }
0x8: {  	s23 =	simm.s32 $0x0;
	[smem:$0x7FF] =	sst s5;
	v26 =	vor.u32 $0xA10, v0;
	v28 =	vor.u32 $0xC10, v0;
	v30 =	vor.u32 $0xE10, v0;
	s7 =	smul.u32 $0x7A80, s22  }
.Ltmp0:
0x9: {  	s12 =	sadd.s32 $0x3D0800, s4;
	s8 =	ssub.s32 $0x2, s6;
	v3 =	vor.u32 $0x10, v1;
	v5 =	vor.u32 $0x20, v1;
	v7 =	vor.u32 $0x30, v1;
	(pc) =	sbr.rel .LBB2_1-.Ltmp0, $4  }
0xa: {  	_ =	strace $0x80000047;
	s6 =	smul.u32 $0xF5, s22;
	v9 =	vor.u32 $0x40, v1;
	s9 =	sshrl.u32 s8, $0x1;
	v11 =	vor.u32 $0x50, v1;
	v13 =	vor.u32 $0x60, v1  }
0xb: {  	v15 =	vor.u32 $0x70, v1;
	v17 =	vor.u32 $0x800, v1;
	v19 =	vor.u32 $0x810, v1;
	p0 =	sne.s32 s22, $0x1F;
	s22 =	simm.s32 $0x3;
	s13 =	ssub.s32 s8, s9  }
0xc: {  	v21 =	vor.u32 $0x820, v1;
	v23 =	vor.u32 $0x830, v1;
	v25 =	vor.u32 $0x840, v1;
	s7 =	sadd.s32 s1, s7;
	s9 =	sadd.s32 $0x2, s6;
	s10 =	sadd.s32 $0x1, s6  }
0xd: {  	v27 =	vor.u32 $0x850, v1;
	v29 =	vor.u32 $0x860, v1;
	v31 =	vor.u32 $0x870, v1;
	s11 =	sadd.s32 $0x3, s6;
	s13 =	smax.u32 s13, $0x1;
	s8 =	sadd.s32 $0x80, s7  }
.LBB2_12:
0xe: {  	_ =	swait.ge [sflag:s22], $0x1000  }
0xf: {  	[sflag:s22] =	ssyncset.done $0x0  }
0x10: {  	[sflag:s22] =	ssyncadd.s32 $0xFFFFF000  }
0x11: {  	_ =	swait.ge [sflag:s20], $0x1000  }
0x12: {  	s24 =	simm.s32 @!p0 $0x0;
	[sflag:s20] =	ssyncset.done $0x0  }
0x13: {  	s25 =	simm.s32 @!p0 $0x2000;
	s26 =	simm.s32 @!p0 $0x5;
	[sflag:s20] =	ssyncadd.s32 $0xFFFFF000  }
0x14: {  	[tilespmem:s25], [sflag:$0x5] =	stream.linear.gather @!p0 [hbm4b:s2+s24], $0x800, $0x38;
	[tilespmem:$0x4000] =	vst v63  }
0x15: {  	s23 =	sadd.s32 $0x1, s23;
	_ =	swait.ge @!p0 [sflag:s26], $0x800  }
0x16: {  	p1 =	sne.s32 s23, s13;
	[sflag:s26] =	ssyncset.done @!p0 $0x0  }
.Ltmp1:
0x17: {  	[sflag:s26] =	ssyncadd.s32 @!p0 $0xFFFFF800;
	(pc) =	sbr.rel @!p1 .LBB2_13-.Ltmp1, $4  }
0x18: {  	[hbm4b:s12+s24] =	stream.linear.scatter @!p0 [tilespmem:s25], [sflag:$0x5], $0x800, $0x38;
	[tilespmem:$0x4000] =	vst v63  }
0x19: {  	_ =	swait.ge @!p0 [sflag:s26], $0x800  }
0x1a: {  	[sflag:s26] =	ssyncset.done @!p0 $0x0  }
0x1b: {  	[sflag:s26] =	ssyncadd.s32 @!p0 $0xFFFFF800  }
.LBB2_1:
0x1c: {  	[tilespmem:s5], [sflag:$0x1] =	stream.strided.gather [hbm4b:s7+s14], $0x1000, s15, s14, $0x38;
	[tilespmem:$0x4000] =	vst v63  }
0x1d: {  	s24 =	simm.s32 $0x0  }
0x1e: {  	[tilespmem:s16], [sflag:$0x2] =	stream.strided.gather [hbm4b:s8+s14], $0x1000, s15, s14, $0x38;
	[tilespmem:$0x4000] =	vst v63  }
.LBB2_2:
0x1f: {  	s25 =	simm.s32 $0x0  }
0x20: {  	v32 =	vadd.s32 s25, v0  }
0x21: {  	_ =	swait.ge [sflag:s17], $0x1000;
	v33 =	vand.u32 $0xF, v32  }
0x22: {  	p1 =	seq.s32 s24, $0x0;
	[sflag:s17] =	ssyncset.done $0x0;
	v34 =	vor.u32 v1, v33  }
0x23: {  	s25 =	simm.s32 @!p1 $0x3;
	[sflag:s17] =	ssyncadd.s32 $0xFFFFF000  }
0x24: {  	_ =	swait.ge @!p1 [sflag:s25], $0x1000  }
0x25: {  	[sflag:s25] =	ssyncset.done @!p1 $0x0  }
0x26: {  	v35 =	vshll.u32 v33, $0x5;
	[sflag:s25] =	ssyncadd.s32 @!p1 $0xFFFFF000  }
0x27: {  	v36 =	vor.u32 v0, v35;
	v34 =	vld.idx.msk [tilespmem:v34+s5+$0x0], $0xffff  }
0x28: {  	v37 =	vor.u32 v3, v32;
	_ =	sdelay $0x3  }
0x29: {  	[tilespmem:v36+s18+$0x0] =	vst.idx.msk $0xffff, v34  }
0x2a: {  	v40 =	vor.u32 v2, v35;
	v34 =	vld.idx.msk [tilespmem:v37+s5+$0x0], $0xffff  }
0x2b: {  	v41 =	vor.u32 v5, v33;
	_ =	sdelay $0x3  }
0x2c: {  	[tilespmem:v40+s18+$0x0] =	vst.idx.msk $0xffff, v34  }
0x2d: {  	v42 =	vor.u32 v4, v35;
	v34 =	vld.idx.msk [tilespmem:v41+s5+$0x0], $0xffff  }
0x2e: {  	v43 =	vor.u32 v7, v32;
	_ =	sdelay $0x3  }
0x2f: {  	[tilespmem:v42+s18+$0x0] =	vst.idx.msk $0xffff, v34  }
0x30: {  	v44 =	vor.u32 v6, v35;
	v34 =	vld.idx.msk [tilespmem:v43+s5+$0x0], $0xffff  }
0x31: {  	v45 =	vor.u32 v9, v33;
	_ =	sdelay $0x3  }
0x32: {  	[tilespmem:v44+s18+$0x0] =	vst.idx.msk $0xffff, v34  }
0x33: {  	v46 =	vor.u32 v8, v35;
	v34 =	vld.idx.msk [tilespmem:v45+s5+$0x0], $0xffff  }
0x34: {  	v47 =	vor.u32 v11, v32;
	_ =	sdelay $0x3  }
0x35: {  	[tilespmem:v46+s18+$0x0] =	vst.idx.msk $0xffff, v34  }
0x36: {  	v48 =	vor.u32 v10, v35;
	v34 =	vld.idx.msk [tilespmem:v47+s5+$0x0], $0xffff  }
0x37: {  	v49 =	vor.u32 v13, v33;
	_ =	sdelay $0x3  }
0x38: {  	[tilespmem:v48+s18+$0x0] =	vst.idx.msk $0xffff, v34  }
0x39: {  	v50 =	vor.u32 v12, v35;
	v34 =	vld.idx.msk [tilespmem:v49+s5+$0x0], $0xffff  }
0x3a: {  	v51 =	vor.u32 v15, v32;
	_ =	sdelay $0x3  }
0x3b: {  	[tilespmem:v50+s18+$0x0] =	vst.idx.msk $0xffff, v34  }
0x3c: {  	v52 =	vor.u32 v14, v35;
	v34 =	vld.idx.msk [tilespmem:v51+s5+$0x0], $0xffff  }
0x3d: {  	v53 =	vor.u32 v17, v33;
	_ =	sdelay $0x3  }
0x3e: {  	[tilespmem:v52+s18+$0x0] =	vst.idx.msk $0xffff, v34  }
0x3f: {  	v54 =	vor.u32 v16, v35;
	v34 =	vld.idx.msk [tilespmem:v53+s5+$0x0], $0xffff  }
0x40: {  	v55 =	vor.u32 v19, v32;
	_ =	sdelay $0x3  }
0x41: {  	[tilespmem:v54+s18+$0x0] =	vst.idx.msk $0xffff, v34  }
0x42: {  	v56 =	vor.u32 v18, v35;
	v34 =	vld.idx.msk [tilespmem:v55+s5+$0x0], $0xffff  }
0x43: {  	v57 =	vor.u32 v21, v33;
	_ =	sdelay $0x3  }
0x44: {  	[tilespmem:v56+s18+$0x0] =	vst.idx.msk $0xffff, v34  }
0x45: {  	v58 =	vor.u32 v20, v35;
	v34 =	vld.idx.msk [tilespmem:v57+s5+$0x0], $0xffff  }
0x46: {  	v59 =	vor.u32 v23, v32;
	_ =	sdelay $0x3  }
0x47: {  	[tilespmem:v58+s18+$0x0] =	vst.idx.msk $0xffff, v34  }
0x48: {  	v60 =	vor.u32 v22, v35;
	v34 =	vld.idx.msk [tilespmem:v59+s5+$0x0], $0xffff  }
0x49: {  	v61 =	vor.u32 v25, v33;
	_ =	sdelay $0x3  }
0x4a: {  	[tilespmem:v60+s18+$0x0] =	vst.idx.msk $0xffff, v34  }
0x4b: {  	v62 =	vor.u32 v24, v35;
	v34 =	vld.idx.msk [tilespmem:v61+s5+$0x0], $0xffff  }
0x4c: {  	v63 =	vor.u32 v27, v32;
	_ =	sdelay $0x3  }
0x4d: {  	[tilespmem:v62+s18+$0x0] =	vst.idx.msk $0xffff, v34  }
0x4e: {  	v40 =	vor.u32 v26, v35;
	v34 =	vld.idx.msk [tilespmem:v63+s5+$0x0], $0xffff  }
0x4f: {  	v33 =	vor.u32 v29, v33;
	_ =	sdelay $0x3  }
0x50: {  	[tilespmem:v40+s18+$0x0] =	vst.idx.msk $0xffff, v34  }
0x51: {  	v41 =	vor.u32 v28, v35;
	v33 =	vld.idx.msk [tilespmem:v33+s5+$0x0], $0xffff  }
0x52: {  	v32 =	vor.u32 v31, v32;
	_ =	sdelay $0x2  }
0x53: {  	s29 =	simm.s32 $0x1  }
0x54: {  	v42 =	vadd.s32 s29, v0;
	[tilespmem:v41+s18+$0x0] =	vst.idx.msk $0xffff, v33  }
0x55: {  	v43 =	vor.u32 v30, v35;
	v33 =	vand.u32 $0xF, v42;
	v32 =	vld.idx.msk [tilespmem:v32+s5+$0x0], $0xffff  }
0x56: {  	v44 =	vor.u32 v1, v33;
	_ =	sdelay $0x3  }
0x57: {  	[tilespmem:v43+s18+$0x0] =	vst.idx.msk $0xffff, v32;
	v32 =	vshll.u32 v33, $0x5  }
0x58: {  	v34 =	vld.idx.msk [tilespmem:v44+s5+$0x0], $0xffff;
	v45 =	vor.u32 v0, v32  }
0x59: {  	v46 =	vor.u32 v3, v33;
	_ =	sdelay $0x3  }
0x5a: {  	[tilespmem:v45+s18+$0x0] =	vst.idx.msk $0xffff, v34  }
0x5b: {  	v47 =	vor.u32 v2, v32;
	v34 =	vld.idx.msk [tilespmem:v46+s5+$0x0], $0xffff  }
0x5c: {  	v48 =	vor.u32 v5, v33;
	_ =	sdelay $0x3  }
0x5d: {  	[tilespmem:v47+s18+$0x0] =	vst.idx.msk $0xffff, v34  }
0x5e: {  	v49 =	vor.u32 v4, v32;
	v34 =	vld.idx.msk [tilespmem:v48+s5+$0x0], $0xffff  }
0x5f: {  	v50 =	vor.u32 v7, v33;
	_ =	sdelay $0x3  }
0x60: {  	[tilespmem:v49+s18+$0x0] =	vst.idx.msk $0xffff, v34  }
0x61: {  	v51 =	vor.u32 v6, v32;
	v34 =	vld.idx.msk [tilespmem:v50+s5+$0x0], $0xffff  }
0x62: {  	v52 =	vor.u32 v9, v33;
	_ =	sdelay $0x3  }
0x63: {  	[tilespmem:v51+s18+$0x0] =	vst.idx.msk $0xffff, v34  }
0x64: {  	v53 =	vor.u32 v8, v32;
	v34 =	vld.idx.msk [tilespmem:v52+s5+$0x0], $0xffff  }
0x65: {  	v54 =	vor.u32 v11, v33;
	_ =	sdelay $0x3  }
0x66: {  	[tilespmem:v53+s18+$0x0] =	vst.idx.msk $0xffff, v34  }
0x67: {  	v55 =	vor.u32 v10, v32;
	v34 =	vld.idx.msk [tilespmem:v54+s5+$0x0], $0xffff  }
0x68: {  	v56 =	vor.u32 v13, v33;
	_ =	sdelay $0x3  }
0x69: {  	[tilespmem:v55+s18+$0x0] =	vst.idx.msk $0xffff, v34  }
0x6a: {  	v57 =	vor.u32 v12, v32;
	v34 =	vld.idx.msk [tilespmem:v56+s5+$0x0], $0xffff  }
0x6b: {  	v58 =	vor.u32 v15, v33;
	_ =	sdelay $0x3  }
0x6c: {  	[tilespmem:v57+s18+$0x0] =	vst.idx.msk $0xffff, v34  }
0x6d: {  	v59 =	vor.u32 v14, v32;
	v34 =	vld.idx.msk [tilespmem:v58+s5+$0x0], $0xffff  }
0x6e: {  	v60 =	vor.u32 v17, v33;
	_ =	sdelay $0x3  }
0x6f: {  	[tilespmem:v59+s18+$0x0] =	vst.idx.msk $0xffff, v34  }
0x70: {  	v61 =	vor.u32 v16, v32;
	v34 =	vld.idx.msk [tilespmem:v60+s5+$0x0], $0xffff  }
0x71: {  	v62 =	vor.u32 v19, v33;
	_ =	sdelay $0x3  }
0x72: {  	[tilespmem:v61+s18+$0x0] =	vst.idx.msk $0xffff, v34  }
0x73: {  	v63 =	vor.u32 v18, v32;
	v34 =	vld.idx.msk [tilespmem:v62+s5+$0x0], $0xffff  }
0x74: {  	v40 =	vor.u32 v21, v33;
	_ =	sdelay $0x3  }
0x75: {  	[tilespmem:v63+s18+$0x0] =	vst.idx.msk $0xffff, v34  }
0x76: {  	v41 =	vor.u32 v20, v32;
	v34 =	vld.idx.msk [tilespmem:v40+s5+$0x0], $0xffff  }
0x77: {  	v42 =	vor.u32 v23, v33;
	_ =	sdelay $0x3  }
0x78: {  	[tilespmem:v41+s18+$0x0] =	vst.idx.msk $0xffff, v34  }
0x79: {  	v43 =	vor.u32 v22, v32;
	v34 =	vld.idx.msk [tilespmem:v42+s5+$0x0], $0xffff  }
0x7a: {  	v44 =	vor.u32 v25, v33;
	_ =	sdelay $0x3  }
0x7b: {  	[tilespmem:v43+s18+$0x0] =	vst.idx.msk $0xffff, v34  }
0x7c: {  	v45 =	vor.u32 v24, v32;
	v34 =	vld.idx.msk [tilespmem:v44+s5+$0x0], $0xffff  }
0x7d: {  	v46 =	vor.u32 v27, v33;
	_ =	sdelay $0x3  }
0x7e: {  	[tilespmem:v45+s18+$0x0] =	vst.idx.msk $0xffff, v34  }
0x7f: {  	v47 =	vor.u32 v26, v32;
	v34 =	vld.idx.msk [tilespmem:v46+s5+$0x0], $0xffff  }
0x80: {  	v48 =	vor.u32 v29, v33;
	_ =	sdelay $0x3  }
0x81: {  	[tilespmem:v47+s18+$0x0] =	vst.idx.msk $0xffff, v34  }
0x82: {  	v49 =	vor.u32 v28, v32;
	v34 =	vld.idx.msk [tilespmem:v48+s5+$0x0], $0xffff  }
0x83: {  	v33 =	vor.u32 v31, v33;
	_ =	sdelay $0x2  }
0x84: {  	s30 =	simm.s32 $0x2  }
0x85: {  	v50 =	vadd.s32 s30, v0;
	[tilespmem:v49+s18+$0x0] =	vst.idx.msk $0xffff, v34  }
0x86: {  	v32 =	vor.u32 v30, v32;
	v34 =	vand.u32 $0xF, v50;
	v33 =	vld.idx.msk [tilespmem:v33+s5+$0x0], $0xffff  }
0x87: {  	v51 =	vor.u32 v1, v34;
	_ =	sdelay $0x3  }
0x88: {  	[tilespmem:v32+s18+$0x0] =	vst.idx.msk $0xffff, v33;
	v32 =	vshll.u32 v34, $0x5  }
0x89: {  	v33 =	vld.idx.msk [tilespmem:v51+s5+$0x0], $0xffff;
	v52 =	vor.u32 v0, v32  }
0x8a: {  	v53 =	vor.u32 v3, v34;
	_ =	sdelay $0x3  }
0x8b: {  	[tilespmem:v52+s18+$0x0] =	vst.idx.msk $0xffff, v33  }
0x8c: {  	v54 =	vor.u32 v2, v32;
	v33 =	vld.idx.msk [tilespmem:v53+s5+$0x0], $0xffff  }
0x8d: {  	v55 =	vor.u32 v5, v34;
	_ =	sdelay $0x3  }
0x8e: {  	[tilespmem:v54+s18+$0x0] =	vst.idx.msk $0xffff, v33  }
0x8f: {  	v56 =	vor.u32 v4, v32;
	v33 =	vld.idx.msk [tilespmem:v55+s5+$0x0], $0xffff  }
0x90: {  	v57 =	vor.u32 v7, v34;
	_ =	sdelay $0x3  }
0x91: {  	[tilespmem:v56+s18+$0x0] =	vst.idx.msk $0xffff, v33  }
0x92: {  	v58 =	vor.u32 v6, v32;
	v33 =	vld.idx.msk [tilespmem:v57+s5+$0x0], $0xffff  }
0x93: {  	v59 =	vor.u32 v9, v34;
	_ =	sdelay $0x3  }
0x94: {  	[tilespmem:v58+s18+$0x0] =	vst.idx.msk $0xffff, v33  }
0x95: {  	v60 =	vor.u32 v8, v32;
	v33 =	vld.idx.msk [tilespmem:v59+s5+$0x0], $0xffff  }
0x96: {  	v61 =	vor.u32 v11, v34;
	_ =	sdelay $0x3  }
0x97: {  	[tilespmem:v60+s18+$0x0] =	vst.idx.msk $0xffff, v33  }
0x98: {  	v62 =	vor.u32 v10, v32;
	v33 =	vld.idx.msk [tilespmem:v61+s5+$0x0], $0xffff  }
0x99: {  	v63 =	vor.u32 v13, v34;
	_ =	sdelay $0x3  }
0x9a: {  	[tilespmem:v62+s18+$0x0] =	vst.idx.msk $0xffff, v33  }
0x9b: {  	v40 =	vor.u32 v12, v32;
	v33 =	vld.idx.msk [tilespmem:v63+s5+$0x0], $0xffff  }
0x9c: {  	v41 =	vor.u32 v15, v34;
	_ =	sdelay $0x3  }
0x9d: {  	[tilespmem:v40+s18+$0x0] =	vst.idx.msk $0xffff, v33  }
0x9e: {  	v42 =	vor.u32 v14, v32;
	v33 =	vld.idx.msk [tilespmem:v41+s5+$0x0], $0xffff  }
0x9f: {  	v43 =	vor.u32 v17, v34;
	_ =	sdelay $0x3  }
0xa0: {  	[tilespmem:v42+s18+$0x0] =	vst.idx.msk $0xffff, v33  }
0xa1: {  	v44 =	vor.u32 v16, v32;
	v33 =	vld.idx.msk [tilespmem:v43+s5+$0x0], $0xffff  }
0xa2: {  	v45 =	vor.u32 v19, v34;
	_ =	sdelay $0x3  }
0xa3: {  	[tilespmem:v44+s18+$0x0] =	vst.idx.msk $0xffff, v33  }
0xa4: {  	v46 =	vor.u32 v18, v32;
	v33 =	vld.idx.msk [tilespmem:v45+s5+$0x0], $0xffff  }
0xa5: {  	v47 =	vor.u32 v21, v34;
	_ =	sdelay $0x3  }
0xa6: {  	[tilespmem:v46+s18+$0x0] =	vst.idx.msk $0xffff, v33  }
0xa7: {  	v48 =	vor.u32 v20, v32;
	v33 =	vld.idx.msk [tilespmem:v47+s5+$0x0], $0xffff  }
0xa8: {  	v49 =	vor.u32 v23, v34;
	_ =	sdelay $0x3  }
0xa9: {  	[tilespmem:v48+s18+$0x0] =	vst.idx.msk $0xffff, v33  }
0xaa: {  	v50 =	vor.u32 v22, v32;
	v33 =	vld.idx.msk [tilespmem:v49+s5+$0x0], $0xffff  }
0xab: {  	v51 =	vor.u32 v25, v34;
	_ =	sdelay $0x3  }
0xac: {  	[tilespmem:v50+s18+$0x0] =	vst.idx.msk $0xffff, v33  }
0xad: {  	v52 =	vor.u32 v24, v32;
	v33 =	vld.idx.msk [tilespmem:v51+s5+$0x0], $0xffff  }
0xae: {  	v53 =	vor.u32 v27, v34;
	_ =	sdelay $0x3  }
0xaf: {  	[tilespmem:v52+s18+$0x0] =	vst.idx.msk $0xffff, v33  }
0xb0: {  	v54 =	vor.u32 v26, v32;
	v33 =	vld.idx.msk [tilespmem:v53+s5+$0x0], $0xffff  }
0xb1: {  	v55 =	vor.u32 v29, v34;
	_ =	sdelay $0x3  }
0xb2: {  	[tilespmem:v54+s18+$0x0] =	vst.idx.msk $0xffff, v33  }
0xb3: {  	v56 =	vor.u32 v28, v32;
	v33 =	vld.idx.msk [tilespmem:v55+s5+$0x0], $0xffff  }
0xb4: {  	v34 =	vor.u32 v31, v34;
	_ =	sdelay $0x2  }
0xb5: {  	s31 =	simm.s32 $0x3  }
0xb6: {  	v57 =	vadd.s32 s31, v0;
	[tilespmem:v56+s18+$0x0] =	vst.idx.msk $0xffff, v33  }
0xb7: {  	v32 =	vor.u32 v30, v32;
	v35 =	vand.u32 $0xF, v57;
	v34 =	vld.idx.msk [tilespmem:v34+s5+$0x0], $0xffff  }
0xb8: {  	v58 =	vor.u32 v1, v35;
	_ =	sdelay $0x3  }
0xb9: {  	v33 =	vshll.u32 v35, $0x5;
	[tilespmem:v32+s18+$0x0] =	vst.idx.msk $0xffff, v34  }
0xba: {  	v59 =	vor.u32 v0, v33;
	v32 =	vld.idx.msk [tilespmem:v58+s5+$0x0], $0xffff  }
0xbb: {  	v60 =	vor.u32 v3, v35;
	_ =	sdelay $0x3  }
0xbc: {  	[tilespmem:v59+s18+$0x0] =	vst.idx.msk $0xffff, v32  }
0xbd: {  	v61 =	vor.u32 v2, v33;
	v32 =	vld.idx.msk [tilespmem:v60+s5+$0x0], $0xffff  }
0xbe: {  	v62 =	vor.u32 v5, v35;
	_ =	sdelay $0x3  }
0xbf: {  	[tilespmem:v61+s18+$0x0] =	vst.idx.msk $0xffff, v32  }
0xc0: {  	v63 =	vor.u32 v4, v33;
	v32 =	vld.idx.msk [tilespmem:v62+s5+$0x0], $0xffff  }
0xc1: {  	v40 =	vor.u32 v7, v35;
	_ =	sdelay $0x3  }
0xc2: {  	[tilespmem:v63+s18+$0x0] =	vst.idx.msk $0xffff, v32  }
0xc3: {  	v41 =	vor.u32 v6, v33;
	v32 =	vld.idx.msk [tilespmem:v40+s5+$0x0], $0xffff  }
0xc4: {  	v42 =	vor.u32 v9, v35;
	_ =	sdelay $0x3  }
0xc5: {  	[tilespmem:v41+s18+$0x0] =	vst.idx.msk $0xffff, v32  }
0xc6: {  	v43 =	vor.u32 v8, v33;
	v32 =	vld.idx.msk [tilespmem:v42+s5+$0x0], $0xffff  }
0xc7: {  	v44 =	vor.u32 v11, v35;
	_ =	sdelay $0x3  }
0xc8: {  	[tilespmem:v43+s18+$0x0] =	vst.idx.msk $0xffff, v32  }
0xc9: {  	v45 =	vor.u32 v10, v33;
	v32 =	vld.idx.msk [tilespmem:v44+s5+$0x0], $0xffff  }
0xca: {  	v46 =	vor.u32 v13, v35;
	_ =	sdelay $0x3  }
0xcb: {  	[tilespmem:v45+s18+$0x0] =	vst.idx.msk $0xffff, v32  }
0xcc: {  	v47 =	vor.u32 v12, v33;
	v32 =	vld.idx.msk [tilespmem:v46+s5+$0x0], $0xffff  }
0xcd: {  	v48 =	vor.u32 v15, v35;
	_ =	sdelay $0x3  }
0xce: {  	[tilespmem:v47+s18+$0x0] =	vst.idx.msk $0xffff, v32  }
0xcf: {  	v49 =	vor.u32 v14, v33;
	v32 =	vld.idx.msk [tilespmem:v48+s5+$0x0], $0xffff  }
0xd0: {  	v50 =	vor.u32 v17, v35;
	_ =	sdelay $0x3  }
0xd1: {  	[tilespmem:v49+s18+$0x0] =	vst.idx.msk $0xffff, v32  }
0xd2: {  	v51 =	vor.u32 v16, v33;
	v32 =	vld.idx.msk [tilespmem:v50+s5+$0x0], $0xffff  }
0xd3: {  	v52 =	vor.u32 v19, v35;
	_ =	sdelay $0x3  }
0xd4: {  	[tilespmem:v51+s18+$0x0] =	vst.idx.msk $0xffff, v32  }
0xd5: {  	v53 =	vor.u32 v18, v33;
	v32 =	vld.idx.msk [tilespmem:v52+s5+$0x0], $0xffff  }
0xd6: {  	v54 =	vor.u32 v21, v35;
	_ =	sdelay $0x3  }
0xd7: {  	[tilespmem:v53+s18+$0x0] =	vst.idx.msk $0xffff, v32  }
0xd8: {  	v55 =	vor.u32 v20, v33;
	v32 =	vld.idx.msk [tilespmem:v54+s5+$0x0], $0xffff  }
0xd9: {  	v56 =	vor.u32 v23, v35;
	_ =	sdelay $0x3  }
0xda: {  	[tilespmem:v55+s18+$0x0] =	vst.idx.msk $0xffff, v32  }
0xdb: {  	v57 =	vor.u32 v22, v33;
	v32 =	vld.idx.msk [tilespmem:v56+s5+$0x0], $0xffff  }
0xdc: {  	v58 =	vor.u32 v25, v35;
	_ =	sdelay $0x3  }
0xdd: {  	[tilespmem:v57+s18+$0x0] =	vst.idx.msk $0xffff, v32  }
0xde: {  	v59 =	vor.u32 v24, v33;
	v32 =	vld.idx.msk [tilespmem:v58+s5+$0x0], $0xffff  }
0xdf: {  	v60 =	vor.u32 v27, v35;
	_ =	sdelay $0x3  }
0xe0: {  	[tilespmem:v59+s18+$0x0] =	vst.idx.msk $0xffff, v32  }
0xe1: {  	v61 =	vor.u32 v26, v33;
	v32 =	vld.idx.msk [tilespmem:v60+s5+$0x0], $0xffff  }
0xe2: {  	v62 =	vor.u32 v29, v35;
	_ =	sdelay $0x3  }
0xe3: {  	[tilespmem:v61+s18+$0x0] =	vst.idx.msk $0xffff, v32  }
0xe4: {  	v63 =	vor.u32 v28, v33;
	v32 =	vld.idx.msk [tilespmem:v62+s5+$0x0], $0xffff  }
0xe5: {  	v35 =	vor.u32 v31, v35;
	_ =	sdelay $0x3  }
0xe6: {  	s26 =	simm.s32 $0x4;
	[tilespmem:v63+s18+$0x0] =	vst.idx.msk $0xffff, v32  }
0xe7: {  	s28 =	simm.s32 $0x8;
	s25 =	sshll.u32 s24, $0x1;
	v32 =	vadd.s32 s26, v0;
	v35 =	vld.idx.msk [tilespmem:v35+s5+$0x0], $0xffff  }
.LBB2_3:
0xe8: {  	p2 =	sne.s32 s28, $0xC;
	v34 =	vand.u32 $0xF, v32;
	v33 =	vor.u32 v30, v33  }
0xe9: {  	v36 =	vor.u32 v1, v34;
	_ =	sdelay $0x3  }
0xea: {  	[tilespmem:v33+s18+$0x0] =	vst.idx.msk $0xffff, v35  }
0xeb: {  	v33 =	vshll.u32 v34, $0x5;
	v35 =	vld.idx.msk [tilespmem:v36+s5+$0x0], $0xffff  }
0xec: {  	v36 =	vor.u32 v0, v33  }
0xed: {  	v37 =	vor.u32 v3, v32;
	_ =	sdelay $0x3  }
0xee: {  	[tilespmem:v36+s18+$0x0] =	vst.idx.msk $0xffff, v35  }
0xef: {  	v35 =	vld.idx.msk [tilespmem:v37+s5+$0x0], $0xffff  }
0xf0: {  	v36 =	vor.u32 v2, v33  }
0xf1: {  	v37 =	vor.u32 v5, v34;
	_ =	sdelay $0x3  }
0xf2: {  	[tilespmem:v36+s18+$0x0] =	vst.idx.msk $0xffff, v35  }
0xf3: {  	v35 =	vld.idx.msk [tilespmem:v37+s5+$0x0], $0xffff  }
0xf4: {  	v36 =	vor.u32 v4, v33  }
0xf5: {  	v37 =	vor.u32 v7, v32;
	_ =	sdelay $0x3  }
0xf6: {  	[tilespmem:v36+s18+$0x0] =	vst.idx.msk $0xffff, v35  }
0xf7: {  	v35 =	vld.idx.msk [tilespmem:v37+s5+$0x0], $0xffff  }
0xf8: {  	v36 =	vor.u32 v6, v33  }
0xf9: {  	v37 =	vor.u32 v9, v34;
	_ =	sdelay $0x3  }
0xfa: {  	[tilespmem:v36+s18+$0x0] =	vst.idx.msk $0xffff, v35  }
0xfb: {  	v35 =	vld.idx.msk [tilespmem:v37+s5+$0x0], $0xffff  }
0xfc: {  	v36 =	vor.u32 v8, v33  }
0xfd: {  	v37 =	vor.u32 v11, v32;
	_ =	sdelay $0x3  }
0xfe: {  	[tilespmem:v36+s18+$0x0] =	vst.idx.msk $0xffff, v35  }
0xff: {  	v35 =	vld.idx.msk [tilespmem:v37+s5+$0x0], $0xffff  }
0x100: {  	v36 =	vor.u32 v10, v33  }
0x101: {  	v37 =	vor.u32 v13, v34;
	_ =	sdelay $0x3  }
0x102: {  	[tilespmem:v36+s18+$0x0] =	vst.idx.msk $0xffff, v35  }
0x103: {  	v35 =	vld.idx.msk [tilespmem:v37+s5+$0x0], $0xffff  }
0x104: {  	v36 =	vor.u32 v12, v33  }
0x105: {  	v37 =	vor.u32 v15, v32;
	_ =	sdelay $0x3  }
0x106: {  	[tilespmem:v36+s18+$0x0] =	vst.idx.msk $0xffff, v35  }
0x107: {  	v35 =	vld.idx.msk [tilespmem:v37+s5+$0x0], $0xffff  }
0x108: {  	v36 =	vor.u32 v14, v33  }
0x109: {  	v37 =	vor.u32 v17, v34;
	_ =	sdelay $0x3  }
0x10a: {  	[tilespmem:v36+s18+$0x0] =	vst.idx.msk $0xffff, v35  }
0x10b: {  	v35 =	vld.idx.msk [tilespmem:v37+s5+$0x0], $0xffff  }
0x10c: {  	v36 =	vor.u32 v16, v33  }
0x10d: {  	v37 =	vor.u32 v19, v32;
	_ =	sdelay $0x3  }
0x10e: {  	[tilespmem:v36+s18+$0x0] =	vst.idx.msk $0xffff, v35  }
0x10f: {  	v35 =	vld.idx.msk [tilespmem:v37+s5+$0x0], $0xffff  }
0x110: {  	v36 =	vor.u32 v18, v33  }
0x111: {  	v37 =	vor.u32 v21, v34;
	_ =	sdelay $0x3  }
0x112: {  	[tilespmem:v36+s18+$0x0] =	vst.idx.msk $0xffff, v35  }
0x113: {  	v35 =	vld.idx.msk [tilespmem:v37+s5+$0x0], $0xffff  }
0x114: {  	v36 =	vor.u32 v20, v33  }
0x115: {  	v37 =	vor.u32 v23, v32;
	_ =	sdelay $0x3  }
0x116: {  	[tilespmem:v36+s18+$0x0] =	vst.idx.msk $0xffff, v35  }
0x117: {  	v35 =	vld.idx.msk [tilespmem:v37+s5+$0x0], $0xffff  }
0x118: {  	v36 =	vor.u32 v22, v33  }
0x119: {  	v37 =	vor.u32 v25, v34;
	_ =	sdelay $0x3  }
0x11a: {  	[tilespmem:v36+s18+$0x0] =	vst.idx.msk $0xffff, v35  }
0x11b: {  	v35 =	vld.idx.msk [tilespmem:v37+s5+$0x0], $0xffff  }
0x11c: {  	v36 =	vor.u32 v24, v33  }
0x11d: {  	v37 =	vor.u32 v27, v32;
	_ =	sdelay $0x3  }
0x11e: {  	[tilespmem:v36+s18+$0x0] =	vst.idx.msk $0xffff, v35  }
0x11f: {  	v35 =	vld.idx.msk [tilespmem:v37+s5+$0x0], $0xffff  }
0x120: {  	v36 =	vor.u32 v26, v33  }
0x121: {  	v34 =	vor.u32 v29, v34;
	_ =	sdelay $0x3  }
0x122: {  	[tilespmem:v36+s18+$0x0] =	vst.idx.msk $0xffff, v35  }
0x123: {  	v34 =	vld.idx.msk [tilespmem:v34+s5+$0x0], $0xffff  }
0x124: {  	v35 =	vor.u32 v28, v33  }
0x125: {  	v32 =	vor.u32 v31, v32;
	_ =	sdelay $0x3  }
0x126: {  	s29 =	sadd.s32 $0x1, s26;
	[tilespmem:v35+s18+$0x0] =	vst.idx.msk $0xffff, v34  }
0x127: {  	v34 =	vadd.s32 s29, v0;
	v32 =	vld.idx.msk [tilespmem:v32+s5+$0x0], $0xffff  }
0x128: {  	v35 =	vor.u32 v30, v33;
	v33 =	vand.u32 $0xF, v34  }
0x129: {  	v34 =	vor.u32 v1, v33;
	_ =	sdelay $0x3  }
0x12a: {  	[tilespmem:v35+s18+$0x0] =	vst.idx.msk $0xffff, v32  }
0x12b: {  	v32 =	vshll.u32 v33, $0x5;
	v34 =	vld.idx.msk [tilespmem:v34+s5+$0x0], $0xffff  }
0x12c: {  	v35 =	vor.u32 v0, v32  }
0x12d: {  	v36 =	vor.u32 v3, v33;
	_ =	sdelay $0x3  }
0x12e: {  	[tilespmem:v35+s18+$0x0] =	vst.idx.msk $0xffff, v34  }
0x12f: {  	v34 =	vld.idx.msk [tilespmem:v36+s5+$0x0], $0xffff  }
0x130: {  	v35 =	vor.u32 v2, v32  }
0x131: {  	v36 =	vor.u32 v5, v33;
	_ =	sdelay $0x3  }
0x132: {  	[tilespmem:v35+s18+$0x0] =	vst.idx.msk $0xffff, v34  }
0x133: {  	v34 =	vld.idx.msk [tilespmem:v36+s5+$0x0], $0xffff  }
0x134: {  	v35 =	vor.u32 v4, v32  }
0x135: {  	v36 =	vor.u32 v7, v33;
	_ =	sdelay $0x3  }
0x136: {  	[tilespmem:v35+s18+$0x0] =	vst.idx.msk $0xffff, v34  }
0x137: {  	v34 =	vld.idx.msk [tilespmem:v36+s5+$0x0], $0xffff  }
0x138: {  	v35 =	vor.u32 v6, v32  }
0x139: {  	v36 =	vor.u32 v9, v33;
	_ =	sdelay $0x3  }
0x13a: {  	[tilespmem:v35+s18+$0x0] =	vst.idx.msk $0xffff, v34  }
0x13b: {  	v34 =	vld.idx.msk [tilespmem:v36+s5+$0x0], $0xffff  }
0x13c: {  	v35 =	vor.u32 v8, v32  }
0x13d: {  	v36 =	vor.u32 v11, v33;
	_ =	sdelay $0x3  }
0x13e: {  	[tilespmem:v35+s18+$0x0] =	vst.idx.msk $0xffff, v34  }
0x13f: {  	v34 =	vld.idx.msk [tilespmem:v36+s5+$0x0], $0xffff  }
0x140: {  	v35 =	vor.u32 v10, v32  }
0x141: {  	v36 =	vor.u32 v13, v33;
	_ =	sdelay $0x3  }
0x142: {  	[tilespmem:v35+s18+$0x0] =	vst.idx.msk $0xffff, v34  }
0x143: {  	v34 =	vld.idx.msk [tilespmem:v36+s5+$0x0], $0xffff  }
0x144: {  	v35 =	vor.u32 v12, v32  }
0x145: {  	v36 =	vor.u32 v15, v33;
	_ =	sdelay $0x3  }
0x146: {  	[tilespmem:v35+s18+$0x0] =	vst.idx.msk $0xffff, v34  }
0x147: {  	v34 =	vld.idx.msk [tilespmem:v36+s5+$0x0], $0xffff  }
0x148: {  	v35 =	vor.u32 v14, v32  }
0x149: {  	v36 =	vor.u32 v17, v33;
	_ =	sdelay $0x3  }
0x14a: {  	[tilespmem:v35+s18+$0x0] =	vst.idx.msk $0xffff, v34  }
0x14b: {  	v34 =	vld.idx.msk [tilespmem:v36+s5+$0x0], $0xffff  }
0x14c: {  	v35 =	vor.u32 v16, v32  }
0x14d: {  	v36 =	vor.u32 v19, v33;
	_ =	sdelay $0x3  }
0x14e: {  	[tilespmem:v35+s18+$0x0] =	vst.idx.msk $0xffff, v34  }
0x14f: {  	v34 =	vld.idx.msk [tilespmem:v36+s5+$0x0], $0xffff  }
0x150: {  	v35 =	vor.u32 v18, v32  }
0x151: {  	v36 =	vor.u32 v21, v33;
	_ =	sdelay $0x3  }
0x152: {  	[tilespmem:v35+s18+$0x0] =	vst.idx.msk $0xffff, v34  }
0x153: {  	v34 =	vld.idx.msk [tilespmem:v36+s5+$0x0], $0xffff  }
0x154: {  	v35 =	vor.u32 v20, v32  }
0x155: {  	v36 =	vor.u32 v23, v33;
	_ =	sdelay $0x3  }
0x156: {  	[tilespmem:v35+s18+$0x0] =	vst.idx.msk $0xffff, v34  }
0x157: {  	v34 =	vld.idx.msk [tilespmem:v36+s5+$0x0], $0xffff  }
0x158: {  	v35 =	vor.u32 v22, v32  }
0x159: {  	v36 =	vor.u32 v25, v33;
	_ =	sdelay $0x3  }
0x15a: {  	[tilespmem:v35+s18+$0x0] =	vst.idx.msk $0xffff, v34  }
0x15b: {  	v34 =	vld.idx.msk [tilespmem:v36+s5+$0x0], $0xffff  }
0x15c: {  	v35 =	vor.u32 v24, v32  }
0x15d: {  	v36 =	vor.u32 v27, v33;
	_ =	sdelay $0x3  }
0x15e: {  	[tilespmem:v35+s18+$0x0] =	vst.idx.msk $0xffff, v34  }
0x15f: {  	v34 =	vld.idx.msk [tilespmem:v36+s5+$0x0], $0xffff  }
0x160: {  	v35 =	vor.u32 v26, v32  }
0x161: {  	v36 =	vor.u32 v29, v33;
	_ =	sdelay $0x3  }
0x162: {  	[tilespmem:v35+s18+$0x0] =	vst.idx.msk $0xffff, v34  }
0x163: {  	v34 =	vld.idx.msk [tilespmem:v36+s5+$0x0], $0xffff  }
0x164: {  	v35 =	vor.u32 v28, v32  }
0x165: {  	v33 =	vor.u32 v31, v33;
	_ =	sdelay $0x3  }
0x166: {  	s29 =	sadd.s32 $0x2, s26;
	[tilespmem:v35+s18+$0x0] =	vst.idx.msk $0xffff, v34  }
0x167: {  	v34 =	vld.idx.msk [tilespmem:v33+s5+$0x0], $0xffff;
	v33 =	vadd.s32 s29, v0  }
0x168: {  	v32 =	vor.u32 v30, v32;
	v33 =	vand.u32 $0xF, v33  }
0x169: {  	v35 =	vor.u32 v1, v33;
	_ =	sdelay $0x3  }
0x16a: {  	[tilespmem:v32+s18+$0x0] =	vst.idx.msk $0xffff, v34  }
0x16b: {  	v32 =	vshll.u32 v33, $0x5;
	v34 =	vld.idx.msk [tilespmem:v35+s5+$0x0], $0xffff  }
0x16c: {  	v35 =	vor.u32 v0, v32  }
0x16d: {  	v36 =	vor.u32 v3, v33;
	_ =	sdelay $0x3  }
0x16e: {  	[tilespmem:v35+s18+$0x0] =	vst.idx.msk $0xffff, v34  }
0x16f: {  	v34 =	vld.idx.msk [tilespmem:v36+s5+$0x0], $0xffff  }
0x170: {  	v35 =	vor.u32 v2, v32  }
0x171: {  	v36 =	vor.u32 v5, v33;
	_ =	sdelay $0x3  }
0x172: {  	[tilespmem:v35+s18+$0x0] =	vst.idx.msk $0xffff, v34  }
0x173: {  	v34 =	vld.idx.msk [tilespmem:v36+s5+$0x0], $0xffff  }
0x174: {  	v35 =	vor.u32 v4, v32  }
0x175: {  	v36 =	vor.u32 v7, v33;
	_ =	sdelay $0x3  }
0x176: {  	[tilespmem:v35+s18+$0x0] =	vst.idx.msk $0xffff, v34  }
0x177: {  	v34 =	vld.idx.msk [tilespmem:v36+s5+$0x0], $0xffff  }
0x178: {  	v35 =	vor.u32 v6, v32  }
0x179: {  	v36 =	vor.u32 v9, v33;
	_ =	sdelay $0x3  }
0x17a: {  	[tilespmem:v35+s18+$0x0] =	vst.idx.msk $0xffff, v34  }
0x17b: {  	v34 =	vld.idx.msk [tilespmem:v36+s5+$0x0], $0xffff  }
0x17c: {  	v35 =	vor.u32 v8, v32  }
0x17d: {  	v36 =	vor.u32 v11, v33;
	_ =	sdelay $0x3  }
0x17e: {  	[tilespmem:v35+s18+$0x0] =	vst.idx.msk $0xffff, v34  }
0x17f: {  	v34 =	vld.idx.msk [tilespmem:v36+s5+$0x0], $0xffff  }
0x180: {  	v35 =	vor.u32 v10, v32  }
0x181: {  	v36 =	vor.u32 v13, v33;
	_ =	sdelay $0x3  }
0x182: {  	[tilespmem:v35+s18+$0x0] =	vst.idx.msk $0xffff, v34  }
0x183: {  	v34 =	vld.idx.msk [tilespmem:v36+s5+$0x0], $0xffff  }
0x184: {  	v35 =	vor.u32 v12, v32  }
0x185: {  	v36 =	vor.u32 v15, v33;
	_ =	sdelay $0x3  }
0x186: {  	[tilespmem:v35+s18+$0x0] =	vst.idx.msk $0xffff, v34  }
0x187: {  	v34 =	vld.idx.msk [tilespmem:v36+s5+$0x0], $0xffff  }
0x188: {  	v35 =	vor.u32 v14, v32  }
0x189: {  	v36 =	vor.u32 v17, v33;
	_ =	sdelay $0x3  }
0x18a: {  	[tilespmem:v35+s18+$0x0] =	vst.idx.msk $0xffff, v34  }
0x18b: {  	v34 =	vld.idx.msk [tilespmem:v36+s5+$0x0], $0xffff  }
0x18c: {  	v35 =	vor.u32 v16, v32  }
0x18d: {  	v36 =	vor.u32 v19, v33;
	_ =	sdelay $0x3  }
0x18e: {  	[tilespmem:v35+s18+$0x0] =	vst.idx.msk $0xffff, v34  }
0x18f: {  	v34 =	vld.idx.msk [tilespmem:v36+s5+$0x0], $0xffff  }
0x190: {  	v35 =	vor.u32 v18, v32  }
0x191: {  	v36 =	vor.u32 v21, v33;
	_ =	sdelay $0x3  }
0x192: {  	[tilespmem:v35+s18+$0x0] =	vst.idx.msk $0xffff, v34  }
0x193: {  	v34 =	vld.idx.msk [tilespmem:v36+s5+$0x0], $0xffff  }
0x194: {  	v35 =	vor.u32 v20, v32  }
0x195: {  	v36 =	vor.u32 v23, v33;
	_ =	sdelay $0x3  }
0x196: {  	[tilespmem:v35+s18+$0x0] =	vst.idx.msk $0xffff, v34  }
0x197: {  	v34 =	vld.idx.msk [tilespmem:v36+s5+$0x0], $0xffff  }
0x198: {  	v35 =	vor.u32 v22, v32  }
0x199: {  	v36 =	vor.u32 v25, v33;
	_ =	sdelay $0x3  }
0x19a: {  	[tilespmem:v35+s18+$0x0] =	vst.idx.msk $0xffff, v34  }
0x19b: {  	v34 =	vld.idx.msk [tilespmem:v36+s5+$0x0], $0xffff  }
0x19c: {  	v35 =	vor.u32 v24, v32  }
0x19d: {  	v36 =	vor.u32 v27, v33;
	_ =	sdelay $0x3  }
0x19e: {  	[tilespmem:v35+s18+$0x0] =	vst.idx.msk $0xffff, v34  }
0x19f: {  	v34 =	vld.idx.msk [tilespmem:v36+s5+$0x0], $0xffff  }
0x1a0: {  	v35 =	vor.u32 v26, v32  }
0x1a1: {  	v36 =	vor.u32 v29, v33;
	_ =	sdelay $0x3  }
0x1a2: {  	[tilespmem:v35+s18+$0x0] =	vst.idx.msk $0xffff, v34  }
0x1a3: {  	v34 =	vld.idx.msk [tilespmem:v36+s5+$0x0], $0xffff  }
0x1a4: {  	v35 =	vor.u32 v28, v32  }
0x1a5: {  	v33 =	vor.u32 v31, v33;
	_ =	sdelay $0x3  }
0x1a6: {  	s29 =	sadd.s32 $0x3, s26;
	s26 =	smov.u32 s28;
	[tilespmem:v35+s18+$0x0] =	vst.idx.msk $0xffff, v34  }
0x1a7: {  	v34 =	vadd.s32 s29, v0;
	v33 =	vld.idx.msk [tilespmem:v33+s5+$0x0], $0xffff  }
0x1a8: {  	v35 =	vor.u32 v30, v32;
	v32 =	vand.u32 $0xF, v34  }
0x1a9: {  	v34 =	vor.u32 v1, v32;
	_ =	sdelay $0x3  }
0x1aa: {  	[tilespmem:v35+s18+$0x0] =	vst.idx.msk $0xffff, v33  }
0x1ab: {  	v33 =	vshll.u32 v32, $0x5;
	v34 =	vld.idx.msk [tilespmem:v34+s5+$0x0], $0xffff  }
0x1ac: {  	v35 =	vor.u32 v0, v33  }
0x1ad: {  	v36 =	vor.u32 v3, v32;
	_ =	sdelay $0x3  }
0x1ae: {  	[tilespmem:v35+s18+$0x0] =	vst.idx.msk $0xffff, v34  }
0x1af: {  	v34 =	vld.idx.msk [tilespmem:v36+s5+$0x0], $0xffff  }
0x1b0: {  	v35 =	vor.u32 v2, v33  }
0x1b1: {  	v36 =	vor.u32 v5, v32;
	_ =	sdelay $0x3  }
0x1b2: {  	[tilespmem:v35+s18+$0x0] =	vst.idx.msk $0xffff, v34  }
0x1b3: {  	v34 =	vld.idx.msk [tilespmem:v36+s5+$0x0], $0xffff  }
0x1b4: {  	v35 =	vor.u32 v4, v33  }
0x1b5: {  	v36 =	vor.u32 v7, v32;
	_ =	sdelay $0x3  }
0x1b6: {  	[tilespmem:v35+s18+$0x0] =	vst.idx.msk $0xffff, v34  }
0x1b7: {  	v34 =	vld.idx.msk [tilespmem:v36+s5+$0x0], $0xffff  }
0x1b8: {  	v35 =	vor.u32 v6, v33  }
0x1b9: {  	v36 =	vor.u32 v9, v32;
	_ =	sdelay $0x3  }
0x1ba: {  	[tilespmem:v35+s18+$0x0] =	vst.idx.msk $0xffff, v34  }
0x1bb: {  	v34 =	vld.idx.msk [tilespmem:v36+s5+$0x0], $0xffff  }
0x1bc: {  	v35 =	vor.u32 v8, v33  }
0x1bd: {  	v36 =	vor.u32 v11, v32;
	_ =	sdelay $0x3  }
0x1be: {  	[tilespmem:v35+s18+$0x0] =	vst.idx.msk $0xffff, v34  }
0x1bf: {  	v34 =	vld.idx.msk [tilespmem:v36+s5+$0x0], $0xffff  }
0x1c0: {  	v35 =	vor.u32 v10, v33  }
0x1c1: {  	v36 =	vor.u32 v13, v32;
	_ =	sdelay $0x3  }
0x1c2: {  	[tilespmem:v35+s18+$0x0] =	vst.idx.msk $0xffff, v34  }
0x1c3: {  	v34 =	vld.idx.msk [tilespmem:v36+s5+$0x0], $0xffff  }
0x1c4: {  	v35 =	vor.u32 v12, v33  }
0x1c5: {  	v36 =	vor.u32 v15, v32;
	_ =	sdelay $0x3  }
0x1c6: {  	[tilespmem:v35+s18+$0x0] =	vst.idx.msk $0xffff, v34  }
0x1c7: {  	v34 =	vld.idx.msk [tilespmem:v36+s5+$0x0], $0xffff  }
0x1c8: {  	v35 =	vor.u32 v14, v33  }
0x1c9: {  	v36 =	vor.u32 v17, v32;
	_ =	sdelay $0x3  }
0x1ca: {  	[tilespmem:v35+s18+$0x0] =	vst.idx.msk $0xffff, v34  }
0x1cb: {  	v34 =	vld.idx.msk [tilespmem:v36+s5+$0x0], $0xffff  }
0x1cc: {  	v35 =	vor.u32 v16, v33  }
0x1cd: {  	v36 =	vor.u32 v19, v32;
	_ =	sdelay $0x3  }
0x1ce: {  	[tilespmem:v35+s18+$0x0] =	vst.idx.msk $0xffff, v34  }
0x1cf: {  	v34 =	vld.idx.msk [tilespmem:v36+s5+$0x0], $0xffff  }
0x1d0: {  	v35 =	vor.u32 v18, v33  }
0x1d1: {  	v36 =	vor.u32 v21, v32;
	_ =	sdelay $0x3  }
0x1d2: {  	[tilespmem:v35+s18+$0x0] =	vst.idx.msk $0xffff, v34  }
0x1d3: {  	v34 =	vld.idx.msk [tilespmem:v36+s5+$0x0], $0xffff  }
0x1d4: {  	v35 =	vor.u32 v20, v33  }
0x1d5: {  	v36 =	vor.u32 v23, v32;
	_ =	sdelay $0x3  }
0x1d6: {  	[tilespmem:v35+s18+$0x0] =	vst.idx.msk $0xffff, v34  }
0x1d7: {  	v34 =	vld.idx.msk [tilespmem:v36+s5+$0x0], $0xffff  }
0x1d8: {  	v35 =	vor.u32 v22, v33  }
0x1d9: {  	v36 =	vor.u32 v25, v32;
	_ =	sdelay $0x3  }
0x1da: {  	[tilespmem:v35+s18+$0x0] =	vst.idx.msk $0xffff, v34  }
0x1db: {  	v34 =	vld.idx.msk [tilespmem:v36+s5+$0x0], $0xffff  }
0x1dc: {  	v35 =	vor.u32 v24, v33  }
0x1dd: {  	v36 =	vor.u32 v27, v32;
	_ =	sdelay $0x3  }
0x1de: {  	[tilespmem:v35+s18+$0x0] =	vst.idx.msk $0xffff, v34  }
0x1df: {  	v34 =	vld.idx.msk [tilespmem:v36+s5+$0x0], $0xffff  }
0x1e0: {  	v35 =	vor.u32 v26, v33  }
0x1e1: {  	v36 =	vor.u32 v29, v32;
	_ =	sdelay $0x3  }
0x1e2: {  	[tilespmem:v35+s18+$0x0] =	vst.idx.msk $0xffff, v34  }
0x1e3: {  	v34 =	vld.idx.msk [tilespmem:v36+s5+$0x0], $0xffff  }
0x1e4: {  	v35 =	vor.u32 v28, v33  }
0x1e5: {  	v36 =	vor.u32 v31, v32  }
.Ltmp2:
0x1e6: {  	(pc) =	sbr.rel @p2 .LBB2_3-.Ltmp2, $3  }
0x1e7: {  	_ =	sdelay $0x1  }
0x1e8: {  	[tilespmem:v35+s18+$0x0] =	vst.idx.msk $0xffff, v34  }
0x1e9: {  	s28 =	sadd.s32 $0x4, s28;
	v32 =	vadd.s32 s26, v0;
	v35 =	vld.idx.msk [tilespmem:v36+s5+$0x0], $0xffff  }
0x1ea: {  	v34 =	vand.u32 $0xF, v32;
	v33 =	vor.u32 v30, v33  }
0x1eb: {  	v36 =	vor.u32 v1, v34;
	_ =	sdelay $0x3  }
0x1ec: {  	[tilespmem:v33+s18+$0x0] =	vst.idx.msk $0xffff, v35;
	v33 =	vshll.u32 v34, $0x5  }
0x1ed: {  	v35 =	vld.idx.msk [tilespmem:v36+s5+$0x0], $0xffff;
	v63 =	vor.u32 v0, v33  }
0x1ee: {  	v37 =	vor.u32 v3, v32;
	_ =	sdelay $0x3  }
0x1ef: {  	[tilespmem:v63+s18+$0x0] =	vst.idx.msk $0xffff, v35  }
0x1f0: {  	v40 =	vor.u32 v2, v33;
	v35 =	vld.idx.msk [tilespmem:v37+s5+$0x0], $0xffff  }
0x1f1: {  	v41 =	vor.u32 v5, v34;
	_ =	sdelay $0x3  }
0x1f2: {  	[tilespmem:v40+s18+$0x0] =	vst.idx.msk $0xffff, v35  }
0x1f3: {  	v42 =	vor.u32 v4, v33;
	v35 =	vld.idx.msk [tilespmem:v41+s5+$0x0], $0xffff  }
0x1f4: {  	v43 =	vor.u32 v7, v32;
	_ =	sdelay $0x3  }
0x1f5: {  	[tilespmem:v42+s18+$0x0] =	vst.idx.msk $0xffff, v35  }
0x1f6: {  	v44 =	vor.u32 v6, v33;
	v35 =	vld.idx.msk [tilespmem:v43+s5+$0x0], $0xffff  }
0x1f7: {  	v45 =	vor.u32 v9, v34;
	_ =	sdelay $0x3  }
0x1f8: {  	[tilespmem:v44+s18+$0x0] =	vst.idx.msk $0xffff, v35  }
0x1f9: {  	v46 =	vor.u32 v8, v33;
	v35 =	vld.idx.msk [tilespmem:v45+s5+$0x0], $0xffff  }
0x1fa: {  	v47 =	vor.u32 v11, v32;
	_ =	sdelay $0x3  }
0x1fb: {  	[tilespmem:v46+s18+$0x0] =	vst.idx.msk $0xffff, v35  }
0x1fc: {  	v48 =	vor.u32 v10, v33;
	v35 =	vld.idx.msk [tilespmem:v47+s5+$0x0], $0xffff  }
0x1fd: {  	v49 =	vor.u32 v13, v34;
	_ =	sdelay $0x3  }
0x1fe: {  	[tilespmem:v48+s18+$0x0] =	vst.idx.msk $0xffff, v35  }
0x1ff: {  	v50 =	vor.u32 v12, v33;
	v35 =	vld.idx.msk [tilespmem:v49+s5+$0x0], $0xffff  }
0x200: {  	v51 =	vor.u32 v15, v32;
	_ =	sdelay $0x3  }
0x201: {  	[tilespmem:v50+s18+$0x0] =	vst.idx.msk $0xffff, v35  }
0x202: {  	v52 =	vor.u32 v14, v33;
	v35 =	vld.idx.msk [tilespmem:v51+s5+$0x0], $0xffff  }
0x203: {  	v53 =	vor.u32 v17, v34;
	_ =	sdelay $0x3  }
0x204: {  	[tilespmem:v52+s18+$0x0] =	vst.idx.msk $0xffff, v35  }
0x205: {  	v54 =	vor.u32 v16, v33;
	v35 =	vld.idx.msk [tilespmem:v53+s5+$0x0], $0xffff  }
0x206: {  	v55 =	vor.u32 v19, v32;
	_ =	sdelay $0x3  }
0x207: {  	[tilespmem:v54+s18+$0x0] =	vst.idx.msk $0xffff, v35  }
0x208: {  	v56 =	vor.u32 v18, v33;
	v35 =	vld.idx.msk [tilespmem:v55+s5+$0x0], $0xffff  }
0x209: {  	v57 =	vor.u32 v21, v34;
	_ =	sdelay $0x3  }
0x20a: {  	[tilespmem:v56+s18+$0x0] =	vst.idx.msk $0xffff, v35  }
0x20b: {  	v58 =	vor.u32 v20, v33;
	v35 =	vld.idx.msk [tilespmem:v57+s5+$0x0], $0xffff  }
0x20c: {  	v59 =	vor.u32 v23, v32;
	_ =	sdelay $0x3  }
0x20d: {  	[tilespmem:v58+s18+$0x0] =	vst.idx.msk $0xffff, v35  }
0x20e: {  	v60 =	vor.u32 v22, v33;
	v35 =	vld.idx.msk [tilespmem:v59+s5+$0x0], $0xffff  }
0x20f: {  	v61 =	vor.u32 v25, v34;
	_ =	sdelay $0x3  }
0x210: {  	[tilespmem:v60+s18+$0x0] =	vst.idx.msk $0xffff, v35  }
0x211: {  	v62 =	vor.u32 v24, v33;
	v35 =	vld.idx.msk [tilespmem:v61+s5+$0x0], $0xffff  }
0x212: {  	v63 =	vor.u32 v27, v32;
	_ =	sdelay $0x3  }
0x213: {  	[tilespmem:v62+s18+$0x0] =	vst.idx.msk $0xffff, v35  }
0x214: {  	v40 =	vor.u32 v26, v33;
	v35 =	vld.idx.msk [tilespmem:v63+s5+$0x0], $0xffff  }
0x215: {  	v34 =	vor.u32 v29, v34;
	_ =	sdelay $0x3  }
0x216: {  	[tilespmem:v40+s18+$0x0] =	vst.idx.msk $0xffff, v35  }
0x217: {  	v41 =	vor.u32 v28, v33;
	v34 =	vld.idx.msk [tilespmem:v34+s5+$0x0], $0xffff  }
0x218: {  	v42 =	vor.u32 v31, v32;
	_ =	sdelay $0x2  }
0x219: {  	s28 =	sadd.s32 $0x1, s26  }
0x21a: {  	v43 =	vadd.s32 s28, v0;
	[tilespmem:v41+s18+$0x0] =	vst.idx.msk $0xffff, v34  }
0x21b: {  	v33 =	vor.u32 v30, v33;
	v34 =	vand.u32 $0xF, v43;
	v32 =	vld.idx.msk [tilespmem:v42+s5+$0x0], $0xffff  }
0x21c: {  	v44 =	vor.u32 v1, v34;
	_ =	sdelay $0x3  }
0x21d: {  	[tilespmem:v33+s18+$0x0] =	vst.idx.msk $0xffff, v32;
	v32 =	vshll.u32 v34, $0x5  }
0x21e: {  	v33 =	vld.idx.msk [tilespmem:v44+s5+$0x0], $0xffff;
	v45 =	vor.u32 v0, v32  }
0x21f: {  	v46 =	vor.u32 v3, v34;
	_ =	sdelay $0x3  }
0x220: {  	[tilespmem:v45+s18+$0x0] =	vst.idx.msk $0xffff, v33  }
0x221: {  	v47 =	vor.u32 v2, v32;
	v33 =	vld.idx.msk [tilespmem:v46+s5+$0x0], $0xffff  }
0x222: {  	v48 =	vor.u32 v5, v34;
	_ =	sdelay $0x3  }
0x223: {  	[tilespmem:v47+s18+$0x0] =	vst.idx.msk $0xffff, v33  }
0x224: {  	v49 =	vor.u32 v4, v32;
	v33 =	vld.idx.msk [tilespmem:v48+s5+$0x0], $0xffff  }
0x225: {  	v50 =	vor.u32 v7, v34;
	_ =	sdelay $0x3  }
0x226: {  	[tilespmem:v49+s18+$0x0] =	vst.idx.msk $0xffff, v33  }
0x227: {  	v51 =	vor.u32 v6, v32;
	v33 =	vld.idx.msk [tilespmem:v50+s5+$0x0], $0xffff  }
0x228: {  	v52 =	vor.u32 v9, v34;
	_ =	sdelay $0x3  }
0x229: {  	[tilespmem:v51+s18+$0x0] =	vst.idx.msk $0xffff, v33  }
0x22a: {  	v53 =	vor.u32 v8, v32;
	v33 =	vld.idx.msk [tilespmem:v52+s5+$0x0], $0xffff  }
0x22b: {  	v54 =	vor.u32 v11, v34;
	_ =	sdelay $0x3  }
0x22c: {  	[tilespmem:v53+s18+$0x0] =	vst.idx.msk $0xffff, v33  }
0x22d: {  	v55 =	vor.u32 v10, v32;
	v33 =	vld.idx.msk [tilespmem:v54+s5+$0x0], $0xffff  }
0x22e: {  	v56 =	vor.u32 v13, v34;
	_ =	sdelay $0x3  }
0x22f: {  	[tilespmem:v55+s18+$0x0] =	vst.idx.msk $0xffff, v33  }
0x230: {  	v57 =	vor.u32 v12, v32;
	v33 =	vld.idx.msk [tilespmem:v56+s5+$0x0], $0xffff  }
0x231: {  	v58 =	vor.u32 v15, v34;
	_ =	sdelay $0x3  }
0x232: {  	[tilespmem:v57+s18+$0x0] =	vst.idx.msk $0xffff, v33  }
0x233: {  	v59 =	vor.u32 v14, v32;
	v33 =	vld.idx.msk [tilespmem:v58+s5+$0x0], $0xffff  }
0x234: {  	v60 =	vor.u32 v17, v34;
	_ =	sdelay $0x3  }
0x235: {  	[tilespmem:v59+s18+$0x0] =	vst.idx.msk $0xffff, v33  }
0x236: {  	v61 =	vor.u32 v16, v32;
	v33 =	vld.idx.msk [tilespmem:v60+s5+$0x0], $0xffff  }
0x237: {  	v62 =	vor.u32 v19, v34;
	_ =	sdelay $0x3  }
0x238: {  	[tilespmem:v61+s18+$0x0] =	vst.idx.msk $0xffff, v33  }
0x239: {  	v63 =	vor.u32 v18, v32;
	v33 =	vld.idx.msk [tilespmem:v62+s5+$0x0], $0xffff  }
0x23a: {  	v40 =	vor.u32 v21, v34;
	_ =	sdelay $0x3  }
0x23b: {  	[tilespmem:v63+s18+$0x0] =	vst.idx.msk $0xffff, v33  }
0x23c: {  	v41 =	vor.u32 v20, v32;
	v33 =	vld.idx.msk [tilespmem:v40+s5+$0x0], $0xffff  }
0x23d: {  	v42 =	vor.u32 v23, v34;
	_ =	sdelay $0x3  }
0x23e: {  	[tilespmem:v41+s18+$0x0] =	vst.idx.msk $0xffff, v33  }
0x23f: {  	v43 =	vor.u32 v22, v32;
	v33 =	vld.idx.msk [tilespmem:v42+s5+$0x0], $0xffff  }
0x240: {  	v44 =	vor.u32 v25, v34;
	_ =	sdelay $0x3  }
0x241: {  	[tilespmem:v43+s18+$0x0] =	vst.idx.msk $0xffff, v33  }
0x242: {  	v45 =	vor.u32 v24, v32;
	v33 =	vld.idx.msk [tilespmem:v44+s5+$0x0], $0xffff  }
0x243: {  	v46 =	vor.u32 v27, v34;
	_ =	sdelay $0x3  }
0x244: {  	[tilespmem:v45+s18+$0x0] =	vst.idx.msk $0xffff, v33  }
0x245: {  	v47 =	vor.u32 v26, v32;
	v33 =	vld.idx.msk [tilespmem:v46+s5+$0x0], $0xffff  }
0x246: {  	v48 =	vor.u32 v29, v34;
	_ =	sdelay $0x3  }
0x247: {  	[tilespmem:v47+s18+$0x0] =	vst.idx.msk $0xffff, v33  }
0x248: {  	v49 =	vor.u32 v28, v32;
	v33 =	vld.idx.msk [tilespmem:v48+s5+$0x0], $0xffff  }
0x249: {  	v34 =	vor.u32 v31, v34;
	_ =	sdelay $0x2  }
0x24a: {  	s29 =	sadd.s32 $0x2, s26  }
0x24b: {  	v50 =	vadd.s32 s29, v0;
	[tilespmem:v49+s18+$0x0] =	vst.idx.msk $0xffff, v33  }
0x24c: {  	v32 =	vor.u32 v30, v32;
	v33 =	vand.u32 $0xF, v50;
	v34 =	vld.idx.msk [tilespmem:v34+s5+$0x0], $0xffff  }
0x24d: {  	v51 =	vor.u32 v1, v33;
	_ =	sdelay $0x3  }
0x24e: {  	[tilespmem:v32+s18+$0x0] =	vst.idx.msk $0xffff, v34;
	v32 =	vshll.u32 v33, $0x5  }
0x24f: {  	v34 =	vld.idx.msk [tilespmem:v51+s5+$0x0], $0xffff;
	v52 =	vor.u32 v0, v32  }
0x250: {  	v53 =	vor.u32 v3, v33;
	_ =	sdelay $0x3  }
0x251: {  	[tilespmem:v52+s18+$0x0] =	vst.idx.msk $0xffff, v34  }
0x252: {  	v54 =	vor.u32 v2, v32;
	v34 =	vld.idx.msk [tilespmem:v53+s5+$0x0], $0xffff  }
0x253: {  	v55 =	vor.u32 v5, v33;
	_ =	sdelay $0x3  }
0x254: {  	[tilespmem:v54+s18+$0x0] =	vst.idx.msk $0xffff, v34  }
0x255: {  	v56 =	vor.u32 v4, v32;
	v34 =	vld.idx.msk [tilespmem:v55+s5+$0x0], $0xffff  }
0x256: {  	v57 =	vor.u32 v7, v33;
	_ =	sdelay $0x3  }
0x257: {  	[tilespmem:v56+s18+$0x0] =	vst.idx.msk $0xffff, v34  }
0x258: {  	v58 =	vor.u32 v6, v32;
	v34 =	vld.idx.msk [tilespmem:v57+s5+$0x0], $0xffff  }
0x259: {  	v59 =	vor.u32 v9, v33;
	_ =	sdelay $0x3  }
0x25a: {  	[tilespmem:v58+s18+$0x0] =	vst.idx.msk $0xffff, v34  }
0x25b: {  	v60 =	vor.u32 v8, v32;
	v34 =	vld.idx.msk [tilespmem:v59+s5+$0x0], $0xffff  }
0x25c: {  	v61 =	vor.u32 v11, v33;
	_ =	sdelay $0x3  }
0x25d: {  	[tilespmem:v60+s18+$0x0] =	vst.idx.msk $0xffff, v34  }
0x25e: {  	v62 =	vor.u32 v10, v32;
	v34 =	vld.idx.msk [tilespmem:v61+s5+$0x0], $0xffff  }
0x25f: {  	v63 =	vor.u32 v13, v33;
	_ =	sdelay $0x3  }
0x260: {  	[tilespmem:v62+s18+$0x0] =	vst.idx.msk $0xffff, v34  }
0x261: {  	v40 =	vor.u32 v12, v32;
	v34 =	vld.idx.msk [tilespmem:v63+s5+$0x0], $0xffff  }
0x262: {  	v41 =	vor.u32 v15, v33;
	_ =	sdelay $0x3  }
0x263: {  	[tilespmem:v40+s18+$0x0] =	vst.idx.msk $0xffff, v34  }
0x264: {  	v42 =	vor.u32 v14, v32;
	v34 =	vld.idx.msk [tilespmem:v41+s5+$0x0], $0xffff  }
0x265: {  	v43 =	vor.u32 v17, v33;
	_ =	sdelay $0x3  }
0x266: {  	[tilespmem:v42+s18+$0x0] =	vst.idx.msk $0xffff, v34  }
0x267: {  	v44 =	vor.u32 v16, v32;
	v34 =	vld.idx.msk [tilespmem:v43+s5+$0x0], $0xffff  }
0x268: {  	v45 =	vor.u32 v19, v33;
	_ =	sdelay $0x3  }
0x269: {  	[tilespmem:v44+s18+$0x0] =	vst.idx.msk $0xffff, v34  }
0x26a: {  	v46 =	vor.u32 v18, v32;
	v34 =	vld.idx.msk [tilespmem:v45+s5+$0x0], $0xffff  }
0x26b: {  	v47 =	vor.u32 v21, v33;
	_ =	sdelay $0x3  }
0x26c: {  	[tilespmem:v46+s18+$0x0] =	vst.idx.msk $0xffff, v34  }
0x26d: {  	v48 =	vor.u32 v20, v32;
	v34 =	vld.idx.msk [tilespmem:v47+s5+$0x0], $0xffff  }
0x26e: {  	v49 =	vor.u32 v23, v33;
	_ =	sdelay $0x3  }
0x26f: {  	[tilespmem:v48+s18+$0x0] =	vst.idx.msk $0xffff, v34  }
0x270: {  	v50 =	vor.u32 v22, v32;
	v34 =	vld.idx.msk [tilespmem:v49+s5+$0x0], $0xffff  }
0x271: {  	v51 =	vor.u32 v25, v33;
	_ =	sdelay $0x3  }
0x272: {  	[tilespmem:v50+s18+$0x0] =	vst.idx.msk $0xffff, v34  }
0x273: {  	v52 =	vor.u32 v24, v32;
	v34 =	vld.idx.msk [tilespmem:v51+s5+$0x0], $0xffff  }
0x274: {  	v53 =	vor.u32 v27, v33;
	_ =	sdelay $0x3  }
0x275: {  	[tilespmem:v52+s18+$0x0] =	vst.idx.msk $0xffff, v34  }
0x276: {  	v54 =	vor.u32 v26, v32;
	v34 =	vld.idx.msk [tilespmem:v53+s5+$0x0], $0xffff  }
0x277: {  	v55 =	vor.u32 v29, v33;
	_ =	sdelay $0x3  }
0x278: {  	[tilespmem:v54+s18+$0x0] =	vst.idx.msk $0xffff, v34  }
0x279: {  	v56 =	vor.u32 v28, v32;
	v34 =	vld.idx.msk [tilespmem:v55+s5+$0x0], $0xffff  }
0x27a: {  	v33 =	vor.u32 v31, v33;
	_ =	sdelay $0x2  }
0x27b: {  	s30 =	sadd.s32 $0x3, s26  }
0x27c: {  	v57 =	vadd.s32 s30, v0;
	[tilespmem:v56+s18+$0x0] =	vst.idx.msk $0xffff, v34  }
0x27d: {  	v32 =	vor.u32 v30, v32;
	v34 =	vand.u32 $0xF, v57;
	v33 =	vld.idx.msk [tilespmem:v33+s5+$0x0], $0xffff  }
0x27e: {  	v58 =	vor.u32 v1, v34;
	_ =	sdelay $0x3  }
0x27f: {  	[tilespmem:v32+s18+$0x0] =	vst.idx.msk $0xffff, v33;
	v32 =	vshll.u32 v34, $0x5  }
0x280: {  	v33 =	vld.idx.msk [tilespmem:v58+s5+$0x0], $0xffff;
	v59 =	vor.u32 v0, v32  }
0x281: {  	v60 =	vor.u32 v3, v34;
	_ =	sdelay $0x3  }
0x282: {  	[tilespmem:v59+s18+$0x0] =	vst.idx.msk $0xffff, v33  }
0x283: {  	v61 =	vor.u32 v2, v32;
	v33 =	vld.idx.msk [tilespmem:v60+s5+$0x0], $0xffff  }
0x284: {  	v62 =	vor.u32 v5, v34;
	_ =	sdelay $0x3  }
0x285: {  	[tilespmem:v61+s18+$0x0] =	vst.idx.msk $0xffff, v33  }
0x286: {  	v63 =	vor.u32 v4, v32;
	v33 =	vld.idx.msk [tilespmem:v62+s5+$0x0], $0xffff  }
0x287: {  	v40 =	vor.u32 v7, v34;
	_ =	sdelay $0x3  }
0x288: {  	[tilespmem:v63+s18+$0x0] =	vst.idx.msk $0xffff, v33  }
0x289: {  	v41 =	vor.u32 v6, v32;
	v33 =	vld.idx.msk [tilespmem:v40+s5+$0x0], $0xffff  }
0x28a: {  	v42 =	vor.u32 v9, v34;
	_ =	sdelay $0x3  }
0x28b: {  	[tilespmem:v41+s18+$0x0] =	vst.idx.msk $0xffff, v33  }
0x28c: {  	v43 =	vor.u32 v8, v32;
	v33 =	vld.idx.msk [tilespmem:v42+s5+$0x0], $0xffff  }
0x28d: {  	v44 =	vor.u32 v11, v34;
	_ =	sdelay $0x3  }
0x28e: {  	[tilespmem:v43+s18+$0x0] =	vst.idx.msk $0xffff, v33  }
0x28f: {  	v45 =	vor.u32 v10, v32;
	v33 =	vld.idx.msk [tilespmem:v44+s5+$0x0], $0xffff  }
0x290: {  	v46 =	vor.u32 v13, v34;
	_ =	sdelay $0x3  }
0x291: {  	[tilespmem:v45+s18+$0x0] =	vst.idx.msk $0xffff, v33  }
0x292: {  	v47 =	vor.u32 v12, v32;
	v33 =	vld.idx.msk [tilespmem:v46+s5+$0x0], $0xffff  }
0x293: {  	v48 =	vor.u32 v15, v34;
	_ =	sdelay $0x3  }
0x294: {  	[tilespmem:v47+s18+$0x0] =	vst.idx.msk $0xffff, v33  }
0x295: {  	v49 =	vor.u32 v14, v32;
	v33 =	vld.idx.msk [tilespmem:v48+s5+$0x0], $0xffff  }
0x296: {  	v50 =	vor.u32 v17, v34;
	_ =	sdelay $0x3  }
0x297: {  	[tilespmem:v49+s18+$0x0] =	vst.idx.msk $0xffff, v33  }
0x298: {  	v51 =	vor.u32 v16, v32;
	v33 =	vld.idx.msk [tilespmem:v50+s5+$0x0], $0xffff  }
0x299: {  	v52 =	vor.u32 v19, v34;
	_ =	sdelay $0x3  }
0x29a: {  	[tilespmem:v51+s18+$0x0] =	vst.idx.msk $0xffff, v33  }
0x29b: {  	v53 =	vor.u32 v18, v32;
	v33 =	vld.idx.msk [tilespmem:v52+s5+$0x0], $0xffff  }
0x29c: {  	v54 =	vor.u32 v21, v34;
	_ =	sdelay $0x3  }
0x29d: {  	[tilespmem:v53+s18+$0x0] =	vst.idx.msk $0xffff, v33  }
0x29e: {  	v55 =	vor.u32 v20, v32;
	v33 =	vld.idx.msk [tilespmem:v54+s5+$0x0], $0xffff  }
0x29f: {  	v56 =	vor.u32 v23, v34;
	_ =	sdelay $0x3  }
0x2a0: {  	[tilespmem:v55+s18+$0x0] =	vst.idx.msk $0xffff, v33  }
0x2a1: {  	v57 =	vor.u32 v22, v32;
	v33 =	vld.idx.msk [tilespmem:v56+s5+$0x0], $0xffff  }
0x2a2: {  	v58 =	vor.u32 v25, v34;
	_ =	sdelay $0x3  }
0x2a3: {  	[tilespmem:v57+s18+$0x0] =	vst.idx.msk $0xffff, v33  }
0x2a4: {  	v59 =	vor.u32 v24, v32;
	v33 =	vld.idx.msk [tilespmem:v58+s5+$0x0], $0xffff  }
0x2a5: {  	v60 =	vor.u32 v27, v34;
	_ =	sdelay $0x3  }
0x2a6: {  	[tilespmem:v59+s18+$0x0] =	vst.idx.msk $0xffff, v33  }
0x2a7: {  	v61 =	vor.u32 v26, v32;
	v33 =	vld.idx.msk [tilespmem:v60+s5+$0x0], $0xffff  }
0x2a8: {  	v62 =	vor.u32 v29, v34;
	_ =	sdelay $0x3  }
0x2a9: {  	[tilespmem:v61+s18+$0x0] =	vst.idx.msk $0xffff, v33  }
0x2aa: {  	v63 =	vor.u32 v28, v32;
	v33 =	vld.idx.msk [tilespmem:v62+s5+$0x0], $0xffff  }
0x2ab: {  	v34 =	vor.u32 v31, v34;
	_ =	sdelay $0x3  }
0x2ac: {  	[tilespmem:v63+s18+$0x0] =	vst.idx.msk $0xffff, v33  }
0x2ad: {  	v32 =	vor.u32 v30, v32;
	v33 =	vld.idx.msk [tilespmem:v34+s5+$0x0], $0xffff  }
0x2ae: {  	p2 =	sne.s32 s24, $0x7A  }
.Ltmp3:
0x2af: {  	s31 =	sadd.s32 s6, s25;
	(pc) =	sbr.rel @p2 .LBB2_6-.Ltmp3, $4  }
0x2b0: {  	s26 =	smin.u32 s31, $0x1E83  }
0x2b1: {  	s26 =	sshll.u32 s26, $0x9  }
0x2b2: {  	s26 =	sadd.s32 s4, s26;
	[tilespmem:v32+s18+$0x0] =	vst.idx.msk $0xffff, v33  }
0x2b3: {  	[hbm4b:s26+s5] =	stream.linear.scatter [tilespmem:s18], [sflag:$0x3], $0x1000, $0x38;
	[tilespmem:$0x4000] =	vst v63  }
.Ltmp4:
0x2b4: {  	(pc) =	sbr.rel .LBB2_7-.Ltmp4, $4  }
0x2b5: {  	_ = 	snop  }
0x2b6: {  	_ =	swait.ge [sflag:s19], $0x1000  }
0x2b7: {  	[sflag:s19] =	ssyncset.done $0x0  }
0x2b8: {  	[sflag:s19] =	ssyncadd.s32 $0xFFFFF000  }
.LBB2_6:
0x2b9: {  	s26 =	sadd.s32 s25, s9  }
0x2ba: {  	s26 =	smin.u32 s26, $0x1E83  }
0x2bb: {  	s26 =	sshll.u32 s26, $0x7  }
.Ltmp5:
0x2bc: {  	s26 =	sadd.s32 s1, s26;
	(pc) =	sbr.rel @p1 .LBB2_8-.Ltmp5, $4  }
0x2bd: {  	[tilespmem:s5], [sflag:$0x1] =	stream.strided.gather [hbm4b:s26+s14], $0x1000, s15, s14, $0x38;
	[tilespmem:$0x4000] =	vst v63  }
0x2be: {  	_ =	swait.ge [sflag:s19], $0x1000  }
0x2bf: {  	[sflag:s19] =	ssyncset.done $0x0  }
0x2c0: {  	[sflag:s19] =	ssyncadd.s32 $0xFFFFF000  }
.LBB2_7:
0x2c1: {  	_ =	swait.ge [sflag:s20], $0x1000  }
0x2c2: {  	[sflag:s20] =	ssyncset.done $0x0  }
0x2c3: {  	[sflag:s20] =	ssyncadd.s32 $0xFFFFF000  }
.LBB2_8:
0x2c4: {  	s26 =	simm.s32 $0x0  }
0x2c5: {  	v32 =	vadd.s32 s26, v0  }
0x2c6: {  	v33 =	vand.u32 $0xF, v32  }
0x2c7: {  	v34 =	vor.u32 v1, v33;
	_ =	sdelay $0x3  }
0x2c8: {  	v35 =	vshll.u32 v33, $0x5  }
0x2c9: {  	v36 =	vor.u32 v0, v35;
	v34 =	vld.idx.msk [tilespmem:v34+s16+$0x0], $0xffff  }
0x2ca: {  	v37 =	vor.u32 v3, v32;
	_ =	sdelay $0x3  }
0x2cb: {  	[tilespmem:v36+s21+$0x0] =	vst.idx.msk $0xffff, v34  }
0x2cc: {  	v40 =	vor.u32 v2, v35;
	v34 =	vld.idx.msk [tilespmem:v37+s16+$0x0], $0xffff  }
0x2cd: {  	v41 =	vor.u32 v5, v33;
	_ =	sdelay $0x3  }
0x2ce: {  	[tilespmem:v40+s21+$0x0] =	vst.idx.msk $0xffff, v34  }
0x2cf: {  	v42 =	vor.u32 v4, v35;
	v34 =	vld.idx.msk [tilespmem:v41+s16+$0x0], $0xffff  }
0x2d0: {  	v43 =	vor.u32 v7, v32;
	_ =	sdelay $0x3  }
0x2d1: {  	[tilespmem:v42+s21+$0x0] =	vst.idx.msk $0xffff, v34  }
0x2d2: {  	v44 =	vor.u32 v6, v35;
	v34 =	vld.idx.msk [tilespmem:v43+s16+$0x0], $0xffff  }
0x2d3: {  	v45 =	vor.u32 v9, v33;
	_ =	sdelay $0x3  }
0x2d4: {  	[tilespmem:v44+s21+$0x0] =	vst.idx.msk $0xffff, v34  }
0x2d5: {  	v46 =	vor.u32 v8, v35;
	v34 =	vld.idx.msk [tilespmem:v45+s16+$0x0], $0xffff  }
0x2d6: {  	v47 =	vor.u32 v11, v32;
	_ =	sdelay $0x3  }
0x2d7: {  	[tilespmem:v46+s21+$0x0] =	vst.idx.msk $0xffff, v34  }
0x2d8: {  	v48 =	vor.u32 v10, v35;
	v34 =	vld.idx.msk [tilespmem:v47+s16+$0x0], $0xffff  }
0x2d9: {  	v49 =	vor.u32 v13, v33;
	_ =	sdelay $0x3  }
0x2da: {  	[tilespmem:v48+s21+$0x0] =	vst.idx.msk $0xffff, v34  }
0x2db: {  	v50 =	vor.u32 v12, v35;
	v34 =	vld.idx.msk [tilespmem:v49+s16+$0x0], $0xffff  }
0x2dc: {  	v51 =	vor.u32 v15, v32;
	_ =	sdelay $0x3  }
0x2dd: {  	[tilespmem:v50+s21+$0x0] =	vst.idx.msk $0xffff, v34  }
0x2de: {  	v52 =	vor.u32 v14, v35;
	v34 =	vld.idx.msk [tilespmem:v51+s16+$0x0], $0xffff  }
0x2df: {  	v53 =	vor.u32 v17, v33;
	_ =	sdelay $0x3  }
0x2e0: {  	[tilespmem:v52+s21+$0x0] =	vst.idx.msk $0xffff, v34  }
0x2e1: {  	v54 =	vor.u32 v16, v35;
	v34 =	vld.idx.msk [tilespmem:v53+s16+$0x0], $0xffff  }
0x2e2: {  	v55 =	vor.u32 v19, v32;
	_ =	sdelay $0x3  }
0x2e3: {  	[tilespmem:v54+s21+$0x0] =	vst.idx.msk $0xffff, v34  }
0x2e4: {  	v56 =	vor.u32 v18, v35;
	v34 =	vld.idx.msk [tilespmem:v55+s16+$0x0], $0xffff  }
0x2e5: {  	v57 =	vor.u32 v21, v33;
	_ =	sdelay $0x3  }
0x2e6: {  	[tilespmem:v56+s21+$0x0] =	vst.idx.msk $0xffff, v34  }
0x2e7: {  	v58 =	vor.u32 v20, v35;
	v34 =	vld.idx.msk [tilespmem:v57+s16+$0x0], $0xffff  }
0x2e8: {  	v59 =	vor.u32 v23, v32;
	_ =	sdelay $0x3  }
0x2e9: {  	[tilespmem:v58+s21+$0x0] =	vst.idx.msk $0xffff, v34  }
0x2ea: {  	v60 =	vor.u32 v22, v35;
	v34 =	vld.idx.msk [tilespmem:v59+s16+$0x0], $0xffff  }
0x2eb: {  	v61 =	vor.u32 v25, v33;
	_ =	sdelay $0x3  }
0x2ec: {  	[tilespmem:v60+s21+$0x0] =	vst.idx.msk $0xffff, v34  }
0x2ed: {  	v62 =	vor.u32 v24, v35;
	v34 =	vld.idx.msk [tilespmem:v61+s16+$0x0], $0xffff  }
0x2ee: {  	v63 =	vor.u32 v27, v32;
	_ =	sdelay $0x3  }
0x2ef: {  	[tilespmem:v62+s21+$0x0] =	vst.idx.msk $0xffff, v34  }
0x2f0: {  	v40 =	vor.u32 v26, v35;
	v34 =	vld.idx.msk [tilespmem:v63+s16+$0x0], $0xffff  }
0x2f1: {  	v33 =	vor.u32 v29, v33;
	_ =	sdelay $0x3  }
0x2f2: {  	[tilespmem:v40+s21+$0x0] =	vst.idx.msk $0xffff, v34  }
0x2f3: {  	v41 =	vor.u32 v28, v35;
	v33 =	vld.idx.msk [tilespmem:v33+s16+$0x0], $0xffff  }
0x2f4: {  	v32 =	vor.u32 v31, v32;
	_ =	sdelay $0x2  }
0x2f5: {  	s29 =	simm.s32 $0x1  }
0x2f6: {  	v42 =	vadd.s32 s29, v0;
	[tilespmem:v41+s21+$0x0] =	vst.idx.msk $0xffff, v33  }
0x2f7: {  	v43 =	vor.u32 v30, v35;
	v33 =	vand.u32 $0xF, v42;
	v32 =	vld.idx.msk [tilespmem:v32+s16+$0x0], $0xffff  }
0x2f8: {  	v44 =	vor.u32 v1, v33;
	_ =	sdelay $0x3  }
0x2f9: {  	[tilespmem:v43+s21+$0x0] =	vst.idx.msk $0xffff, v32;
	v32 =	vshll.u32 v33, $0x5  }
0x2fa: {  	v34 =	vld.idx.msk [tilespmem:v44+s16+$0x0], $0xffff;
	v45 =	vor.u32 v0, v32  }
0x2fb: {  	v46 =	vor.u32 v3, v33;
	_ =	sdelay $0x3  }
0x2fc: {  	[tilespmem:v45+s21+$0x0] =	vst.idx.msk $0xffff, v34  }
0x2fd: {  	v47 =	vor.u32 v2, v32;
	v34 =	vld.idx.msk [tilespmem:v46+s16+$0x0], $0xffff  }
0x2fe: {  	v48 =	vor.u32 v5, v33;
	_ =	sdelay $0x3  }
0x2ff: {  	[tilespmem:v47+s21+$0x0] =	vst.idx.msk $0xffff, v34  }
0x300: {  	v49 =	vor.u32 v4, v32;
	v34 =	vld.idx.msk [tilespmem:v48+s16+$0x0], $0xffff  }
0x301: {  	v50 =	vor.u32 v7, v33;
	_ =	sdelay $0x3  }
0x302: {  	[tilespmem:v49+s21+$0x0] =	vst.idx.msk $0xffff, v34  }
0x303: {  	v51 =	vor.u32 v6, v32;
	v34 =	vld.idx.msk [tilespmem:v50+s16+$0x0], $0xffff  }
0x304: {  	v52 =	vor.u32 v9, v33;
	_ =	sdelay $0x3  }
0x305: {  	[tilespmem:v51+s21+$0x0] =	vst.idx.msk $0xffff, v34  }
0x306: {  	v53 =	vor.u32 v8, v32;
	v34 =	vld.idx.msk [tilespmem:v52+s16+$0x0], $0xffff  }
0x307: {  	v54 =	vor.u32 v11, v33;
	_ =	sdelay $0x3  }
0x308: {  	[tilespmem:v53+s21+$0x0] =	vst.idx.msk $0xffff, v34  }
0x309: {  	v55 =	vor.u32 v10, v32;
	v34 =	vld.idx.msk [tilespmem:v54+s16+$0x0], $0xffff  }
0x30a: {  	v56 =	vor.u32 v13, v33;
	_ =	sdelay $0x3  }
0x30b: {  	[tilespmem:v55+s21+$0x0] =	vst.idx.msk $0xffff, v34  }
0x30c: {  	v57 =	vor.u32 v12, v32;
	v34 =	vld.idx.msk [tilespmem:v56+s16+$0x0], $0xffff  }
0x30d: {  	v58 =	vor.u32 v15, v33;
	_ =	sdelay $0x3  }
0x30e: {  	[tilespmem:v57+s21+$0x0] =	vst.idx.msk $0xffff, v34  }
0x30f: {  	v59 =	vor.u32 v14, v32;
	v34 =	vld.idx.msk [tilespmem:v58+s16+$0x0], $0xffff  }
0x310: {  	v60 =	vor.u32 v17, v33;
	_ =	sdelay $0x3  }
0x311: {  	[tilespmem:v59+s21+$0x0] =	vst.idx.msk $0xffff, v34  }
0x312: {  	v61 =	vor.u32 v16, v32;
	v34 =	vld.idx.msk [tilespmem:v60+s16+$0x0], $0xffff  }
0x313: {  	v62 =	vor.u32 v19, v33;
	_ =	sdelay $0x3  }
0x314: {  	[tilespmem:v61+s21+$0x0] =	vst.idx.msk $0xffff, v34  }
0x315: {  	v63 =	vor.u32 v18, v32;
	v34 =	vld.idx.msk [tilespmem:v62+s16+$0x0], $0xffff  }
0x316: {  	v40 =	vor.u32 v21, v33;
	_ =	sdelay $0x3  }
0x317: {  	[tilespmem:v63+s21+$0x0] =	vst.idx.msk $0xffff, v34  }
0x318: {  	v41 =	vor.u32 v20, v32;
	v34 =	vld.idx.msk [tilespmem:v40+s16+$0x0], $0xffff  }
0x319: {  	v42 =	vor.u32 v23, v33;
	_ =	sdelay $0x3  }
0x31a: {  	[tilespmem:v41+s21+$0x0] =	vst.idx.msk $0xffff, v34  }
0x31b: {  	v43 =	vor.u32 v22, v32;
	v34 =	vld.idx.msk [tilespmem:v42+s16+$0x0], $0xffff  }
0x31c: {  	v44 =	vor.u32 v25, v33;
	_ =	sdelay $0x3  }
0x31d: {  	[tilespmem:v43+s21+$0x0] =	vst.idx.msk $0xffff, v34  }
0x31e: {  	v45 =	vor.u32 v24, v32;
	v34 =	vld.idx.msk [tilespmem:v44+s16+$0x0], $0xffff  }
0x31f: {  	v46 =	vor.u32 v27, v33;
	_ =	sdelay $0x3  }
0x320: {  	[tilespmem:v45+s21+$0x0] =	vst.idx.msk $0xffff, v34  }
0x321: {  	v47 =	vor.u32 v26, v32;
	v34 =	vld.idx.msk [tilespmem:v46+s16+$0x0], $0xffff  }
0x322: {  	v48 =	vor.u32 v29, v33;
	_ =	sdelay $0x3  }
0x323: {  	[tilespmem:v47+s21+$0x0] =	vst.idx.msk $0xffff, v34  }
0x324: {  	v49 =	vor.u32 v28, v32;
	v34 =	vld.idx.msk [tilespmem:v48+s16+$0x0], $0xffff  }
0x325: {  	v33 =	vor.u32 v31, v33;
	_ =	sdelay $0x2  }
0x326: {  	s30 =	simm.s32 $0x2  }
0x327: {  	v50 =	vadd.s32 s30, v0;
	[tilespmem:v49+s21+$0x0] =	vst.idx.msk $0xffff, v34  }
0x328: {  	v32 =	vor.u32 v30, v32;
	v34 =	vand.u32 $0xF, v50;
	v33 =	vld.idx.msk [tilespmem:v33+s16+$0x0], $0xffff  }
0x329: {  	v51 =	vor.u32 v1, v34;
	_ =	sdelay $0x3  }
0x32a: {  	[tilespmem:v32+s21+$0x0] =	vst.idx.msk $0xffff, v33;
	v32 =	vshll.u32 v34, $0x5  }
0x32b: {  	v33 =	vld.idx.msk [tilespmem:v51+s16+$0x0], $0xffff;
	v52 =	vor.u32 v0, v32  }
0x32c: {  	v53 =	vor.u32 v3, v34;
	_ =	sdelay $0x3  }
0x32d: {  	[tilespmem:v52+s21+$0x0] =	vst.idx.msk $0xffff, v33  }
0x32e: {  	v54 =	vor.u32 v2, v32;
	v33 =	vld.idx.msk [tilespmem:v53+s16+$0x0], $0xffff  }
0x32f: {  	v55 =	vor.u32 v5, v34;
	_ =	sdelay $0x3  }
0x330: {  	[tilespmem:v54+s21+$0x0] =	vst.idx.msk $0xffff, v33  }
0x331: {  	v56 =	vor.u32 v4, v32;
	v33 =	vld.idx.msk [tilespmem:v55+s16+$0x0], $0xffff  }
0x332: {  	v57 =	vor.u32 v7, v34;
	_ =	sdelay $0x3  }
0x333: {  	[tilespmem:v56+s21+$0x0] =	vst.idx.msk $0xffff, v33  }
0x334: {  	v58 =	vor.u32 v6, v32;
	v33 =	vld.idx.msk [tilespmem:v57+s16+$0x0], $0xffff  }
0x335: {  	v59 =	vor.u32 v9, v34;
	_ =	sdelay $0x3  }
0x336: {  	[tilespmem:v58+s21+$0x0] =	vst.idx.msk $0xffff, v33  }
0x337: {  	v60 =	vor.u32 v8, v32;
	v33 =	vld.idx.msk [tilespmem:v59+s16+$0x0], $0xffff  }
0x338: {  	v61 =	vor.u32 v11, v34;
	_ =	sdelay $0x3  }
0x339: {  	[tilespmem:v60+s21+$0x0] =	vst.idx.msk $0xffff, v33  }
0x33a: {  	v62 =	vor.u32 v10, v32;
	v33 =	vld.idx.msk [tilespmem:v61+s16+$0x0], $0xffff  }
0x33b: {  	v63 =	vor.u32 v13, v34;
	_ =	sdelay $0x3  }
0x33c: {  	[tilespmem:v62+s21+$0x0] =	vst.idx.msk $0xffff, v33  }
0x33d: {  	v40 =	vor.u32 v12, v32;
	v33 =	vld.idx.msk [tilespmem:v63+s16+$0x0], $0xffff  }
0x33e: {  	v41 =	vor.u32 v15, v34;
	_ =	sdelay $0x3  }
0x33f: {  	[tilespmem:v40+s21+$0x0] =	vst.idx.msk $0xffff, v33  }
0x340: {  	v42 =	vor.u32 v14, v32;
	v33 =	vld.idx.msk [tilespmem:v41+s16+$0x0], $0xffff  }
0x341: {  	v43 =	vor.u32 v17, v34;
	_ =	sdelay $0x3  }
0x342: {  	[tilespmem:v42+s21+$0x0] =	vst.idx.msk $0xffff, v33  }
0x343: {  	v44 =	vor.u32 v16, v32;
	v33 =	vld.idx.msk [tilespmem:v43+s16+$0x0], $0xffff  }
0x344: {  	v45 =	vor.u32 v19, v34;
	_ =	sdelay $0x3  }
0x345: {  	[tilespmem:v44+s21+$0x0] =	vst.idx.msk $0xffff, v33  }
0x346: {  	v46 =	vor.u32 v18, v32;
	v33 =	vld.idx.msk [tilespmem:v45+s16+$0x0], $0xffff  }
0x347: {  	v47 =	vor.u32 v21, v34;
	_ =	sdelay $0x3  }
0x348: {  	[tilespmem:v46+s21+$0x0] =	vst.idx.msk $0xffff, v33  }
0x349: {  	v48 =	vor.u32 v20, v32;
	v33 =	vld.idx.msk [tilespmem:v47+s16+$0x0], $0xffff  }
0x34a: {  	v49 =	vor.u32 v23, v34;
	_ =	sdelay $0x3  }
0x34b: {  	[tilespmem:v48+s21+$0x0] =	vst.idx.msk $0xffff, v33  }
0x34c: {  	v50 =	vor.u32 v22, v32;
	v33 =	vld.idx.msk [tilespmem:v49+s16+$0x0], $0xffff  }
0x34d: {  	v51 =	vor.u32 v25, v34;
	_ =	sdelay $0x3  }
0x34e: {  	[tilespmem:v50+s21+$0x0] =	vst.idx.msk $0xffff, v33  }
0x34f: {  	v52 =	vor.u32 v24, v32;
	v33 =	vld.idx.msk [tilespmem:v51+s16+$0x0], $0xffff  }
0x350: {  	v53 =	vor.u32 v27, v34;
	_ =	sdelay $0x3  }
0x351: {  	[tilespmem:v52+s21+$0x0] =	vst.idx.msk $0xffff, v33  }
0x352: {  	v54 =	vor.u32 v26, v32;
	v33 =	vld.idx.msk [tilespmem:v53+s16+$0x0], $0xffff  }
0x353: {  	v55 =	vor.u32 v29, v34;
	_ =	sdelay $0x3  }
0x354: {  	[tilespmem:v54+s21+$0x0] =	vst.idx.msk $0xffff, v33  }
0x355: {  	v56 =	vor.u32 v28, v32;
	v33 =	vld.idx.msk [tilespmem:v55+s16+$0x0], $0xffff  }
0x356: {  	v34 =	vor.u32 v31, v34;
	_ =	sdelay $0x2  }
0x357: {  	s31 =	simm.s32 $0x3  }
0x358: {  	v57 =	vadd.s32 s31, v0;
	[tilespmem:v56+s21+$0x0] =	vst.idx.msk $0xffff, v33  }
0x359: {  	v32 =	vor.u32 v30, v32;
	v35 =	vand.u32 $0xF, v57;
	v34 =	vld.idx.msk [tilespmem:v34+s16+$0x0], $0xffff  }
0x35a: {  	v58 =	vor.u32 v1, v35;
	_ =	sdelay $0x3  }
0x35b: {  	v33 =	vshll.u32 v35, $0x5;
	[tilespmem:v32+s21+$0x0] =	vst.idx.msk $0xffff, v34  }
0x35c: {  	v59 =	vor.u32 v0, v33;
	v32 =	vld.idx.msk [tilespmem:v58+s16+$0x0], $0xffff  }
0x35d: {  	v60 =	vor.u32 v3, v35;
	_ =	sdelay $0x3  }
0x35e: {  	[tilespmem:v59+s21+$0x0] =	vst.idx.msk $0xffff, v32  }
0x35f: {  	v61 =	vor.u32 v2, v33;
	v32 =	vld.idx.msk [tilespmem:v60+s16+$0x0], $0xffff  }
0x360: {  	v62 =	vor.u32 v5, v35;
	_ =	sdelay $0x3  }
0x361: {  	[tilespmem:v61+s21+$0x0] =	vst.idx.msk $0xffff, v32  }
0x362: {  	v63 =	vor.u32 v4, v33;
	v32 =	vld.idx.msk [tilespmem:v62+s16+$0x0], $0xffff  }
0x363: {  	v40 =	vor.u32 v7, v35;
	_ =	sdelay $0x3  }
0x364: {  	[tilespmem:v63+s21+$0x0] =	vst.idx.msk $0xffff, v32  }
0x365: {  	v41 =	vor.u32 v6, v33;
	v32 =	vld.idx.msk [tilespmem:v40+s16+$0x0], $0xffff  }
0x366: {  	v42 =	vor.u32 v9, v35;
	_ =	sdelay $0x3  }
0x367: {  	[tilespmem:v41+s21+$0x0] =	vst.idx.msk $0xffff, v32  }
0x368: {  	v43 =	vor.u32 v8, v33;
	v32 =	vld.idx.msk [tilespmem:v42+s16+$0x0], $0xffff  }
0x369: {  	v44 =	vor.u32 v11, v35;
	_ =	sdelay $0x3  }
0x36a: {  	[tilespmem:v43+s21+$0x0] =	vst.idx.msk $0xffff, v32  }
0x36b: {  	v45 =	vor.u32 v10, v33;
	v32 =	vld.idx.msk [tilespmem:v44+s16+$0x0], $0xffff  }
0x36c: {  	v46 =	vor.u32 v13, v35;
	_ =	sdelay $0x3  }
0x36d: {  	[tilespmem:v45+s21+$0x0] =	vst.idx.msk $0xffff, v32  }
0x36e: {  	v47 =	vor.u32 v12, v33;
	v32 =	vld.idx.msk [tilespmem:v46+s16+$0x0], $0xffff  }
0x36f: {  	v48 =	vor.u32 v15, v35;
	_ =	sdelay $0x3  }
0x370: {  	[tilespmem:v47+s21+$0x0] =	vst.idx.msk $0xffff, v32  }
0x371: {  	v49 =	vor.u32 v14, v33;
	v32 =	vld.idx.msk [tilespmem:v48+s16+$0x0], $0xffff  }
0x372: {  	v50 =	vor.u32 v17, v35;
	_ =	sdelay $0x3  }
0x373: {  	[tilespmem:v49+s21+$0x0] =	vst.idx.msk $0xffff, v32  }
0x374: {  	v51 =	vor.u32 v16, v33;
	v32 =	vld.idx.msk [tilespmem:v50+s16+$0x0], $0xffff  }
0x375: {  	v52 =	vor.u32 v19, v35;
	_ =	sdelay $0x3  }
0x376: {  	[tilespmem:v51+s21+$0x0] =	vst.idx.msk $0xffff, v32  }
0x377: {  	v53 =	vor.u32 v18, v33;
	v32 =	vld.idx.msk [tilespmem:v52+s16+$0x0], $0xffff  }
0x378: {  	v54 =	vor.u32 v21, v35;
	_ =	sdelay $0x3  }
0x379: {  	[tilespmem:v53+s21+$0x0] =	vst.idx.msk $0xffff, v32  }
0x37a: {  	v55 =	vor.u32 v20, v33;
	v32 =	vld.idx.msk [tilespmem:v54+s16+$0x0], $0xffff  }
0x37b: {  	v56 =	vor.u32 v23, v35;
	_ =	sdelay $0x3  }
0x37c: {  	[tilespmem:v55+s21+$0x0] =	vst.idx.msk $0xffff, v32  }
0x37d: {  	v57 =	vor.u32 v22, v33;
	v32 =	vld.idx.msk [tilespmem:v56+s16+$0x0], $0xffff  }
0x37e: {  	v58 =	vor.u32 v25, v35;
	_ =	sdelay $0x3  }
0x37f: {  	[tilespmem:v57+s21+$0x0] =	vst.idx.msk $0xffff, v32  }
0x380: {  	v59 =	vor.u32 v24, v33;
	v32 =	vld.idx.msk [tilespmem:v58+s16+$0x0], $0xffff  }
0x381: {  	v60 =	vor.u32 v27, v35;
	_ =	sdelay $0x3  }
0x382: {  	[tilespmem:v59+s21+$0x0] =	vst.idx.msk $0xffff, v32  }
0x383: {  	v61 =	vor.u32 v26, v33;
	v32 =	vld.idx.msk [tilespmem:v60+s16+$0x0], $0xffff  }
0x384: {  	v62 =	vor.u32 v29, v35;
	_ =	sdelay $0x3  }
0x385: {  	[tilespmem:v61+s21+$0x0] =	vst.idx.msk $0xffff, v32  }
0x386: {  	v63 =	vor.u32 v28, v33;
	v32 =	vld.idx.msk [tilespmem:v62+s16+$0x0], $0xffff  }
0x387: {  	v35 =	vor.u32 v31, v35;
	_ =	sdelay $0x3  }
0x388: {  	s26 =	simm.s32 $0x4;
	[tilespmem:v63+s21+$0x0] =	vst.idx.msk $0xffff, v32  }
0x389: {  	s28 =	simm.s32 $0x8;
	v32 =	vadd.s32 s26, v0;
	v35 =	vld.idx.msk [tilespmem:v35+s16+$0x0], $0xffff  }
.LBB2_9:
0x38a: {  	p1 =	sne.s32 s28, $0xC;
	v34 =	vand.u32 $0xF, v32;
	v33 =	vor.u32 v30, v33  }
0x38b: {  	v36 =	vor.u32 v1, v34;
	_ =	sdelay $0x3  }
0x38c: {  	[tilespmem:v33+s21+$0x0] =	vst.idx.msk $0xffff, v35  }
0x38d: {  	v33 =	vshll.u32 v34, $0x5;
	v35 =	vld.idx.msk [tilespmem:v36+s16+$0x0], $0xffff  }
0x38e: {  	v36 =	vor.u32 v0, v33  }
0x38f: {  	v37 =	vor.u32 v3, v32;
	_ =	sdelay $0x3  }
0x390: {  	[tilespmem:v36+s21+$0x0] =	vst.idx.msk $0xffff, v35  }
0x391: {  	v35 =	vld.idx.msk [tilespmem:v37+s16+$0x0], $0xffff  }
0x392: {  	v36 =	vor.u32 v2, v33  }
0x393: {  	v37 =	vor.u32 v5, v34;
	_ =	sdelay $0x3  }
0x394: {  	[tilespmem:v36+s21+$0x0] =	vst.idx.msk $0xffff, v35  }
0x395: {  	v35 =	vld.idx.msk [tilespmem:v37+s16+$0x0], $0xffff  }
0x396: {  	v36 =	vor.u32 v4, v33  }
0x397: {  	v37 =	vor.u32 v7, v32;
	_ =	sdelay $0x3  }
0x398: {  	[tilespmem:v36+s21+$0x0] =	vst.idx.msk $0xffff, v35  }
0x399: {  	v35 =	vld.idx.msk [tilespmem:v37+s16+$0x0], $0xffff  }
0x39a: {  	v36 =	vor.u32 v6, v33  }
0x39b: {  	v37 =	vor.u32 v9, v34;
	_ =	sdelay $0x3  }
0x39c: {  	[tilespmem:v36+s21+$0x0] =	vst.idx.msk $0xffff, v35  }
0x39d: {  	v35 =	vld.idx.msk [tilespmem:v37+s16+$0x0], $0xffff  }
0x39e: {  	v36 =	vor.u32 v8, v33  }
0x39f: {  	v37 =	vor.u32 v11, v32;
	_ =	sdelay $0x3  }
0x3a0: {  	[tilespmem:v36+s21+$0x0] =	vst.idx.msk $0xffff, v35  }
0x3a1: {  	v35 =	vld.idx.msk [tilespmem:v37+s16+$0x0], $0xffff  }
0x3a2: {  	v36 =	vor.u32 v10, v33  }
0x3a3: {  	v37 =	vor.u32 v13, v34;
	_ =	sdelay $0x3  }
0x3a4: {  	[tilespmem:v36+s21+$0x0] =	vst.idx.msk $0xffff, v35  }
0x3a5: {  	v35 =	vld.idx.msk [tilespmem:v37+s16+$0x0], $0xffff  }
0x3a6: {  	v36 =	vor.u32 v12, v33  }
0x3a7: {  	v37 =	vor.u32 v15, v32;
	_ =	sdelay $0x3  }
0x3a8: {  	[tilespmem:v36+s21+$0x0] =	vst.idx.msk $0xffff, v35  }
0x3a9: {  	v35 =	vld.idx.msk [tilespmem:v37+s16+$0x0], $0xffff  }
0x3aa: {  	v36 =	vor.u32 v14, v33  }
0x3ab: {  	v37 =	vor.u32 v17, v34;
	_ =	sdelay $0x3  }
0x3ac: {  	[tilespmem:v36+s21+$0x0] =	vst.idx.msk $0xffff, v35  }
0x3ad: {  	v35 =	vld.idx.msk [tilespmem:v37+s16+$0x0], $0xffff  }
0x3ae: {  	v36 =	vor.u32 v16, v33  }
0x3af: {  	v37 =	vor.u32 v19, v32;
	_ =	sdelay $0x3  }
0x3b0: {  	[tilespmem:v36+s21+$0x0] =	vst.idx.msk $0xffff, v35  }
0x3b1: {  	v35 =	vld.idx.msk [tilespmem:v37+s16+$0x0], $0xffff  }
0x3b2: {  	v36 =	vor.u32 v18, v33  }
0x3b3: {  	v37 =	vor.u32 v21, v34;
	_ =	sdelay $0x3  }
0x3b4: {  	[tilespmem:v36+s21+$0x0] =	vst.idx.msk $0xffff, v35  }
0x3b5: {  	v35 =	vld.idx.msk [tilespmem:v37+s16+$0x0], $0xffff  }
0x3b6: {  	v36 =	vor.u32 v20, v33  }
0x3b7: {  	v37 =	vor.u32 v23, v32;
	_ =	sdelay $0x3  }
0x3b8: {  	[tilespmem:v36+s21+$0x0] =	vst.idx.msk $0xffff, v35  }
0x3b9: {  	v35 =	vld.idx.msk [tilespmem:v37+s16+$0x0], $0xffff  }
0x3ba: {  	v36 =	vor.u32 v22, v33  }
0x3bb: {  	v37 =	vor.u32 v25, v34;
	_ =	sdelay $0x3  }
0x3bc: {  	[tilespmem:v36+s21+$0x0] =	vst.idx.msk $0xffff, v35  }
0x3bd: {  	v35 =	vld.idx.msk [tilespmem:v37+s16+$0x0], $0xffff  }
0x3be: {  	v36 =	vor.u32 v24, v33  }
0x3bf: {  	v37 =	vor.u32 v27, v32;
	_ =	sdelay $0x3  }
0x3c0: {  	[tilespmem:v36+s21+$0x0] =	vst.idx.msk $0xffff, v35  }
0x3c1: {  	v35 =	vld.idx.msk [tilespmem:v37+s16+$0x0], $0xffff  }
0x3c2: {  	v36 =	vor.u32 v26, v33  }
0x3c3: {  	v34 =	vor.u32 v29, v34;
	_ =	sdelay $0x3  }
0x3c4: {  	[tilespmem:v36+s21+$0x0] =	vst.idx.msk $0xffff, v35  }
0x3c5: {  	v34 =	vld.idx.msk [tilespmem:v34+s16+$0x0], $0xffff  }
0x3c6: {  	v35 =	vor.u32 v28, v33  }
0x3c7: {  	v32 =	vor.u32 v31, v32;
	_ =	sdelay $0x3  }
0x3c8: {  	s29 =	sadd.s32 $0x1, s26;
	[tilespmem:v35+s21+$0x0] =	vst.idx.msk $0xffff, v34  }
0x3c9: {  	v34 =	vadd.s32 s29, v0;
	v32 =	vld.idx.msk [tilespmem:v32+s16+$0x0], $0xffff  }
0x3ca: {  	v35 =	vor.u32 v30, v33;
	v33 =	vand.u32 $0xF, v34  }
0x3cb: {  	v34 =	vor.u32 v1, v33;
	_ =	sdelay $0x3  }
0x3cc: {  	[tilespmem:v35+s21+$0x0] =	vst.idx.msk $0xffff, v32  }
0x3cd: {  	v32 =	vshll.u32 v33, $0x5;
	v34 =	vld.idx.msk [tilespmem:v34+s16+$0x0], $0xffff  }
0x3ce: {  	v35 =	vor.u32 v0, v32  }
0x3cf: {  	v36 =	vor.u32 v3, v33;
	_ =	sdelay $0x3  }
0x3d0: {  	[tilespmem:v35+s21+$0x0] =	vst.idx.msk $0xffff, v34  }
0x3d1: {  	v34 =	vld.idx.msk [tilespmem:v36+s16+$0x0], $0xffff  }
0x3d2: {  	v35 =	vor.u32 v2, v32  }
0x3d3: {  	v36 =	vor.u32 v5, v33;
	_ =	sdelay $0x3  }
0x3d4: {  	[tilespmem:v35+s21+$0x0] =	vst.idx.msk $0xffff, v34  }
0x3d5: {  	v34 =	vld.idx.msk [tilespmem:v36+s16+$0x0], $0xffff  }
0x3d6: {  	v35 =	vor.u32 v4, v32  }
0x3d7: {  	v36 =	vor.u32 v7, v33;
	_ =	sdelay $0x3  }
0x3d8: {  	[tilespmem:v35+s21+$0x0] =	vst.idx.msk $0xffff, v34  }
0x3d9: {  	v34 =	vld.idx.msk [tilespmem:v36+s16+$0x0], $0xffff  }
0x3da: {  	v35 =	vor.u32 v6, v32  }
0x3db: {  	v36 =	vor.u32 v9, v33;
	_ =	sdelay $0x3  }
0x3dc: {  	[tilespmem:v35+s21+$0x0] =	vst.idx.msk $0xffff, v34  }
0x3dd: {  	v34 =	vld.idx.msk [tilespmem:v36+s16+$0x0], $0xffff  }
0x3de: {  	v35 =	vor.u32 v8, v32  }
0x3df: {  	v36 =	vor.u32 v11, v33;
	_ =	sdelay $0x3  }
0x3e0: {  	[tilespmem:v35+s21+$0x0] =	vst.idx.msk $0xffff, v34  }
0x3e1: {  	v34 =	vld.idx.msk [tilespmem:v36+s16+$0x0], $0xffff  }
0x3e2: {  	v35 =	vor.u32 v10, v32  }
0x3e3: {  	v36 =	vor.u32 v13, v33;
	_ =	sdelay $0x3  }
0x3e4: {  	[tilespmem:v35+s21+$0x0] =	vst.idx.msk $0xffff, v34  }
0x3e5: {  	v34 =	vld.idx.msk [tilespmem:v36+s16+$0x0], $0xffff  }
0x3e6: {  	v35 =	vor.u32 v12, v32  }
0x3e7: {  	v36 =	vor.u32 v15, v33;
	_ =	sdelay $0x3  }
0x3e8: {  	[tilespmem:v35+s21+$0x0] =	vst.idx.msk $0xffff, v34  }
0x3e9: {  	v34 =	vld.idx.msk [tilespmem:v36+s16+$0x0], $0xffff  }
0x3ea: {  	v35 =	vor.u32 v14, v32  }
0x3eb: {  	v36 =	vor.u32 v17, v33;
	_ =	sdelay $0x3  }
0x3ec: {  	[tilespmem:v35+s21+$0x0] =	vst.idx.msk $0xffff, v34  }
0x3ed: {  	v34 =	vld.idx.msk [tilespmem:v36+s16+$0x0], $0xffff  }
0x3ee: {  	v35 =	vor.u32 v16, v32  }
0x3ef: {  	v36 =	vor.u32 v19, v33;
	_ =	sdelay $0x3  }
0x3f0: {  	[tilespmem:v35+s21+$0x0] =	vst.idx.msk $0xffff, v34  }
0x3f1: {  	v34 =	vld.idx.msk [tilespmem:v36+s16+$0x0], $0xffff  }
0x3f2: {  	v35 =	vor.u32 v18, v32  }
0x3f3: {  	v36 =	vor.u32 v21, v33;
	_ =	sdelay $0x3  }
0x3f4: {  	[tilespmem:v35+s21+$0x0] =	vst.idx.msk $0xffff, v34  }
0x3f5: {  	v34 =	vld.idx.msk [tilespmem:v36+s16+$0x0], $0xffff  }
0x3f6: {  	v35 =	vor.u32 v20, v32  }
0x3f7: {  	v36 =	vor.u32 v23, v33;
	_ =	sdelay $0x3  }
0x3f8: {  	[tilespmem:v35+s21+$0x0] =	vst.idx.msk $0xffff, v34  }
0x3f9: {  	v34 =	vld.idx.msk [tilespmem:v36+s16+$0x0], $0xffff  }
0x3fa: {  	v35 =	vor.u32 v22, v32  }
0x3fb: {  	v36 =	vor.u32 v25, v33;
	_ =	sdelay $0x3  }
0x3fc: {  	[tilespmem:v35+s21+$0x0] =	vst.idx.msk $0xffff, v34  }
0x3fd: {  	v34 =	vld.idx.msk [tilespmem:v36+s16+$0x0], $0xffff  }
0x3fe: {  	v35 =	vor.u32 v24, v32  }
0x3ff: {  	v36 =	vor.u32 v27, v33;
	_ =	sdelay $0x3  }
0x400: {  	[tilespmem:v35+s21+$0x0] =	vst.idx.msk $0xffff, v34  }
0x401: {  	v34 =	vld.idx.msk [tilespmem:v36+s16+$0x0], $0xffff  }
0x402: {  	v35 =	vor.u32 v26, v32  }
0x403: {  	v36 =	vor.u32 v29, v33;
	_ =	sdelay $0x3  }
0x404: {  	[tilespmem:v35+s21+$0x0] =	vst.idx.msk $0xffff, v34  }
0x405: {  	v34 =	vld.idx.msk [tilespmem:v36+s16+$0x0], $0xffff  }
0x406: {  	v35 =	vor.u32 v28, v32  }
0x407: {  	v33 =	vor.u32 v31, v33;
	_ =	sdelay $0x3  }
0x408: {  	s29 =	sadd.s32 $0x2, s26;
	[tilespmem:v35+s21+$0x0] =	vst.idx.msk $0xffff, v34  }
0x409: {  	v34 =	vld.idx.msk [tilespmem:v33+s16+$0x0], $0xffff;
	v33 =	vadd.s32 s29, v0  }
0x40a: {  	v32 =	vor.u32 v30, v32;
	v33 =	vand.u32 $0xF, v33  }
0x40b: {  	v35 =	vor.u32 v1, v33;
	_ =	sdelay $0x3  }
0x40c: {  	[tilespmem:v32+s21+$0x0] =	vst.idx.msk $0xffff, v34  }
0x40d: {  	v32 =	vshll.u32 v33, $0x5;
	v34 =	vld.idx.msk [tilespmem:v35+s16+$0x0], $0xffff  }
0x40e: {  	v35 =	vor.u32 v0, v32  }
0x40f: {  	v36 =	vor.u32 v3, v33;
	_ =	sdelay $0x3  }
0x410: {  	[tilespmem:v35+s21+$0x0] =	vst.idx.msk $0xffff, v34  }
0x411: {  	v34 =	vld.idx.msk [tilespmem:v36+s16+$0x0], $0xffff  }
0x412: {  	v35 =	vor.u32 v2, v32  }
0x413: {  	v36 =	vor.u32 v5, v33;
	_ =	sdelay $0x3  }
0x414: {  	[tilespmem:v35+s21+$0x0] =	vst.idx.msk $0xffff, v34  }
0x415: {  	v34 =	vld.idx.msk [tilespmem:v36+s16+$0x0], $0xffff  }
0x416: {  	v35 =	vor.u32 v4, v32  }
0x417: {  	v36 =	vor.u32 v7, v33;
	_ =	sdelay $0x3  }
0x418: {  	[tilespmem:v35+s21+$0x0] =	vst.idx.msk $0xffff, v34  }
0x419: {  	v34 =	vld.idx.msk [tilespmem:v36+s16+$0x0], $0xffff  }
0x41a: {  	v35 =	vor.u32 v6, v32  }
0x41b: {  	v36 =	vor.u32 v9, v33;
	_ =	sdelay $0x3  }
0x41c: {  	[tilespmem:v35+s21+$0x0] =	vst.idx.msk $0xffff, v34  }
0x41d: {  	v34 =	vld.idx.msk [tilespmem:v36+s16+$0x0], $0xffff  }
0x41e: {  	v35 =	vor.u32 v8, v32  }
0x41f: {  	v36 =	vor.u32 v11, v33;
	_ =	sdelay $0x3  }
0x420: {  	[tilespmem:v35+s21+$0x0] =	vst.idx.msk $0xffff, v34  }
0x421: {  	v34 =	vld.idx.msk [tilespmem:v36+s16+$0x0], $0xffff  }
0x422: {  	v35 =	vor.u32 v10, v32  }
0x423: {  	v36 =	vor.u32 v13, v33;
	_ =	sdelay $0x3  }
0x424: {  	[tilespmem:v35+s21+$0x0] =	vst.idx.msk $0xffff, v34  }
0x425: {  	v34 =	vld.idx.msk [tilespmem:v36+s16+$0x0], $0xffff  }
0x426: {  	v35 =	vor.u32 v12, v32  }
0x427: {  	v36 =	vor.u32 v15, v33;
	_ =	sdelay $0x3  }
0x428: {  	[tilespmem:v35+s21+$0x0] =	vst.idx.msk $0xffff, v34  }
0x429: {  	v34 =	vld.idx.msk [tilespmem:v36+s16+$0x0], $0xffff  }
0x42a: {  	v35 =	vor.u32 v14, v32  }
0x42b: {  	v36 =	vor.u32 v17, v33;
	_ =	sdelay $0x3  }
0x42c: {  	[tilespmem:v35+s21+$0x0] =	vst.idx.msk $0xffff, v34  }
0x42d: {  	v34 =	vld.idx.msk [tilespmem:v36+s16+$0x0], $0xffff  }
0x42e: {  	v35 =	vor.u32 v16, v32  }
0x42f: {  	v36 =	vor.u32 v19, v33;
	_ =	sdelay $0x3  }
0x430: {  	[tilespmem:v35+s21+$0x0] =	vst.idx.msk $0xffff, v34  }
0x431: {  	v34 =	vld.idx.msk [tilespmem:v36+s16+$0x0], $0xffff  }
0x432: {  	v35 =	vor.u32 v18, v32  }
0x433: {  	v36 =	vor.u32 v21, v33;
	_ =	sdelay $0x3  }
0x434: {  	[tilespmem:v35+s21+$0x0] =	vst.idx.msk $0xffff, v34  }
0x435: {  	v34 =	vld.idx.msk [tilespmem:v36+s16+$0x0], $0xffff  }
0x436: {  	v35 =	vor.u32 v20, v32  }
0x437: {  	v36 =	vor.u32 v23, v33;
	_ =	sdelay $0x3  }
0x438: {  	[tilespmem:v35+s21+$0x0] =	vst.idx.msk $0xffff, v34  }
0x439: {  	v34 =	vld.idx.msk [tilespmem:v36+s16+$0x0], $0xffff  }
0x43a: {  	v35 =	vor.u32 v22, v32  }
0x43b: {  	v36 =	vor.u32 v25, v33;
	_ =	sdelay $0x3  }
0x43c: {  	[tilespmem:v35+s21+$0x0] =	vst.idx.msk $0xffff, v34  }
0x43d: {  	v34 =	vld.idx.msk [tilespmem:v36+s16+$0x0], $0xffff  }
0x43e: {  	v35 =	vor.u32 v24, v32  }
0x43f: {  	v36 =	vor.u32 v27, v33;
	_ =	sdelay $0x3  }
0x440: {  	[tilespmem:v35+s21+$0x0] =	vst.idx.msk $0xffff, v34  }
0x441: {  	v34 =	vld.idx.msk [tilespmem:v36+s16+$0x0], $0xffff  }
0x442: {  	v35 =	vor.u32 v26, v32  }
0x443: {  	v36 =	vor.u32 v29, v33;
	_ =	sdelay $0x3  }
0x444: {  	[tilespmem:v35+s21+$0x0] =	vst.idx.msk $0xffff, v34  }
0x445: {  	v34 =	vld.idx.msk [tilespmem:v36+s16+$0x0], $0xffff  }
0x446: {  	v35 =	vor.u32 v28, v32  }
0x447: {  	v33 =	vor.u32 v31, v33;
	_ =	sdelay $0x3  }
0x448: {  	s29 =	sadd.s32 $0x3, s26;
	s26 =	smov.u32 s28;
	[tilespmem:v35+s21+$0x0] =	vst.idx.msk $0xffff, v34  }
0x449: {  	v34 =	vadd.s32 s29, v0;
	v33 =	vld.idx.msk [tilespmem:v33+s16+$0x0], $0xffff  }
0x44a: {  	v35 =	vor.u32 v30, v32;
	v32 =	vand.u32 $0xF, v34  }
0x44b: {  	v34 =	vor.u32 v1, v32;
	_ =	sdelay $0x3  }
0x44c: {  	[tilespmem:v35+s21+$0x0] =	vst.idx.msk $0xffff, v33  }
0x44d: {  	v33 =	vshll.u32 v32, $0x5;
	v34 =	vld.idx.msk [tilespmem:v34+s16+$0x0], $0xffff  }
0x44e: {  	v35 =	vor.u32 v0, v33  }
0x44f: {  	v36 =	vor.u32 v3, v32;
	_ =	sdelay $0x3  }
0x450: {  	[tilespmem:v35+s21+$0x0] =	vst.idx.msk $0xffff, v34  }
0x451: {  	v34 =	vld.idx.msk [tilespmem:v36+s16+$0x0], $0xffff  }
0x452: {  	v35 =	vor.u32 v2, v33  }
0x453: {  	v36 =	vor.u32 v5, v32;
	_ =	sdelay $0x3  }
0x454: {  	[tilespmem:v35+s21+$0x0] =	vst.idx.msk $0xffff, v34  }
0x455: {  	v34 =	vld.idx.msk [tilespmem:v36+s16+$0x0], $0xffff  }
0x456: {  	v35 =	vor.u32 v4, v33  }
0x457: {  	v36 =	vor.u32 v7, v32;
	_ =	sdelay $0x3  }
0x458: {  	[tilespmem:v35+s21+$0x0] =	vst.idx.msk $0xffff, v34  }
0x459: {  	v34 =	vld.idx.msk [tilespmem:v36+s16+$0x0], $0xffff  }
0x45a: {  	v35 =	vor.u32 v6, v33  }
0x45b: {  	v36 =	vor.u32 v9, v32;
	_ =	sdelay $0x3  }
0x45c: {  	[tilespmem:v35+s21+$0x0] =	vst.idx.msk $0xffff, v34  }
0x45d: {  	v34 =	vld.idx.msk [tilespmem:v36+s16+$0x0], $0xffff  }
0x45e: {  	v35 =	vor.u32 v8, v33  }
0x45f: {  	v36 =	vor.u32 v11, v32;
	_ =	sdelay $0x3  }
0x460: {  	[tilespmem:v35+s21+$0x0] =	vst.idx.msk $0xffff, v34  }
0x461: {  	v34 =	vld.idx.msk [tilespmem:v36+s16+$0x0], $0xffff  }
0x462: {  	v35 =	vor.u32 v10, v33  }
0x463: {  	v36 =	vor.u32 v13, v32;
	_ =	sdelay $0x3  }
0x464: {  	[tilespmem:v35+s21+$0x0] =	vst.idx.msk $0xffff, v34  }
0x465: {  	v34 =	vld.idx.msk [tilespmem:v36+s16+$0x0], $0xffff  }
0x466: {  	v35 =	vor.u32 v12, v33  }
0x467: {  	v36 =	vor.u32 v15, v32;
	_ =	sdelay $0x3  }
0x468: {  	[tilespmem:v35+s21+$0x0] =	vst.idx.msk $0xffff, v34  }
0x469: {  	v34 =	vld.idx.msk [tilespmem:v36+s16+$0x0], $0xffff  }
0x46a: {  	v35 =	vor.u32 v14, v33  }
0x46b: {  	v36 =	vor.u32 v17, v32;
	_ =	sdelay $0x3  }
0x46c: {  	[tilespmem:v35+s21+$0x0] =	vst.idx.msk $0xffff, v34  }
0x46d: {  	v34 =	vld.idx.msk [tilespmem:v36+s16+$0x0], $0xffff  }
0x46e: {  	v35 =	vor.u32 v16, v33  }
0x46f: {  	v36 =	vor.u32 v19, v32;
	_ =	sdelay $0x3  }
0x470: {  	[tilespmem:v35+s21+$0x0] =	vst.idx.msk $0xffff, v34  }
0x471: {  	v34 =	vld.idx.msk [tilespmem:v36+s16+$0x0], $0xffff  }
0x472: {  	v35 =	vor.u32 v18, v33  }
0x473: {  	v36 =	vor.u32 v21, v32;
	_ =	sdelay $0x3  }
0x474: {  	[tilespmem:v35+s21+$0x0] =	vst.idx.msk $0xffff, v34  }
0x475: {  	v34 =	vld.idx.msk [tilespmem:v36+s16+$0x0], $0xffff  }
0x476: {  	v35 =	vor.u32 v20, v33  }
0x477: {  	v36 =	vor.u32 v23, v32;
	_ =	sdelay $0x3  }
0x478: {  	[tilespmem:v35+s21+$0x0] =	vst.idx.msk $0xffff, v34  }
0x479: {  	v34 =	vld.idx.msk [tilespmem:v36+s16+$0x0], $0xffff  }
0x47a: {  	v35 =	vor.u32 v22, v33  }
0x47b: {  	v36 =	vor.u32 v25, v32;
	_ =	sdelay $0x3  }
0x47c: {  	[tilespmem:v35+s21+$0x0] =	vst.idx.msk $0xffff, v34  }
0x47d: {  	v34 =	vld.idx.msk [tilespmem:v36+s16+$0x0], $0xffff  }
0x47e: {  	v35 =	vor.u32 v24, v33  }
0x47f: {  	v36 =	vor.u32 v27, v32;
	_ =	sdelay $0x3  }
0x480: {  	[tilespmem:v35+s21+$0x0] =	vst.idx.msk $0xffff, v34  }
0x481: {  	v34 =	vld.idx.msk [tilespmem:v36+s16+$0x0], $0xffff  }
0x482: {  	v35 =	vor.u32 v26, v33  }
0x483: {  	v36 =	vor.u32 v29, v32;
	_ =	sdelay $0x3  }
0x484: {  	[tilespmem:v35+s21+$0x0] =	vst.idx.msk $0xffff, v34  }
0x485: {  	v34 =	vld.idx.msk [tilespmem:v36+s16+$0x0], $0xffff  }
0x486: {  	v35 =	vor.u32 v28, v33  }
0x487: {  	v36 =	vor.u32 v31, v32  }
.Ltmp6:
0x488: {  	(pc) =	sbr.rel @p1 .LBB2_9-.Ltmp6, $3  }
0x489: {  	_ =	sdelay $0x1  }
0x48a: {  	[tilespmem:v35+s21+$0x0] =	vst.idx.msk $0xffff, v34  }
0x48b: {  	s28 =	sadd.s32 $0x4, s28;
	v32 =	vadd.s32 s26, v0;
	v35 =	vld.idx.msk [tilespmem:v36+s16+$0x0], $0xffff  }
0x48c: {  	v34 =	vand.u32 $0xF, v32;
	v33 =	vor.u32 v30, v33  }
0x48d: {  	v36 =	vor.u32 v1, v34;
	_ =	sdelay $0x3  }
0x48e: {  	[tilespmem:v33+s21+$0x0] =	vst.idx.msk $0xffff, v35;
	v33 =	vshll.u32 v34, $0x5  }
0x48f: {  	v35 =	vld.idx.msk [tilespmem:v36+s16+$0x0], $0xffff;
	v63 =	vor.u32 v0, v33  }
0x490: {  	v37 =	vor.u32 v3, v32;
	_ =	sdelay $0x3  }
0x491: {  	[tilespmem:v63+s21+$0x0] =	vst.idx.msk $0xffff, v35  }
0x492: {  	v40 =	vor.u32 v2, v33;
	v35 =	vld.idx.msk [tilespmem:v37+s16+$0x0], $0xffff  }
0x493: {  	v41 =	vor.u32 v5, v34;
	_ =	sdelay $0x3  }
0x494: {  	[tilespmem:v40+s21+$0x0] =	vst.idx.msk $0xffff, v35  }
0x495: {  	v42 =	vor.u32 v4, v33;
	v35 =	vld.idx.msk [tilespmem:v41+s16+$0x0], $0xffff  }
0x496: {  	v43 =	vor.u32 v7, v32;
	_ =	sdelay $0x3  }
0x497: {  	[tilespmem:v42+s21+$0x0] =	vst.idx.msk $0xffff, v35  }
0x498: {  	v44 =	vor.u32 v6, v33;
	v35 =	vld.idx.msk [tilespmem:v43+s16+$0x0], $0xffff  }
0x499: {  	v45 =	vor.u32 v9, v34;
	_ =	sdelay $0x3  }
0x49a: {  	[tilespmem:v44+s21+$0x0] =	vst.idx.msk $0xffff, v35  }
0x49b: {  	v46 =	vor.u32 v8, v33;
	v35 =	vld.idx.msk [tilespmem:v45+s16+$0x0], $0xffff  }
0x49c: {  	v47 =	vor.u32 v11, v32;
	_ =	sdelay $0x3  }
0x49d: {  	[tilespmem:v46+s21+$0x0] =	vst.idx.msk $0xffff, v35  }
0x49e: {  	v48 =	vor.u32 v10, v33;
	v35 =	vld.idx.msk [tilespmem:v47+s16+$0x0], $0xffff  }
0x49f: {  	v49 =	vor.u32 v13, v34;
	_ =	sdelay $0x3  }
0x4a0: {  	[tilespmem:v48+s21+$0x0] =	vst.idx.msk $0xffff, v35  }
0x4a1: {  	v50 =	vor.u32 v12, v33;
	v35 =	vld.idx.msk [tilespmem:v49+s16+$0x0], $0xffff  }
0x4a2: {  	v51 =	vor.u32 v15, v32;
	_ =	sdelay $0x3  }
0x4a3: {  	[tilespmem:v50+s21+$0x0] =	vst.idx.msk $0xffff, v35  }
0x4a4: {  	v52 =	vor.u32 v14, v33;
	v35 =	vld.idx.msk [tilespmem:v51+s16+$0x0], $0xffff  }
0x4a5: {  	v53 =	vor.u32 v17, v34;
	_ =	sdelay $0x3  }
0x4a6: {  	[tilespmem:v52+s21+$0x0] =	vst.idx.msk $0xffff, v35  }
0x4a7: {  	v54 =	vor.u32 v16, v33;
	v35 =	vld.idx.msk [tilespmem:v53+s16+$0x0], $0xffff  }
0x4a8: {  	v55 =	vor.u32 v19, v32;
	_ =	sdelay $0x3  }
0x4a9: {  	[tilespmem:v54+s21+$0x0] =	vst.idx.msk $0xffff, v35  }
0x4aa: {  	v56 =	vor.u32 v18, v33;
	v35 =	vld.idx.msk [tilespmem:v55+s16+$0x0], $0xffff  }
0x4ab: {  	v57 =	vor.u32 v21, v34;
	_ =	sdelay $0x3  }
0x4ac: {  	[tilespmem:v56+s21+$0x0] =	vst.idx.msk $0xffff, v35  }
0x4ad: {  	v58 =	vor.u32 v20, v33;
	v35 =	vld.idx.msk [tilespmem:v57+s16+$0x0], $0xffff  }
0x4ae: {  	v59 =	vor.u32 v23, v32;
	_ =	sdelay $0x3  }
0x4af: {  	[tilespmem:v58+s21+$0x0] =	vst.idx.msk $0xffff, v35  }
0x4b0: {  	v60 =	vor.u32 v22, v33;
	v35 =	vld.idx.msk [tilespmem:v59+s16+$0x0], $0xffff  }
0x4b1: {  	v61 =	vor.u32 v25, v34;
	_ =	sdelay $0x3  }
0x4b2: {  	[tilespmem:v60+s21+$0x0] =	vst.idx.msk $0xffff, v35  }
0x4b3: {  	v62 =	vor.u32 v24, v33;
	v35 =	vld.idx.msk [tilespmem:v61+s16+$0x0], $0xffff  }
0x4b4: {  	v63 =	vor.u32 v27, v32;
	_ =	sdelay $0x3  }
0x4b5: {  	[tilespmem:v62+s21+$0x0] =	vst.idx.msk $0xffff, v35  }
0x4b6: {  	v40 =	vor.u32 v26, v33;
	v35 =	vld.idx.msk [tilespmem:v63+s16+$0x0], $0xffff  }
0x4b7: {  	v34 =	vor.u32 v29, v34;
	_ =	sdelay $0x3  }
0x4b8: {  	[tilespmem:v40+s21+$0x0] =	vst.idx.msk $0xffff, v35  }
0x4b9: {  	v41 =	vor.u32 v28, v33;
	v34 =	vld.idx.msk [tilespmem:v34+s16+$0x0], $0xffff  }
0x4ba: {  	v42 =	vor.u32 v31, v32;
	_ =	sdelay $0x2  }
0x4bb: {  	s28 =	sadd.s32 $0x1, s26  }
0x4bc: {  	v43 =	vadd.s32 s28, v0;
	[tilespmem:v41+s21+$0x0] =	vst.idx.msk $0xffff, v34  }
0x4bd: {  	v33 =	vor.u32 v30, v33;
	v34 =	vand.u32 $0xF, v43;
	v32 =	vld.idx.msk [tilespmem:v42+s16+$0x0], $0xffff  }
0x4be: {  	v44 =	vor.u32 v1, v34;
	_ =	sdelay $0x3  }
0x4bf: {  	[tilespmem:v33+s21+$0x0] =	vst.idx.msk $0xffff, v32;
	v32 =	vshll.u32 v34, $0x5  }
0x4c0: {  	v33 =	vld.idx.msk [tilespmem:v44+s16+$0x0], $0xffff;
	v45 =	vor.u32 v0, v32  }
0x4c1: {  	v46 =	vor.u32 v3, v34;
	_ =	sdelay $0x3  }
0x4c2: {  	[tilespmem:v45+s21+$0x0] =	vst.idx.msk $0xffff, v33  }
0x4c3: {  	v47 =	vor.u32 v2, v32;
	v33 =	vld.idx.msk [tilespmem:v46+s16+$0x0], $0xffff  }
0x4c4: {  	v48 =	vor.u32 v5, v34;
	_ =	sdelay $0x3  }
0x4c5: {  	[tilespmem:v47+s21+$0x0] =	vst.idx.msk $0xffff, v33  }
0x4c6: {  	v49 =	vor.u32 v4, v32;
	v33 =	vld.idx.msk [tilespmem:v48+s16+$0x0], $0xffff  }
0x4c7: {  	v50 =	vor.u32 v7, v34;
	_ =	sdelay $0x3  }
0x4c8: {  	[tilespmem:v49+s21+$0x0] =	vst.idx.msk $0xffff, v33  }
0x4c9: {  	v51 =	vor.u32 v6, v32;
	v33 =	vld.idx.msk [tilespmem:v50+s16+$0x0], $0xffff  }
0x4ca: {  	v52 =	vor.u32 v9, v34;
	_ =	sdelay $0x3  }
0x4cb: {  	[tilespmem:v51+s21+$0x0] =	vst.idx.msk $0xffff, v33  }
0x4cc: {  	v53 =	vor.u32 v8, v32;
	v33 =	vld.idx.msk [tilespmem:v52+s16+$0x0], $0xffff  }
0x4cd: {  	v54 =	vor.u32 v11, v34;
	_ =	sdelay $0x3  }
0x4ce: {  	[tilespmem:v53+s21+$0x0] =	vst.idx.msk $0xffff, v33  }
0x4cf: {  	v55 =	vor.u32 v10, v32;
	v33 =	vld.idx.msk [tilespmem:v54+s16+$0x0], $0xffff  }
0x4d0: {  	v56 =	vor.u32 v13, v34;
	_ =	sdelay $0x3  }
0x4d1: {  	[tilespmem:v55+s21+$0x0] =	vst.idx.msk $0xffff, v33  }
0x4d2: {  	v57 =	vor.u32 v12, v32;
	v33 =	vld.idx.msk [tilespmem:v56+s16+$0x0], $0xffff  }
0x4d3: {  	v58 =	vor.u32 v15, v34;
	_ =	sdelay $0x3  }
0x4d4: {  	[tilespmem:v57+s21+$0x0] =	vst.idx.msk $0xffff, v33  }
0x4d5: {  	v59 =	vor.u32 v14, v32;
	v33 =	vld.idx.msk [tilespmem:v58+s16+$0x0], $0xffff  }
0x4d6: {  	v60 =	vor.u32 v17, v34;
	_ =	sdelay $0x3  }
0x4d7: {  	[tilespmem:v59+s21+$0x0] =	vst.idx.msk $0xffff, v33  }
0x4d8: {  	v61 =	vor.u32 v16, v32;
	v33 =	vld.idx.msk [tilespmem:v60+s16+$0x0], $0xffff  }
0x4d9: {  	v62 =	vor.u32 v19, v34;
	_ =	sdelay $0x3  }
0x4da: {  	[tilespmem:v61+s21+$0x0] =	vst.idx.msk $0xffff, v33  }
0x4db: {  	v63 =	vor.u32 v18, v32;
	v33 =	vld.idx.msk [tilespmem:v62+s16+$0x0], $0xffff  }
0x4dc: {  	v40 =	vor.u32 v21, v34;
	_ =	sdelay $0x3  }
0x4dd: {  	[tilespmem:v63+s21+$0x0] =	vst.idx.msk $0xffff, v33  }
0x4de: {  	v41 =	vor.u32 v20, v32;
	v33 =	vld.idx.msk [tilespmem:v40+s16+$0x0], $0xffff  }
0x4df: {  	v42 =	vor.u32 v23, v34;
	_ =	sdelay $0x3  }
0x4e0: {  	[tilespmem:v41+s21+$0x0] =	vst.idx.msk $0xffff, v33  }
0x4e1: {  	v43 =	vor.u32 v22, v32;
	v33 =	vld.idx.msk [tilespmem:v42+s16+$0x0], $0xffff  }
0x4e2: {  	v44 =	vor.u32 v25, v34;
	_ =	sdelay $0x3  }
0x4e3: {  	[tilespmem:v43+s21+$0x0] =	vst.idx.msk $0xffff, v33  }
0x4e4: {  	v45 =	vor.u32 v24, v32;
	v33 =	vld.idx.msk [tilespmem:v44+s16+$0x0], $0xffff  }
0x4e5: {  	v46 =	vor.u32 v27, v34;
	_ =	sdelay $0x3  }
0x4e6: {  	[tilespmem:v45+s21+$0x0] =	vst.idx.msk $0xffff, v33  }
0x4e7: {  	v47 =	vor.u32 v26, v32;
	v33 =	vld.idx.msk [tilespmem:v46+s16+$0x0], $0xffff  }
0x4e8: {  	v48 =	vor.u32 v29, v34;
	_ =	sdelay $0x3  }
0x4e9: {  	[tilespmem:v47+s21+$0x0] =	vst.idx.msk $0xffff, v33  }
0x4ea: {  	v49 =	vor.u32 v28, v32;
	v33 =	vld.idx.msk [tilespmem:v48+s16+$0x0], $0xffff  }
0x4eb: {  	v34 =	vor.u32 v31, v34;
	_ =	sdelay $0x2  }
0x4ec: {  	s29 =	sadd.s32 $0x2, s26  }
0x4ed: {  	v50 =	vadd.s32 s29, v0;
	[tilespmem:v49+s21+$0x0] =	vst.idx.msk $0xffff, v33  }
0x4ee: {  	v32 =	vor.u32 v30, v32;
	v33 =	vand.u32 $0xF, v50;
	v34 =	vld.idx.msk [tilespmem:v34+s16+$0x0], $0xffff  }
0x4ef: {  	v51 =	vor.u32 v1, v33;
	_ =	sdelay $0x3  }
0x4f0: {  	[tilespmem:v32+s21+$0x0] =	vst.idx.msk $0xffff, v34;
	v32 =	vshll.u32 v33, $0x5  }
0x4f1: {  	v34 =	vld.idx.msk [tilespmem:v51+s16+$0x0], $0xffff;
	v52 =	vor.u32 v0, v32  }
0x4f2: {  	v53 =	vor.u32 v3, v33;
	_ =	sdelay $0x3  }
0x4f3: {  	[tilespmem:v52+s21+$0x0] =	vst.idx.msk $0xffff, v34  }
0x4f4: {  	v54 =	vor.u32 v2, v32;
	v34 =	vld.idx.msk [tilespmem:v53+s16+$0x0], $0xffff  }
0x4f5: {  	v55 =	vor.u32 v5, v33;
	_ =	sdelay $0x3  }
0x4f6: {  	[tilespmem:v54+s21+$0x0] =	vst.idx.msk $0xffff, v34  }
0x4f7: {  	v56 =	vor.u32 v4, v32;
	v34 =	vld.idx.msk [tilespmem:v55+s16+$0x0], $0xffff  }
0x4f8: {  	v57 =	vor.u32 v7, v33;
	_ =	sdelay $0x3  }
0x4f9: {  	[tilespmem:v56+s21+$0x0] =	vst.idx.msk $0xffff, v34  }
0x4fa: {  	v58 =	vor.u32 v6, v32;
	v34 =	vld.idx.msk [tilespmem:v57+s16+$0x0], $0xffff  }
0x4fb: {  	v59 =	vor.u32 v9, v33;
	_ =	sdelay $0x3  }
0x4fc: {  	[tilespmem:v58+s21+$0x0] =	vst.idx.msk $0xffff, v34  }
0x4fd: {  	v60 =	vor.u32 v8, v32;
	v34 =	vld.idx.msk [tilespmem:v59+s16+$0x0], $0xffff  }
0x4fe: {  	v61 =	vor.u32 v11, v33;
	_ =	sdelay $0x3  }
0x4ff: {  	[tilespmem:v60+s21+$0x0] =	vst.idx.msk $0xffff, v34  }
0x500: {  	v62 =	vor.u32 v10, v32;
	v34 =	vld.idx.msk [tilespmem:v61+s16+$0x0], $0xffff  }
0x501: {  	v63 =	vor.u32 v13, v33;
	_ =	sdelay $0x3  }
0x502: {  	[tilespmem:v62+s21+$0x0] =	vst.idx.msk $0xffff, v34  }
0x503: {  	v40 =	vor.u32 v12, v32;
	v34 =	vld.idx.msk [tilespmem:v63+s16+$0x0], $0xffff  }
0x504: {  	v41 =	vor.u32 v15, v33;
	_ =	sdelay $0x3  }
0x505: {  	[tilespmem:v40+s21+$0x0] =	vst.idx.msk $0xffff, v34  }
0x506: {  	v42 =	vor.u32 v14, v32;
	v34 =	vld.idx.msk [tilespmem:v41+s16+$0x0], $0xffff  }
0x507: {  	v43 =	vor.u32 v17, v33;
	_ =	sdelay $0x3  }
0x508: {  	[tilespmem:v42+s21+$0x0] =	vst.idx.msk $0xffff, v34  }
0x509: {  	v44 =	vor.u32 v16, v32;
	v34 =	vld.idx.msk [tilespmem:v43+s16+$0x0], $0xffff  }
0x50a: {  	v45 =	vor.u32 v19, v33;
	_ =	sdelay $0x3  }
0x50b: {  	[tilespmem:v44+s21+$0x0] =	vst.idx.msk $0xffff, v34  }
0x50c: {  	v46 =	vor.u32 v18, v32;
	v34 =	vld.idx.msk [tilespmem:v45+s16+$0x0], $0xffff  }
0x50d: {  	v47 =	vor.u32 v21, v33;
	_ =	sdelay $0x3  }
0x50e: {  	[tilespmem:v46+s21+$0x0] =	vst.idx.msk $0xffff, v34  }
0x50f: {  	v48 =	vor.u32 v20, v32;
	v34 =	vld.idx.msk [tilespmem:v47+s16+$0x0], $0xffff  }
0x510: {  	v49 =	vor.u32 v23, v33;
	_ =	sdelay $0x3  }
0x511: {  	[tilespmem:v48+s21+$0x0] =	vst.idx.msk $0xffff, v34  }
0x512: {  	v50 =	vor.u32 v22, v32;
	v34 =	vld.idx.msk [tilespmem:v49+s16+$0x0], $0xffff  }
0x513: {  	v51 =	vor.u32 v25, v33;
	_ =	sdelay $0x3  }
0x514: {  	[tilespmem:v50+s21+$0x0] =	vst.idx.msk $0xffff, v34  }
0x515: {  	v52 =	vor.u32 v24, v32;
	v34 =	vld.idx.msk [tilespmem:v51+s16+$0x0], $0xffff  }
0x516: {  	v53 =	vor.u32 v27, v33;
	_ =	sdelay $0x3  }
0x517: {  	[tilespmem:v52+s21+$0x0] =	vst.idx.msk $0xffff, v34  }
0x518: {  	v54 =	vor.u32 v26, v32;
	v34 =	vld.idx.msk [tilespmem:v53+s16+$0x0], $0xffff  }
0x519: {  	v55 =	vor.u32 v29, v33;
	_ =	sdelay $0x3  }
0x51a: {  	[tilespmem:v54+s21+$0x0] =	vst.idx.msk $0xffff, v34  }
0x51b: {  	v56 =	vor.u32 v28, v32;
	v34 =	vld.idx.msk [tilespmem:v55+s16+$0x0], $0xffff  }
0x51c: {  	v33 =	vor.u32 v31, v33;
	_ =	sdelay $0x2  }
0x51d: {  	s30 =	sadd.s32 $0x3, s26  }
0x51e: {  	v57 =	vadd.s32 s30, v0;
	[tilespmem:v56+s21+$0x0] =	vst.idx.msk $0xffff, v34  }
0x51f: {  	v32 =	vor.u32 v30, v32;
	v34 =	vand.u32 $0xF, v57;
	v33 =	vld.idx.msk [tilespmem:v33+s16+$0x0], $0xffff  }
0x520: {  	v58 =	vor.u32 v1, v34;
	_ =	sdelay $0x3  }
0x521: {  	[tilespmem:v32+s21+$0x0] =	vst.idx.msk $0xffff, v33;
	v32 =	vshll.u32 v34, $0x5  }
0x522: {  	v33 =	vld.idx.msk [tilespmem:v58+s16+$0x0], $0xffff;
	v59 =	vor.u32 v0, v32  }
0x523: {  	v60 =	vor.u32 v3, v34;
	_ =	sdelay $0x3  }
0x524: {  	[tilespmem:v59+s21+$0x0] =	vst.idx.msk $0xffff, v33  }
0x525: {  	v61 =	vor.u32 v2, v32;
	v33 =	vld.idx.msk [tilespmem:v60+s16+$0x0], $0xffff  }
0x526: {  	v62 =	vor.u32 v5, v34;
	_ =	sdelay $0x3  }
0x527: {  	[tilespmem:v61+s21+$0x0] =	vst.idx.msk $0xffff, v33  }
0x528: {  	v63 =	vor.u32 v4, v32;
	v33 =	vld.idx.msk [tilespmem:v62+s16+$0x0], $0xffff  }
0x529: {  	v40 =	vor.u32 v7, v34;
	_ =	sdelay $0x3  }
0x52a: {  	[tilespmem:v63+s21+$0x0] =	vst.idx.msk $0xffff, v33  }
0x52b: {  	v41 =	vor.u32 v6, v32;
	v33 =	vld.idx.msk [tilespmem:v40+s16+$0x0], $0xffff  }
0x52c: {  	v42 =	vor.u32 v9, v34;
	_ =	sdelay $0x3  }
0x52d: {  	[tilespmem:v41+s21+$0x0] =	vst.idx.msk $0xffff, v33  }
0x52e: {  	v43 =	vor.u32 v8, v32;
	v33 =	vld.idx.msk [tilespmem:v42+s16+$0x0], $0xffff  }
0x52f: {  	v44 =	vor.u32 v11, v34;
	_ =	sdelay $0x3  }
0x530: {  	[tilespmem:v43+s21+$0x0] =	vst.idx.msk $0xffff, v33  }
0x531: {  	v45 =	vor.u32 v10, v32;
	v33 =	vld.idx.msk [tilespmem:v44+s16+$0x0], $0xffff  }
0x532: {  	v46 =	vor.u32 v13, v34;
	_ =	sdelay $0x3  }
0x533: {  	[tilespmem:v45+s21+$0x0] =	vst.idx.msk $0xffff, v33  }
0x534: {  	v47 =	vor.u32 v12, v32;
	v33 =	vld.idx.msk [tilespmem:v46+s16+$0x0], $0xffff  }
0x535: {  	v48 =	vor.u32 v15, v34;
	_ =	sdelay $0x3  }
0x536: {  	[tilespmem:v47+s21+$0x0] =	vst.idx.msk $0xffff, v33  }
0x537: {  	v49 =	vor.u32 v14, v32;
	v33 =	vld.idx.msk [tilespmem:v48+s16+$0x0], $0xffff  }
0x538: {  	v50 =	vor.u32 v17, v34;
	_ =	sdelay $0x3  }
0x539: {  	[tilespmem:v49+s21+$0x0] =	vst.idx.msk $0xffff, v33  }
0x53a: {  	v51 =	vor.u32 v16, v32;
	v33 =	vld.idx.msk [tilespmem:v50+s16+$0x0], $0xffff  }
0x53b: {  	v52 =	vor.u32 v19, v34;
	_ =	sdelay $0x3  }
0x53c: {  	[tilespmem:v51+s21+$0x0] =	vst.idx.msk $0xffff, v33  }
0x53d: {  	v53 =	vor.u32 v18, v32;
	v33 =	vld.idx.msk [tilespmem:v52+s16+$0x0], $0xffff  }
0x53e: {  	v54 =	vor.u32 v21, v34;
	_ =	sdelay $0x3  }
0x53f: {  	[tilespmem:v53+s21+$0x0] =	vst.idx.msk $0xffff, v33  }
0x540: {  	v55 =	vor.u32 v20, v32;
	v33 =	vld.idx.msk [tilespmem:v54+s16+$0x0], $0xffff  }
0x541: {  	v56 =	vor.u32 v23, v34;
	_ =	sdelay $0x3  }
0x542: {  	[tilespmem:v55+s21+$0x0] =	vst.idx.msk $0xffff, v33  }
0x543: {  	v57 =	vor.u32 v22, v32;
	v33 =	vld.idx.msk [tilespmem:v56+s16+$0x0], $0xffff  }
0x544: {  	v58 =	vor.u32 v25, v34;
	_ =	sdelay $0x3  }
0x545: {  	[tilespmem:v57+s21+$0x0] =	vst.idx.msk $0xffff, v33  }
0x546: {  	v59 =	vor.u32 v24, v32;
	v33 =	vld.idx.msk [tilespmem:v58+s16+$0x0], $0xffff  }
0x547: {  	v60 =	vor.u32 v27, v34;
	_ =	sdelay $0x3  }
0x548: {  	[tilespmem:v59+s21+$0x0] =	vst.idx.msk $0xffff, v33  }
0x549: {  	v61 =	vor.u32 v26, v32;
	v33 =	vld.idx.msk [tilespmem:v60+s16+$0x0], $0xffff  }
0x54a: {  	v62 =	vor.u32 v29, v34;
	_ =	sdelay $0x3  }
0x54b: {  	[tilespmem:v61+s21+$0x0] =	vst.idx.msk $0xffff, v33  }
0x54c: {  	v63 =	vor.u32 v28, v32;
	v33 =	vld.idx.msk [tilespmem:v62+s16+$0x0], $0xffff  }
0x54d: {  	v34 =	vor.u32 v31, v34;
	_ =	sdelay $0x3  }
0x54e: {  	[tilespmem:v63+s21+$0x0] =	vst.idx.msk $0xffff, v33  }
0x54f: {  	v32 =	vor.u32 v30, v32;
	v33 =	vld.idx.msk [tilespmem:v34+s16+$0x0], $0xffff  }
0x550: {  	p1 =	seq.s32 s24, $0x7A  }
.Ltmp7:
0x551: {  	s31 =	sadd.s32 s25, s10;
	(pc) =	sbr.rel @p1 .LBB2_12-.Ltmp7, $4  }
0x552: {  	s26 =	smin.u32 s31, $0x1E83  }
0x553: {  	s26 =	sshll.u32 s26, $0x9  }
0x554: {  	s26 =	sadd.s32 s4, s26;
	[tilespmem:v32+s21+$0x0] =	vst.idx.msk $0xffff, v33  }
0x555: {  	[hbm4b:s26+s5] =	stream.linear.scatter [tilespmem:s21], [sflag:$0x4], $0x1000, $0x38;
	[tilespmem:$0x4000] =	vst v63  }
.Ltmp8:
0x556: {  	s25 =	sadd.s32 s25, s11;
	(pc) =	sbr.rel .LBB2_2-.Ltmp8, $4  }
0x557: {  	s25 =	smin.u32 s25, $0x1E83  }
0x558: {  	s25 =	sshll.u32 s25, $0x7  }
0x559: {  	s24 =	sadd.s32 $0x1, s24;
	s25 =	sadd.s32 s1, s25  }
0x55a: {  	[tilespmem:s16], [sflag:$0x2] =	stream.strided.gather [hbm4b:s25+s14], $0x1000, s15, s14, $0x38;
	[tilespmem:$0x4000] =	vst v63  }
.LBB2_13:
0x55b: {  	_ =	sfence.sel $0x180000  }
0x55c: {  	[bflag:$0x0] =	sbarrier.arrive $0xFFFF  }
0x55d: {  	p0 =	sne.s32 s0, $0x0;
	_ =	strace $0x90000047  }
0x55e: {  	s0 =	sadd.s32 @!p0 $0x100000, s3;
	[bflag:$0x2] =	sbarrier.arrive $0xFFFF  }
0x55f: {  	[sflag:s0] =	ssyncadd.tile.s32 @!p0 $0x1;
	_ =	shalt  }
.Lfunc_end2:
_tile_overlayer_lowered:
.L_overlay_start_2:
0x560: {  	(tag) =	ssettag $0x2  }
0x561: {  	s0 =	rddreg [dreg:$0x0];
	s2 =	stileid.u32  }
0x562: {  	s1 =	rddreg [dreg:$0x1];
	p0 =	sne.s32 s2, $0x0  }
0x563: {  	s3 =	rddreg [dreg:$0x2];
	[bflag:$0x3] =	sbarrier.arrive $0xFFFF;
	s2 =	simm.s32 @!p0 $0x1C05  }
0x564: {  	[timem:s3], [sflag:s2] =	dma.local @!p0 [hbm:s0], s1  }
0x565: {  	s0 =	simm.s32 @!p0 $0x5  }
0x566: {  	_ =	swait.ge @!p0 [sflag:s0], s1  }
0x567: {  	s1 =	ssub.s32 @!p0 $0x0, s1;
	[sflag:s0] =	ssyncset.done @!p0 $0x0  }
0x568: {  	[sflag:s0] =	ssyncadd.s32 @!p0 s1  }
0x569: {  	[bflag:$0x3] =	sbarrier.arrive $0xFFFF  }
0x56a: {  	_ =	shalt  }

</sc_bundles>
